<compile_context>
chip_gen: v7x
topology: tpu7x:2x2x1
jax: 0.10.2.dev20260603
libtpu: 0.0.44.dev20260713+nightly
codegen_flags: <defaults>
</compile_context>

<pallas_src>
import functools

import jax
import jax.numpy as jnp
from jax import lax
from jax.experimental import pallas as pl
from jax.experimental.pallas import tpu as pltpu
from jax.experimental.pallas import tpu_sc as plsc

_NC = 2
_NS = 16
_LANES = 16


@functools.lru_cache(maxsize=None)
def _build(B, S, R, Wd):
    NW = _NC * _NS
    rows_pw = (B * S) // NW
    wpb = NW // B
    nchunk = 4
    chunk = rows_pw // nchunk
    assert B * R == 2 * _LANES and rows_pw * wpb * B == B * S

    mesh = plsc.VectorSubcoreMesh(core_axis_name="c", subcore_axis_name="s")

    @functools.partial(
        pl.kernel,
        mesh=mesh,
        out_type=jax.ShapeDtypeStruct((B * S, Wd), jnp.float32),
        scratch_types=[
            pltpu.VMEM((B * R,), jnp.float32),
            pltpu.VMEM((2, chunk, Wd + 64), jnp.float32),
            pltpu.VMEM((2, chunk, Wd), jnp.float32),
            pltpu.SemaphoreType.DMA,
            pltpu.SemaphoreType.DMA,
            pltpu.SemaphoreType.DMA,
            pltpu.SemaphoreType.DMA,
        ],
    )
    def run(tbl_hbm, routing_hbm, out_hbm, rout_v, win_v, outb_v,
            g0, g1, w0, w1):
        gsems = (g0, g1)
        wsems = (w0, w1)
        wid = lax.axis_index("s") * _NC + lax.axis_index("c")
        b = wid // wpb

        pltpu.sync_copy(routing_hbm, rout_v)
        per = _LANES // R
        vv = jnp.where(b < per, rout_v[pl.ds(0, _LANES)],
                       rout_v[pl.ds(_LANES, _LANES)])
        lanes = [vv[k] for k in range(_LANES)]
        lo = b % per
        logit = []
        for j in range(R):
            s = lanes[(per - 1) * R + j]
            for q in range(per - 2, -1, -1):
                s = jnp.where(lo == q, lanes[q * R + j], s)
            logit.append(s)
        best = logit[0]
        route = jnp.int32(0)
        for j in range(1, R):
            better = logit[j] > best
            route = jnp.where(better, jnp.int32(j), route)
            best = jnp.where(better, logit[j], best)

        rowbase = wid * rows_pw
        sh = pl.multiple_of(64 * (route & 1), 64)
        col0 = pl.multiple_of(route * Wd - sh, 128)

        def in_copy(k):
            p = k % 2
            r0 = rowbase + k * chunk
            return pltpu.make_async_copy(
                tbl_hbm.at[pl.ds(r0, chunk), pl.ds(col0, Wd + 64)],
                win_v.at[p], gsems[p])

        def issue_in(k):
            in_copy(k).start()

        def wait_in(k):
            in_copy(k).wait()
            p = k % 2

            @plsc.parallel_loop(0, chunk, 1, unroll=4)
            def _shift(i):
                for c in range(Wd // _LANES):
                    outb_v[p, i, pl.ds(c * _LANES, _LANES)] = (
                        win_v[p, i, pl.ds(sh + c * _LANES, _LANES)])

        def out_copy(k):
            p = k % 2
            return pltpu.make_async_copy(
                outb_v.at[p],
                out_hbm.at[pl.ds(rowbase + k * chunk, chunk)], wsems[p])

        issue_in(0)
        issue_in(1)
        wait_in(0)
        out_copy(0).start()
        wait_in(1)
        out_copy(1).start()
        out_copy(0).wait()
        issue_in(2)
        wait_in(2)
        out_copy(2).start()
        out_copy(1).wait()
        issue_in(3)
        wait_in(3)
        out_copy(3).start()
        out_copy(2).wait()
        out_copy(3).wait()

    return run


def kernel(inputs, routing_x):
    B, H, W, C = inputs.shape
    R = routing_x.shape[-1]
    Wd = C // R
    S = H * W
    tbl = inputs.reshape(B * S, C)
    out = _build(B, S, R, Wd)(tbl, routing_x.reshape(B * R))
    return out.reshape(B, H, W, Wd)

# --- scband reference (transcript-rebuilt; emitter-appended) ---
"""Pipeline reference for scband-routing-block-30640296689903 (READ-ONLY COPY).

The authoritative reference and input builder live on the scoring server;
editing this copy changes nothing except your own understanding.
"""

import jax, jax.numpy as jnp
import numpy as np

ROUTES = 4

def setup_inputs(seed: int = 0) -> dict:
    key = jax.random.key(seed)
    k1, k2 = jax.random.split(key)
    inputs = jax.random.normal(k1, (8, 32, 32, 768), dtype=jnp.float32)
    routing_x = jax.random.normal(k2, (8, ROUTES), dtype=jnp.float32)
    return {"inputs": inputs, "routing_x": routing_x}

def reference(inputs, routing_x):
    # Faithful translation of RoutingBlock.choose_route:
    #   route = argmax(routing_x) -> one_hot -> channel mask (each route owns a
    #   contiguous block of route_width channels, via tf.repeat on axis 1) ->
    #   gather_nd(where mask==1) -> reshape to [B, H, W, route_width].
    # The mask construction selects, per batch element, the contiguous channel
    # slice [route*route_width : (route+1)*route_width]; we express the
    # gather_nd + reshape with an equivalent take_along_axis gather.
    routes = routing_x.shape[-1]
    route_width = inputs.shape[-1] // routes
    route = jnp.argmax(routing_x, axis=-1)                       # [B]
    onehot = jax.nn.one_hot(route, routes, dtype=inputs.dtype)   # [B, routes]
    # tf.repeat(onehot, route_width, axis=1) -> [B, C] channel mask; the ones
    # are exactly the contiguous block starting at route*route_width.
    idx = route[:, None] * route_width + jnp.arange(route_width)[None, :]  # [B, route_width]
    x = jnp.take_along_axis(inputs, idx[:, None, None, :], axis=3)
    x = jnp.reshape(x, (-1, inputs.shape[1], inputs.shape[2], route_width))
    return x

if __name__ == "__main__":
    import jax
    _d = setup_inputs()
    print(jax.jit(kernel)(*tuple(_d.values())))

</pallas_src>

<mosaic_0001>
#map = affine_map<(d0, d1) -> (0, 0)>
#map1 = affine_map<(d0, d1) -> (0)>
module attributes {stable_mosaic.version = 14 : i64} {
  func.func @run(%arg0: i32, %arg1: i32, %arg2: memref<8192x768xf32, #tpu.memory_space<hbm>>, %arg3: memref<32xf32, #tpu.memory_space<hbm>>, %arg4: memref<8192x192xf32, #tpu.memory_space<hbm>>, %arg5: memref<32xf32, #tpu.memory_space<vmem>>, %arg6: memref<2x64x256xf32, #tpu.memory_space<vmem>>, %arg7: memref<2x64x192xf32, #tpu.memory_space<vmem>>, %arg8: memref<!tpu.dma_semaphore, #tpu.memory_space<semaphore_mem>>, %arg9: memref<!tpu.dma_semaphore, #tpu.memory_space<semaphore_mem>>, %arg10: memref<!tpu.dma_semaphore, #tpu.memory_space<semaphore_mem>>, %arg11: memref<!tpu.dma_semaphore, #tpu.memory_space<semaphore_mem>>) attributes {dimension_semantics = [#tpu.dimension_semantics<core_parallel>, #tpu.dimension_semantics<subcore_parallel>], iteration_bounds = array<i64: 2, 16>, scalar_prefetch = 0 : i64, scratch_operands = 7 : i64, tpu.core_type = #tpu.core_type<sc_vector_subcore>, window_params = [{transform_indices = #map}, {transform_indices = #map1}, {transform_indices = #map}]} {
    %mul3A = arith.constant 2 : i32
    %mul3A_0 = arith.muli %arg1, %mul3A : i32
    %add3A = arith.addi %mul3A_0, %arg0 : i32
    %jit3A = arith.constant 4 : i32
    %div3A = arith.divsi %add3A, %jit3A : i32
    %sign3A = arith.constant 0 : i32
    %sign3A_1 = arith.cmpi sgt, %add3A, %sign3A : i32
    %sign3A_2 = arith.extui %sign3A_1 : i1 to i32
    %sign3A_3 = arith.constant 0 : i32
    %sign3A_4 = arith.cmpi slt, %add3A, %sign3A_3 : i32
    %sign3A_5 = arith.extui %sign3A_4 : i1 to i32
    %sign3A_6 = arith.subi %sign3A_2, %sign3A_5 : i32
    %sign3A_7 = arith.constant 0 : i32
    %sign3A_8 = arith.cmpi sgt, %jit3A, %sign3A_7 : i32
    %sign3A_9 = arith.extui %sign3A_8 : i1 to i32
    %sign3A_10 = arith.constant 0 : i32
    %sign3A_11 = arith.cmpi slt, %jit3A, %sign3A_10 : i32
    %sign3A_12 = arith.extui %sign3A_11 : i1 to i32
    %sign3A_13 = arith.subi %sign3A_9, %sign3A_12 : i32
    %ne3A = arith.cmpi ne, %sign3A_6, %sign3A_13 : i32
    %rem3A = arith.remsi %add3A, %jit3A : i32
    %ne3A_14 = arith.constant 0 : i32
    %ne3A_15 = arith.cmpi ne, %rem3A, %ne3A_14 : i32
    %and3A = arith.andi %ne3A, %ne3A_15 : i1
    %sub3A = arith.constant 1 : i32
    %sub3A_16 = arith.subi %div3A, %sub3A : i32
    %select_n3A = arith.select %and3A, %sub3A_16, %div3A : i32
    "tpu.region"() ({
      %run_scoped3A = tpu.sem_alloc : memref<!tpu.dma_semaphore, #tpu.memory_space<semaphore_mem>>
      tpu.enqueue_dma source(%arg3 : memref<32xf32, #tpu.memory_space<hbm>>) target(%arg5 : memref<32xf32, #tpu.memory_space<vmem>>) target_semaphore(%run_scoped3A : memref<!tpu.dma_semaphore, #tpu.memory_space<semaphore_mem>>)
      tpu.wait_dma2 semaphore(%run_scoped3A : memref<!tpu.dma_semaphore, #tpu.memory_space<semaphore_mem>>) src(%arg3 : memref<32xf32, #tpu.memory_space<hbm>>) dst(%arg5 : memref<32xf32, #tpu.memory_space<vmem>>)
      tpu.yield
    }) : () -> ()
    %lt3A = arith.constant 4 : i32
    %lt3A_17 = arith.cmpi slt, %select_n3A, %lt3A : i32
    %get3A = arith.constant 0 : index
    %get3A_18 = tpu.vector_load %arg5[%get3A] {strides = array<i32>} : memref<32xf32, #tpu.memory_space<vmem>>, vector<16xf32>,
    %get3A_19 = vector.shape_cast %get3A_18 : vector<16xf32> to vector<16xf32>
    %get3A_20 = arith.constant 16 : index
    %get3A_21 = tpu.vector_load %arg5[%get3A_20] {strides = array<i32>} : memref<32xf32, #tpu.memory_space<vmem>>, vector<16xf32>,
    %get3A_22 = vector.shape_cast %get3A_21 : vector<16xf32> to vector<16xf32>
    %select_n3A_23 = arith.select %lt3A_17, %get3A_19, %get3A_22 : vector<16xf32>
    %slice3A = vector.extract_strided_slice %select_n3A_23 {offsets = [0], sizes = [1], strides = [1]} : vector<16xf32> to vector<1xf32>
    %squeeze3A = vector.extract %slice3A[0] : f32 from vector<1xf32>
    %slice3A_24 = vector.extract_strided_slice %select_n3A_23 {offsets = [1], sizes = [1], strides = [1]} : vector<16xf32> to vector<1xf32>
    %squeeze3A_25 = vector.extract %slice3A_24[0] : f32 from vector<1xf32>
    %slice3A_26 = vector.extract_strided_slice %select_n3A_23 {offsets = [2], sizes = [1], strides = [1]} : vector<16xf32> to vector<1xf32>
    %squeeze3A_27 = vector.extract %slice3A_26[0] : f32 from vector<1xf32>
    %slice3A_28 = vector.extract_strided_slice %select_n3A_23 {offsets = [3], sizes = [1], strides = [1]} : vector<16xf32> to vector<1xf32>
    %squeeze3A_29 = vector.extract %slice3A_28[0] : f32 from vector<1xf32>
    %slice3A_30 = vector.extract_strided_slice %select_n3A_23 {offsets = [4], sizes = [1], strides = [1]} : vector<16xf32> to vector<1xf32>
    %squeeze3A_31 = vector.extract %slice3A_30[0] : f32 from vector<1xf32>
    %slice3A_32 = vector.extract_strided_slice %select_n3A_23 {offsets = [5], sizes = [1], strides = [1]} : vector<16xf32> to vector<1xf32>
    %squeeze3A_33 = vector.extract %slice3A_32[0] : f32 from vector<1xf32>
    %slice3A_34 = vector.extract_strided_slice %select_n3A_23 {offsets = [6], sizes = [1], strides = [1]} : vector<16xf32> to vector<1xf32>
    %squeeze3A_35 = vector.extract %slice3A_34[0] : f32 from vector<1xf32>
    %slice3A_36 = vector.extract_strided_slice %select_n3A_23 {offsets = [7], sizes = [1], strides = [1]} : vector<16xf32> to vector<1xf32>
    %squeeze3A_37 = vector.extract %slice3A_36[0] : f32 from vector<1xf32>
    %slice3A_38 = vector.extract_strided_slice %select_n3A_23 {offsets = [8], sizes = [1], strides = [1]} : vector<16xf32> to vector<1xf32>
    %squeeze3A_39 = vector.extract %slice3A_38[0] : f32 from vector<1xf32>
    %slice3A_40 = vector.extract_strided_slice %select_n3A_23 {offsets = [9], sizes = [1], strides = [1]} : vector<16xf32> to vector<1xf32>
    %squeeze3A_41 = vector.extract %slice3A_40[0] : f32 from vector<1xf32>
    %slice3A_42 = vector.extract_strided_slice %select_n3A_23 {offsets = [10], sizes = [1], strides = [1]} : vector<16xf32> to vector<1xf32>
    %squeeze3A_43 = vector.extract %slice3A_42[0] : f32 from vector<1xf32>
    %slice3A_44 = vector.extract_strided_slice %select_n3A_23 {offsets = [11], sizes = [1], strides = [1]} : vector<16xf32> to vector<1xf32>
    %squeeze3A_45 = vector.extract %slice3A_44[0] : f32 from vector<1xf32>
    %slice3A_46 = vector.extract_strided_slice %select_n3A_23 {offsets = [12], sizes = [1], strides = [1]} : vector<16xf32> to vector<1xf32>
    %squeeze3A_47 = vector.extract %slice3A_46[0] : f32 from vector<1xf32>
    %slice3A_48 = vector.extract_strided_slice %select_n3A_23 {offsets = [13], sizes = [1], strides = [1]} : vector<16xf32> to vector<1xf32>
    %squeeze3A_49 = vector.extract %slice3A_48[0] : f32 from vector<1xf32>
    %slice3A_50 = vector.extract_strided_slice %select_n3A_23 {offsets = [14], sizes = [1], strides = [1]} : vector<16xf32> to vector<1xf32>
    %squeeze3A_51 = vector.extract %slice3A_50[0] : f32 from vector<1xf32>
    %slice3A_52 = vector.extract_strided_slice %select_n3A_23 {offsets = [15], sizes = [1], strides = [1]} : vector<16xf32> to vector<1xf32>
    %squeeze3A_53 = vector.extract %slice3A_52[0] : f32 from vector<1xf32>
    %jit3A_54 = arith.constant 4 : i32
    %eq3A = arith.constant 0 : i32
    %eq3A_55 = arith.cmpi eq, %jit3A_54, %eq3A : i32
    %jit3A_56 = arith.constant 1 : i32
    %select_n3A_57 = arith.select %eq3A_55, %jit3A_56, %jit3A_54 : i32
    %rem3A_58 = arith.remsi %select_n3A, %select_n3A_57 : i32
    %ne3A_59 = arith.constant 0 : i32
    %ne3A_60 = arith.cmpi ne, %rem3A_58, %ne3A_59 : i32
    %lt3A_61 = arith.constant 0 : i32
    %lt3A_62 = arith.cmpi slt, %rem3A_58, %lt3A_61 : i32
    %lt3A_63 = arith.constant 0 : i32
    %lt3A_64 = arith.cmpi slt, %select_n3A_57, %lt3A_63 : i32
    %ne3A_65 = arith.xori %lt3A_62, %lt3A_64 : i1
    %and3A_66 = arith.andi %ne3A_65, %ne3A_60 : i1
    %add3A_67 = arith.addi %rem3A_58, %select_n3A_57 : i32
    %select_n3A_68 = arith.select %and3A_66, %add3A_67, %rem3A_58 : i32
    %eq3A_69 = arith.constant 2 : i32
    %eq3A_70 = arith.cmpi eq, %select_n3A_68, %eq3A_69 : i32
    %select_n3A_71 = arith.select %eq3A_70, %squeeze3A_39, %squeeze3A_47 : f32
    %eq3A_72 = arith.constant 1 : i32
    %eq3A_73 = arith.cmpi eq, %select_n3A_68, %eq3A_72 : i32
    %select_n3A_74 = arith.select %eq3A_73, %squeeze3A_31, %select_n3A_71 : f32
    %eq3A_75 = arith.constant 0 : i32
    %eq3A_76 = arith.cmpi eq, %select_n3A_68, %eq3A_75 : i32
    %select_n3A_77 = arith.select %eq3A_76, %squeeze3A, %select_n3A_74 : f32
    %eq3A_78 = arith.constant 2 : i32
    %eq3A_79 = arith.cmpi eq, %select_n3A_68, %eq3A_78 : i32
    %select_n3A_80 = arith.select %eq3A_79, %squeeze3A_41, %squeeze3A_49 : f32
    %eq3A_81 = arith.constant 1 : i32
    %eq3A_82 = arith.cmpi eq, %select_n3A_68, %eq3A_81 : i32
    %select_n3A_83 = arith.select %eq3A_82, %squeeze3A_33, %select_n3A_80 : f32
    %eq3A_84 = arith.constant 0 : i32
    %eq3A_85 = arith.cmpi eq, %select_n3A_68, %eq3A_84 : i32
    %select_n3A_86 = arith.select %eq3A_85, %squeeze3A_25, %select_n3A_83 : f32
    %eq3A_87 = arith.constant 2 : i32
    %eq3A_88 = arith.cmpi eq, %select_n3A_68, %eq3A_87 : i32
    %select_n3A_89 = arith.select %eq3A_88, %squeeze3A_43, %squeeze3A_51 : f32
    %eq3A_90 = arith.constant 1 : i32
    %eq3A_91 = arith.cmpi eq, %select_n3A_68, %eq3A_90 : i32
    %select_n3A_92 = arith.select %eq3A_91, %squeeze3A_35, %select_n3A_89 : f32
    %eq3A_93 = arith.constant 0 : i32
    %eq3A_94 = arith.cmpi eq, %select_n3A_68, %eq3A_93 : i32
    %select_n3A_95 = arith.select %eq3A_94, %squeeze3A_27, %select_n3A_92 : f32
    %eq3A_96 = arith.constant 2 : i32
    %eq3A_97 = arith.cmpi eq, %select_n3A_68, %eq3A_96 : i32
    %select_n3A_98 = arith.select %eq3A_97, %squeeze3A_45, %squeeze3A_53 : f32
    %eq3A_99 = arith.constant 1 : i32
    %eq3A_100 = arith.cmpi eq, %select_n3A_68, %eq3A_99 : i32
    %select_n3A_101 = arith.select %eq3A_100, %squeeze3A_37, %select_n3A_98 : f32
    %eq3A_102 = arith.constant 0 : i32
    %eq3A_103 = arith.cmpi eq, %select_n3A_68, %eq3A_102 : i32
    %select_n3A_104 = arith.select %eq3A_103, %squeeze3A_29, %select_n3A_101 : f32
    %gt3A = arith.cmpf ogt, %select_n3A_86, %select_n3A_77 : f32
    %jit3A_105 = arith.constant 1 : i32
    %jit3A_106 = arith.constant 0 : i32
    %select_n3A_107 = arith.select %gt3A, %jit3A_105, %jit3A_106 : i32
    %select_n3A_108 = arith.select %gt3A, %select_n3A_86, %select_n3A_77 : f32
    %gt3A_109 = arith.cmpf ogt, %select_n3A_95, %select_n3A_108 : f32
    %jit3A_110 = arith.constant 2 : i32
    %select_n3A_111 = arith.select %gt3A_109, %jit3A_110, %select_n3A_107 : i32
    %select_n3A_112 = arith.select %gt3A_109, %select_n3A_95, %select_n3A_108 : f32
    %gt3A_113 = arith.cmpf ogt, %select_n3A_104, %select_n3A_112 : f32
    %jit3A_114 = arith.constant 3 : i32
    %select_n3A_115 = arith.select %gt3A_113, %jit3A_114, %select_n3A_111 : i32
    %select_n3A_116 = arith.select %gt3A_113, %select_n3A_104, %select_n3A_112 : f32
    %mul3A_117 = arith.constant 256 : i32
    %mul3A_118 = arith.muli %add3A, %mul3A_117 : i32
    %and3A_119 = arith.constant 1 : i32
    %and3A_120 = arith.andi %select_n3A_115, %and3A_119 : i32
    %mul3A_121 = arith.constant 64 : i32
    %mul3A_122 = arith.muli %mul3A_121, %and3A_120 : i32
    %multiple_of3A = tpu.assume_multiple %mul3A_122, 64 : i32
    %mul3A_123 = arith.constant 192 : i32
    %mul3A_124 = arith.muli %select_n3A_115, %mul3A_123 : i32
    %sub3A_125 = arith.subi %mul3A_124, %multiple_of3A : i32
    %multiple_of3A_126 = tpu.assume_multiple %sub3A_125, 128 : i32
    %add3A_127 = arith.constant 0 : i32
    %add3A_128 = arith.addi %mul3A_118, %add3A_127 : i32
    %dma_start3A = arith.constant 0 : i32
    %dma_start3A_129 = arith.constant 0 : i32
    %dma_start3A_130 = arith.constant 0 : i32
    %dma_start3A_131 = tpu.memref_slice %arg6[%dma_start3A, %dma_start3A_129, %dma_start3A_130] : memref<2x64x256xf32, #tpu.memory_space<vmem>> -> memref<1x64x256xf32, #tpu.memory_space<vmem>>
    %dma_start3A_132 = tpu.memref_squeeze %dma_start3A_131 : memref<1x64x256xf32, #tpu.memory_space<vmem>> -> memref<64x256xf32, #tpu.memory_space<vmem>>
    %dma_start3A_133 = tpu.memref_slice %arg2[%add3A_128, %multiple_of3A_126] : memref<8192x768xf32, #tpu.memory_space<hbm>> -> memref<64x256xf32, #tpu.memory_space<hbm>>
    %dma_start3A_134 = arith.constant 0 : i32
    %dma_start3A_135 = arith.constant 0 : i32
    %dma_start3A_136 = tpu.memref_slice %arg6[%dma_start3A, %dma_start3A_134, %dma_start3A_135] : memref<2x64x256xf32, #tpu.memory_space<vmem>> -> memref<1x64x256xf32, #tpu.memory_space<vmem>>
    %dma_start3A_137 = tpu.memref_squeeze %dma_start3A_136 : memref<1x64x256xf32, #tpu.memory_space<vmem>> -> memref<64x256xf32, #tpu.memory_space<vmem>>
    %dma_start3A_138 = tpu.memref_slice %arg2[%add3A_128, %multiple_of3A_126] : memref<8192x768xf32, #tpu.memory_space<hbm>> -> memref<64x256xf32, #tpu.memory_space<hbm>>
    tpu.enqueue_dma source(%dma_start3A_138 : memref<64x256xf32, #tpu.memory_space<hbm>>) target(%dma_start3A_137 : memref<64x256xf32, #tpu.memory_space<vmem>>) target_semaphore(%arg8 : memref<!tpu.dma_semaphore, #tpu.memory_space<semaphore_mem>>)
    %add3A_139 = arith.constant 64 : i32
    %add3A_140 = arith.addi %mul3A_118, %add3A_139 : i32
    %dma_start3A_141 = arith.constant 1 : i32
    %dma_start3A_142 = arith.constant 0 : i32
    %dma_start3A_143 = arith.constant 0 : i32
    %dma_start3A_144 = tpu.memref_slice %arg6[%dma_start3A_141, %dma_start3A_142, %dma_start3A_143] : memref<2x64x256xf32, #tpu.memory_space<vmem>> -> memref<1x64x256xf32, #tpu.memory_space<vmem>>
    %dma_start3A_145 = tpu.memref_squeeze %dma_start3A_144 : memref<1x64x256xf32, #tpu.memory_space<vmem>> -> memref<64x256xf32, #tpu.memory_space<vmem>>
    %dma_start3A_146 = tpu.memref_slice %arg2[%add3A_140, %multiple_of3A_126] : memref<8192x768xf32, #tpu.memory_space<hbm>> -> memref<64x256xf32, #tpu.memory_space<hbm>>
    %dma_start3A_147 = arith.constant 0 : i32
    %dma_start3A_148 = arith.constant 0 : i32
    %dma_start3A_149 = tpu.memref_slice %arg6[%dma_start3A_141, %dma_start3A_147, %dma_start3A_148] : memref<2x64x256xf32, #tpu.memory_space<vmem>> -> memref<1x64x256xf32, #tpu.memory_space<vmem>>
    %dma_start3A_150 = tpu.memref_squeeze %dma_start3A_149 : memref<1x64x256xf32, #tpu.memory_space<vmem>> -> memref<64x256xf32, #tpu.memory_space<vmem>>
    %dma_start3A_151 = tpu.memref_slice %arg2[%add3A_140, %multiple_of3A_126] : memref<8192x768xf32, #tpu.memory_space<hbm>> -> memref<64x256xf32, #tpu.memory_space<hbm>>
    tpu.enqueue_dma source(%dma_start3A_151 : memref<64x256xf32, #tpu.memory_space<hbm>>) target(%dma_start3A_150 : memref<64x256xf32, #tpu.memory_space<vmem>>) target_semaphore(%arg9 : memref<!tpu.dma_semaphore, #tpu.memory_space<semaphore_mem>>)
    %add3A_152 = arith.constant 0 : i32
    %add3A_153 = arith.addi %mul3A_118, %add3A_152 : i32
    %dma_wait3A = arith.constant 0 : i32
    %dma_wait3A_154 = arith.constant 0 : i32
    %dma_wait3A_155 = arith.constant 0 : i32
    %dma_wait3A_156 = tpu.memref_slice %arg6[%dma_wait3A, %dma_wait3A_154, %dma_wait3A_155] : memref<2x64x256xf32, #tpu.memory_space<vmem>> -> memref<1x64x256xf32, #tpu.memory_space<vmem>>
    %dma_wait3A_157 = tpu.memref_squeeze %dma_wait3A_156 : memref<1x64x256xf32, #tpu.memory_space<vmem>> -> memref<64x256xf32, #tpu.memory_space<vmem>>
    %dma_wait3A_158 = tpu.memref_slice %arg2[%add3A_153, %multiple_of3A_126] : memref<8192x768xf32, #tpu.memory_space<hbm>> -> memref<64x256xf32, #tpu.memory_space<hbm>>
    %dma_wait3A_159 = arith.constant 0 : i32
    %dma_wait3A_160 = arith.constant 0 : i32
    %dma_wait3A_161 = tpu.memref_slice %arg6[%dma_wait3A, %dma_wait3A_159, %dma_wait3A_160] : memref<2x64x256xf32, #tpu.memory_space<vmem>> -> memref<1x64x256xf32, #tpu.memory_space<vmem>>
    %dma_wait3A_162 = tpu.memref_squeeze %dma_wait3A_161 : memref<1x64x256xf32, #tpu.memory_space<vmem>> -> memref<64x256xf32, #tpu.memory_space<vmem>>
    %dma_wait3A_163 = tpu.memref_slice %arg2[%add3A_153, %multiple_of3A_126] : memref<8192x768xf32, #tpu.memory_space<hbm>> -> memref<64x256xf32, #tpu.memory_space<hbm>>
    tpu.wait_dma2 semaphore(%arg8 : memref<!tpu.dma_semaphore, #tpu.memory_space<semaphore_mem>>) src(%dma_wait3A_163 : memref<64x256xf32, #tpu.memory_space<hbm>>) dst(%dma_wait3A_162 : memref<64x256xf32, #tpu.memory_space<vmem>>)
    %parallel_loop3A = arith.constant 0 : i32
    %parallel_loop3A_164 = arith.constant 64 : i32
    %parallel_loop3A_165 = arith.constant 1 : i32
    scf.for %parallel_loop3A_360 = %parallel_loop3A to %parallel_loop3A_164 step %parallel_loop3A_165  : i32 {
      %parallel_loop3A_361 = arith.constant 0 : i32
      %parallel_loop3A_362 = arith.addi %multiple_of3A, %parallel_loop3A_361 : i32
      %parallel_loop3A_363 = arith.constant 0 : i32
      %parallel_loop3A_364 = arith.index_cast %parallel_loop3A_363 : i32 to index
      %parallel_loop3A_365 = arith.index_cast %parallel_loop3A_360 : i32 to index
      %parallel_loop3A_366 = arith.index_cast %parallel_loop3A_362 : i32 to index
      %parallel_loop3A_367 = tpu.vector_load %arg6[%parallel_loop3A_364, %parallel_loop3A_365, %parallel_loop3A_366] {strides = array<i32>} : memref<2x64x256xf32, #tpu.memory_space<vmem>>, vector<1x1x16xf32>,
      %parallel_loop3A_368 = vector.shape_cast %parallel_loop3A_367 : vector<1x1x16xf32> to vector<16xf32>
      %parallel_loop3A_369 = arith.constant 0 : i32
      %parallel_loop3A_370 = arith.index_cast %parallel_loop3A_369 : i32 to index
      %parallel_loop3A_371 = arith.index_cast %parallel_loop3A_360 : i32 to index
      %parallel_loop3A_372 = arith.constant 0 : index
      %parallel_loop3A_373 = tpu.vector_load %arg7[%parallel_loop3A_370, %parallel_loop3A_371, %parallel_loop3A_372] {strides = array<i32>} : memref<2x64x192xf32, #tpu.memory_space<vmem>>, vector<1x1x16xf32>,
      %parallel_loop3A_374 = vector.shape_cast %parallel_loop3A_373 : vector<1x1x16xf32> to vector<16xf32>
      %parallel_loop3A_375 = vector.shape_cast %parallel_loop3A_368 : vector<16xf32> to vector<1x1x16xf32>
      tpu.vector_store %arg7[%parallel_loop3A_370, %parallel_loop3A_371, %parallel_loop3A_372], %parallel_loop3A_375 {strides = array<i32>} : memref<2x64x192xf32, #tpu.memory_space<vmem>>, vector<1x1x16xf32>,
      %parallel_loop3A_376 = arith.constant 16 : i32
      %parallel_loop3A_377 = arith.addi %multiple_of3A, %parallel_loop3A_376 : i32
      %parallel_loop3A_378 = arith.constant 0 : i32
      %parallel_loop3A_379 = arith.index_cast %parallel_loop3A_378 : i32 to index
      %parallel_loop3A_380 = arith.index_cast %parallel_loop3A_360 : i32 to index
      %parallel_loop3A_381 = arith.index_cast %parallel_loop3A_377 : i32 to index
      %parallel_loop3A_382 = tpu.vector_load %arg6[%parallel_loop3A_379, %parallel_loop3A_380, %parallel_loop3A_381] {strides = array<i32>} : memref<2x64x256xf32, #tpu.memory_space<vmem>>, vector<1x1x16xf32>,
      %parallel_loop3A_383 = vector.shape_cast %parallel_loop3A_382 : vector<1x1x16xf32> to vector<16xf32>
      %parallel_loop3A_384 = arith.constant 0 : i32
      %parallel_loop3A_385 = arith.index_cast %parallel_loop3A_384 : i32 to index
      %parallel_loop3A_386 = arith.index_cast %parallel_loop3A_360 : i32 to index
      %parallel_loop3A_387 = arith.constant 16 : index
      %parallel_loop3A_388 = tpu.vector_load %arg7[%parallel_loop3A_385, %parallel_loop3A_386, %parallel_loop3A_387] {strides = array<i32>} : memref<2x64x192xf32, #tpu.memory_space<vmem>>, vector<1x1x16xf32>,
      %parallel_loop3A_389 = vector.shape_cast %parallel_loop3A_388 : vector<1x1x16xf32> to vector<16xf32>
      %parallel_loop3A_390 = vector.shape_cast %parallel_loop3A_383 : vector<16xf32> to vector<1x1x16xf32>
      tpu.vector_store %arg7[%parallel_loop3A_385, %parallel_loop3A_386, %parallel_loop3A_387], %parallel_loop3A_390 {strides = array<i32>} : memref<2x64x192xf32, #tpu.memory_space<vmem>>, vector<1x1x16xf32>,
      %parallel_loop3A_391 = arith.constant 32 : i32
      %parallel_loop3A_392 = arith.addi %multiple_of3A, %parallel_loop3A_391 : i32
      %parallel_loop3A_393 = arith.constant 0 : i32
      %parallel_loop3A_394 = arith.index_cast %parallel_loop3A_393 : i32 to index
      %parallel_loop3A_395 = arith.index_cast %parallel_loop3A_360 : i32 to index
      %parallel_loop3A_396 = arith.index_cast %parallel_loop3A_392 : i32 to index
      %parallel_loop3A_397 = tpu.vector_load %arg6[%parallel_loop3A_394, %parallel_loop3A_395, %parallel_loop3A_396] {strides = array<i32>} : memref<2x64x256xf32, #tpu.memory_space<vmem>>, vector<1x1x16xf32>,
      %parallel_loop3A_398 = vector.shape_cast %parallel_loop3A_397 : vector<1x1x16xf32> to vector<16xf32>
      %parallel_loop3A_399 = arith.constant 0 : i32
      %parallel_loop3A_400 = arith.index_cast %parallel_loop3A_399 : i32 to index
      %parallel_loop3A_401 = arith.index_cast %parallel_loop3A_360 : i32 to index
      %parallel_loop3A_402 = arith.constant 32 : index
      %parallel_loop3A_403 = tpu.vector_load %arg7[%parallel_loop3A_400, %parallel_loop3A_401, %parallel_loop3A_402] {strides = array<i32>} : memref<2x64x192xf32, #tpu.memory_space<vmem>>, vector<1x1x16xf32>,
      %parallel_loop3A_404 = vector.shape_cast %parallel_loop3A_403 : vector<1x1x16xf32> to vector<16xf32>
      %parallel_loop3A_405 = vector.shape_cast %parallel_loop3A_398 : vector<16xf32> to vector<1x1x16xf32>
      tpu.vector_store %arg7[%parallel_loop3A_400, %parallel_loop3A_401, %parallel_loop3A_402], %parallel_loop3A_405 {strides = array<i32>} : memref<2x64x192xf32, #tpu.memory_space<vmem>>, vector<1x1x16xf32>,
      %parallel_loop3A_406 = arith.constant 48 : i32
      %parallel_loop3A_407 = arith.addi %multiple_of3A, %parallel_loop3A_406 : i32
      %parallel_loop3A_408 = arith.constant 0 : i32
      %parallel_loop3A_409 = arith.index_cast %parallel_loop3A_408 : i32 to index
      %parallel_loop3A_410 = arith.index_cast %parallel_loop3A_360 : i32 to index
      %parallel_loop3A_411 = arith.index_cast %parallel_loop3A_407 : i32 to index
      %parallel_loop3A_412 = tpu.vector_load %arg6[%parallel_loop3A_409, %parallel_loop3A_410, %parallel_loop3A_411] {strides = array<i32>} : memref<2x64x256xf32, #tpu.memory_space<vmem>>, vector<1x1x16xf32>,
      %parallel_loop3A_413 = vector.shape_cast %parallel_loop3A_412 : vector<1x1x16xf32> to vector<16xf32>
      %parallel_loop3A_414 = arith.constant 0 : i32
      %parallel_loop3A_415 = arith.index_cast %parallel_loop3A_414 : i32 to index
      %parallel_loop3A_416 = arith.index_cast %parallel_loop3A_360 : i32 to index
      %parallel_loop3A_417 = arith.constant 48 : index
      %parallel_loop3A_418 = tpu.vector_load %arg7[%parallel_loop3A_415, %parallel_loop3A_416, %parallel_loop3A_417] {strides = array<i32>} : memref<2x64x192xf32, #tpu.memory_space<vmem>>, vector<1x1x16xf32>,
      %parallel_loop3A_419 = vector.shape_cast %parallel_loop3A_418 : vector<1x1x16xf32> to vector<16xf32>
      %parallel_loop3A_420 = vector.shape_cast %parallel_loop3A_413 : vector<16xf32> to vector<1x1x16xf32>
      tpu.vector_store %arg7[%parallel_loop3A_415, %parallel_loop3A_416, %parallel_loop3A_417], %parallel_loop3A_420 {strides = array<i32>} : memref<2x64x192xf32, #tpu.memory_space<vmem>>, vector<1x1x16xf32>,
      %parallel_loop3A_421 = arith.constant 64 : i32
      %parallel_loop3A_422 = arith.addi %multiple_of3A, %parallel_loop3A_421 : i32
      %parallel_loop3A_423 = arith.constant 0 : i32
      %parallel_loop3A_424 = arith.index_cast %parallel_loop3A_423 : i32 to index
      %parallel_loop3A_425 = arith.index_cast %parallel_loop3A_360 : i32 to index
      %parallel_loop3A_426 = arith.index_cast %parallel_loop3A_422 : i32 to index
      %parallel_loop3A_427 = tpu.vector_load %arg6[%parallel_loop3A_424, %parallel_loop3A_425, %parallel_loop3A_426] {strides = array<i32>} : memref<2x64x256xf32, #tpu.memory_space<vmem>>, vector<1x1x16xf32>,
      %parallel_loop3A_428 = vector.shape_cast %parallel_loop3A_427 : vector<1x1x16xf32> to vector<16xf32>
      %parallel_loop3A_429 = arith.constant 0 : i32
      %parallel_loop3A_430 = arith.index_cast %parallel_loop3A_429 : i32 to index
      %parallel_loop3A_431 = arith.index_cast %parallel_loop3A_360 : i32 to index
      %parallel_loop3A_432 = arith.constant 64 : index
      %parallel_loop3A_433 = tpu.vector_load %arg7[%parallel_loop3A_430, %parallel_loop3A_431, %parallel_loop3A_432] {strides = array<i32>} : memref<2x64x192xf32, #tpu.memory_space<vmem>>, vector<1x1x16xf32>,
      %parallel_loop3A_434 = vector.shape_cast %parallel_loop3A_433 : vector<1x1x16xf32> to vector<16xf32>
      %parallel_loop3A_435 = vector.shape_cast %parallel_loop3A_428 : vector<16xf32> to vector<1x1x16xf32>
      tpu.vector_store %arg7[%parallel_loop3A_430, %parallel_loop3A_431, %parallel_loop3A_432], %parallel_loop3A_435 {strides = array<i32>} : memref<2x64x192xf32, #tpu.memory_space<vmem>>, vector<1x1x16xf32>,
      %parallel_loop3A_436 = arith.constant 80 : i32
      %parallel_loop3A_437 = arith.addi %multiple_of3A, %parallel_loop3A_436 : i32
      %parallel_loop3A_438 = arith.constant 0 : i32
      %parallel_loop3A_439 = arith.index_cast %parallel_loop3A_438 : i32 to index
      %parallel_loop3A_440 = arith.index_cast %parallel_loop3A_360 : i32 to index
      %parallel_loop3A_441 = arith.index_cast %parallel_loop3A_437 : i32 to index
      %parallel_loop3A_442 = tpu.vector_load %arg6[%parallel_loop3A_439, %parallel_loop3A_440, %parallel_loop3A_441] {strides = array<i32>} : memref<2x64x256xf32, #tpu.memory_space<vmem>>, vector<1x1x16xf32>,
      %parallel_loop3A_443 = vector.shape_cast %parallel_loop3A_442 : vector<1x1x16xf32> to vector<16xf32>
      %parallel_loop3A_444 = arith.constant 0 : i32
      %parallel_loop3A_445 = arith.index_cast %parallel_loop3A_444 : i32 to index
      %parallel_loop3A_446 = arith.index_cast %parallel_loop3A_360 : i32 to index
      %parallel_loop3A_447 = arith.constant 80 : index
      %parallel_loop3A_448 = tpu.vector_load %arg7[%parallel_loop3A_445, %parallel_loop3A_446, %parallel_loop3A_447] {strides = array<i32>} : memref<2x64x192xf32, #tpu.memory_space<vmem>>, vector<1x1x16xf32>,
      %parallel_loop3A_449 = vector.shape_cast %parallel_loop3A_448 : vector<1x1x16xf32> to vector<16xf32>
      %parallel_loop3A_450 = vector.shape_cast %parallel_loop3A_443 : vector<16xf32> to vector<1x1x16xf32>
      tpu.vector_store %arg7[%parallel_loop3A_445, %parallel_loop3A_446, %parallel_loop3A_447], %parallel_loop3A_450 {strides = array<i32>} : memref<2x64x192xf32, #tpu.memory_space<vmem>>, vector<1x1x16xf32>,
      %parallel_loop3A_451 = arith.constant 96 : i32
      %parallel_loop3A_452 = arith.addi %multiple_of3A, %parallel_loop3A_451 : i32
      %parallel_loop3A_453 = arith.constant 0 : i32
      %parallel_loop3A_454 = arith.index_cast %parallel_loop3A_453 : i32 to index
      %parallel_loop3A_455 = arith.index_cast %parallel_loop3A_360 : i32 to index
      %parallel_loop3A_456 = arith.index_cast %parallel_loop3A_452 : i32 to index
      %parallel_loop3A_457 = tpu.vector_load %arg6[%parallel_loop3A_454, %parallel_loop3A_455, %parallel_loop3A_456] {strides = array<i32>} : memref<2x64x256xf32, #tpu.memory_space<vmem>>, vector<1x1x16xf32>,
      %parallel_loop3A_458 = vector.shape_cast %parallel_loop3A_457 : vector<1x1x16xf32> to vector<16xf32>
      %parallel_loop3A_459 = arith.constant 0 : i32
      %parallel_loop3A_460 = arith.index_cast %parallel_loop3A_459 : i32 to index
      %parallel_loop3A_461 = arith.index_cast %parallel_loop3A_360 : i32 to index
      %parallel_loop3A_462 = arith.constant 96 : index
      %parallel_loop3A_463 = tpu.vector_load %arg7[%parallel_loop3A_460, %parallel_loop3A_461, %parallel_loop3A_462] {strides = array<i32>} : memref<2x64x192xf32, #tpu.memory_space<vmem>>, vector<1x1x16xf32>,
      %parallel_loop3A_464 = vector.shape_cast %parallel_loop3A_463 : vector<1x1x16xf32> to vector<16xf32>
      %parallel_loop3A_465 = vector.shape_cast %parallel_loop3A_458 : vector<16xf32> to vector<1x1x16xf32>
      tpu.vector_store %arg7[%parallel_loop3A_460, %parallel_loop3A_461, %parallel_loop3A_462], %parallel_loop3A_465 {strides = array<i32>} : memref<2x64x192xf32, #tpu.memory_space<vmem>>, vector<1x1x16xf32>,
      %parallel_loop3A_466 = arith.constant 112 : i32
      %parallel_loop3A_467 = arith.addi %multiple_of3A, %parallel_loop3A_466 : i32
      %parallel_loop3A_468 = arith.constant 0 : i32
      %parallel_loop3A_469 = arith.index_cast %parallel_loop3A_468 : i32 to index
      %parallel_loop3A_470 = arith.index_cast %parallel_loop3A_360 : i32 to index
      %parallel_loop3A_471 = arith.index_cast %parallel_loop3A_467 : i32 to index
      %parallel_loop3A_472 = tpu.vector_load %arg6[%parallel_loop3A_469, %parallel_loop3A_470, %parallel_loop3A_471] {strides = array<i32>} : memref<2x64x256xf32, #tpu.memory_space<vmem>>, vector<1x1x16xf32>,
      %parallel_loop3A_473 = vector.shape_cast %parallel_loop3A_472 : vector<1x1x16xf32> to vector<16xf32>
      %parallel_loop3A_474 = arith.constant 0 : i32
      %parallel_loop3A_475 = arith.index_cast %parallel_loop3A_474 : i32 to index
      %parallel_loop3A_476 = arith.index_cast %parallel_loop3A_360 : i32 to index
      %parallel_loop3A_477 = arith.constant 112 : index
      %parallel_loop3A_478 = tpu.vector_load %arg7[%parallel_loop3A_475, %parallel_loop3A_476, %parallel_loop3A_477] {strides = array<i32>} : memref<2x64x192xf32, #tpu.memory_space<vmem>>, vector<1x1x16xf32>,
      %parallel_loop3A_479 = vector.shape_cast %parallel_loop3A_478 : vector<1x1x16xf32> to vector<16xf32>
      %parallel_loop3A_480 = vector.shape_cast %parallel_loop3A_473 : vector<16xf32> to vector<1x1x16xf32>
      tpu.vector_store %arg7[%parallel_loop3A_475, %parallel_loop3A_476, %parallel_loop3A_477], %parallel_loop3A_480 {strides = array<i32>} : memref<2x64x192xf32, #tpu.memory_space<vmem>>, vector<1x1x16xf32>,
      %parallel_loop3A_481 = arith.constant 128 : i32
      %parallel_loop3A_482 = arith.addi %multiple_of3A, %parallel_loop3A_481 : i32
      %parallel_loop3A_483 = arith.constant 0 : i32
      %parallel_loop3A_484 = arith.index_cast %parallel_loop3A_483 : i32 to index
      %parallel_loop3A_485 = arith.index_cast %parallel_loop3A_360 : i32 to index
      %parallel_loop3A_486 = arith.index_cast %parallel_loop3A_482 : i32 to index
      %parallel_loop3A_487 = tpu.vector_load %arg6[%parallel_loop3A_484, %parallel_loop3A_485, %parallel_loop3A_486] {strides = array<i32>} : memref<2x64x256xf32, #tpu.memory_space<vmem>>, vector<1x1x16xf32>,
      %parallel_loop3A_488 = vector.shape_cast %parallel_loop3A_487 : vector<1x1x16xf32> to vector<16xf32>
      %parallel_loop3A_489 = arith.constant 0 : i32
      %parallel_loop3A_490 = arith.index_cast %parallel_loop3A_489 : i32 to index
      %parallel_loop3A_491 = arith.index_cast %parallel_loop3A_360 : i32 to index
      %parallel_loop3A_492 = arith.constant 128 : index
      %parallel_loop3A_493 = tpu.vector_load %arg7[%parallel_loop3A_490, %parallel_loop3A_491, %parallel_loop3A_492] {strides = array<i32>} : memref<2x64x192xf32, #tpu.memory_space<vmem>>, vector<1x1x16xf32>,
      %parallel_loop3A_494 = vector.shape_cast %parallel_loop3A_493 : vector<1x1x16xf32> to vector<16xf32>
      %parallel_loop3A_495 = vector.shape_cast %parallel_loop3A_488 : vector<16xf32> to vector<1x1x16xf32>
      tpu.vector_store %arg7[%parallel_loop3A_490, %parallel_loop3A_491, %parallel_loop3A_492], %parallel_loop3A_495 {strides = array<i32>} : memref<2x64x192xf32, #tpu.memory_space<vmem>>, vector<1x1x16xf32>,
      %parallel_loop3A_496 = arith.constant 144 : i32
      %parallel_loop3A_497 = arith.addi %multiple_of3A, %parallel_loop3A_496 : i32
      %parallel_loop3A_498 = arith.constant 0 : i32
      %parallel_loop3A_499 = arith.index_cast %parallel_loop3A_498 : i32 to index
      %parallel_loop3A_500 = arith.index_cast %parallel_loop3A_360 : i32 to index
      %parallel_loop3A_501 = arith.index_cast %parallel_loop3A_497 : i32 to index
      %parallel_loop3A_502 = tpu.vector_load %arg6[%parallel_loop3A_499, %parallel_loop3A_500, %parallel_loop3A_501] {strides = array<i32>} : memref<2x64x256xf32, #tpu.memory_space<vmem>>, vector<1x1x16xf32>,
      %parallel_loop3A_503 = vector.shape_cast %parallel_loop3A_502 : vector<1x1x16xf32> to vector<16xf32>
      %parallel_loop3A_504 = arith.constant 0 : i32
      %parallel_loop3A_505 = arith.index_cast %parallel_loop3A_504 : i32 to index
      %parallel_loop3A_506 = arith.index_cast %parallel_loop3A_360 : i32 to index
      %parallel_loop3A_507 = arith.constant 144 : index
      %parallel_loop3A_508 = tpu.vector_load %arg7[%parallel_loop3A_505, %parallel_loop3A_506, %parallel_loop3A_507] {strides = array<i32>} : memref<2x64x192xf32, #tpu.memory_space<vmem>>, vector<1x1x16xf32>,
      %parallel_loop3A_509 = vector.shape_cast %parallel_loop3A_508 : vector<1x1x16xf32> to vector<16xf32>
      %parallel_loop3A_510 = vector.shape_cast %parallel_loop3A_503 : vector<16xf32> to vector<1x1x16xf32>
      tpu.vector_store %arg7[%parallel_loop3A_505, %parallel_loop3A_506, %parallel_loop3A_507], %parallel_loop3A_510 {strides = array<i32>} : memref<2x64x192xf32, #tpu.memory_space<vmem>>, vector<1x1x16xf32>,
      %parallel_loop3A_511 = arith.constant 160 : i32
      %parallel_loop3A_512 = arith.addi %multiple_of3A, %parallel_loop3A_511 : i32
      %parallel_loop3A_513 = arith.constant 0 : i32
      %parallel_loop3A_514 = arith.index_cast %parallel_loop3A_513 : i32 to index
      %parallel_loop3A_515 = arith.index_cast %parallel_loop3A_360 : i32 to index
      %parallel_loop3A_516 = arith.index_cast %parallel_loop3A_512 : i32 to index
      %parallel_loop3A_517 = tpu.vector_load %arg6[%parallel_loop3A_514, %parallel_loop3A_515, %parallel_loop3A_516] {strides = array<i32>} : memref<2x64x256xf32, #tpu.memory_space<vmem>>, vector<1x1x16xf32>,
      %parallel_loop3A_518 = vector.shape_cast %parallel_loop3A_517 : vector<1x1x16xf32> to vector<16xf32>
      %parallel_loop3A_519 = arith.constant 0 : i32
      %parallel_loop3A_520 = arith.index_cast %parallel_loop3A_519 : i32 to index
      %parallel_loop3A_521 = arith.index_cast %parallel_loop3A_360 : i32 to index
      %parallel_loop3A_522 = arith.constant 160 : index
      %parallel_loop3A_523 = tpu.vector_load %arg7[%parallel_loop3A_520, %parallel_loop3A_521, %parallel_loop3A_522] {strides = array<i32>} : memref<2x64x192xf32, #tpu.memory_space<vmem>>, vector<1x1x16xf32>,
      %parallel_loop3A_524 = vector.shape_cast %parallel_loop3A_523 : vector<1x1x16xf32> to vector<16xf32>
      %parallel_loop3A_525 = vector.shape_cast %parallel_loop3A_518 : vector<16xf32> to vector<1x1x16xf32>
      tpu.vector_store %arg7[%parallel_loop3A_520, %parallel_loop3A_521, %parallel_loop3A_522], %parallel_loop3A_525 {strides = array<i32>} : memref<2x64x192xf32, #tpu.memory_space<vmem>>, vector<1x1x16xf32>,
      %parallel_loop3A_526 = arith.constant 176 : i32
      %parallel_loop3A_527 = arith.addi %multiple_of3A, %parallel_loop3A_526 : i32
      %parallel_loop3A_528 = arith.constant 0 : i32
      %parallel_loop3A_529 = arith.index_cast %parallel_loop3A_528 : i32 to index
      %parallel_loop3A_530 = arith.index_cast %parallel_loop3A_360 : i32 to index
      %parallel_loop3A_531 = arith.index_cast %parallel_loop3A_527 : i32 to index
      %parallel_loop3A_532 = tpu.vector_load %arg6[%parallel_loop3A_529, %parallel_loop3A_530, %parallel_loop3A_531] {strides = array<i32>} : memref<2x64x256xf32, #tpu.memory_space<vmem>>, vector<1x1x16xf32>,
      %parallel_loop3A_533 = vector.shape_cast %parallel_loop3A_532 : vector<1x1x16xf32> to vector<16xf32>
      %parallel_loop3A_534 = arith.constant 0 : i32
      %parallel_loop3A_535 = arith.index_cast %parallel_loop3A_534 : i32 to index
      %parallel_loop3A_536 = arith.index_cast %parallel_loop3A_360 : i32 to index
      %parallel_loop3A_537 = arith.constant 176 : index
      %parallel_loop3A_538 = tpu.vector_load %arg7[%parallel_loop3A_535, %parallel_loop3A_536, %parallel_loop3A_537] {strides = array<i32>} : memref<2x64x192xf32, #tpu.memory_space<vmem>>, vector<1x1x16xf32>,
      %parallel_loop3A_539 = vector.shape_cast %parallel_loop3A_538 : vector<1x1x16xf32> to vector<16xf32>
      %parallel_loop3A_540 = vector.shape_cast %parallel_loop3A_533 : vector<16xf32> to vector<1x1x16xf32>
      tpu.vector_store %arg7[%parallel_loop3A_535, %parallel_loop3A_536, %parallel_loop3A_537], %parallel_loop3A_540 {strides = array<i32>} : memref<2x64x192xf32, #tpu.memory_space<vmem>>, vector<1x1x16xf32>,
    } {sc.loop_unroll_factor = 4 : i64, sc.parallel_access}
    %add3A_166 = arith.constant 0 : i32
    %add3A_167 = arith.addi %mul3A_118, %add3A_166 : i32
    %dma_start3A_168 = arith.constant 0 : i32
    %dma_start3A_169 = arith.constant 0 : i32
    %dma_start3A_170 = arith.constant 0 : i32
    %dma_start3A_171 = tpu.memref_slice %arg7[%dma_start3A_168, %dma_start3A_169, %dma_start3A_170] : memref<2x64x192xf32, #tpu.memory_space<vmem>> -> memref<1x64x192xf32, #tpu.memory_space<vmem>>
    %dma_start3A_172 = tpu.memref_squeeze %dma_start3A_171 : memref<1x64x192xf32, #tpu.memory_space<vmem>> -> memref<64x192xf32, #tpu.memory_space<vmem>>
    %dma_start3A_173 = arith.constant 0 : i32
    %dma_start3A_174 = tpu.memref_slice %arg4[%add3A_167, %dma_start3A_173] : memref<8192x192xf32, #tpu.memory_space<hbm>> -> memref<64x192xf32, #tpu.memory_space<hbm>>
    %dma_start3A_175 = arith.constant 0 : i32
    %dma_start3A_176 = tpu.memref_slice %arg4[%add3A_167, %dma_start3A_175] : memref<8192x192xf32, #tpu.memory_space<hbm>> -> memref<64x192xf32, #tpu.memory_space<hbm>>
    %dma_start3A_177 = arith.constant 0 : i32
    %dma_start3A_178 = arith.constant 0 : i32
    %dma_start3A_179 = tpu.memref_slice %arg7[%dma_start3A_168, %dma_start3A_177, %dma_start3A_178] : memref<2x64x192xf32, #tpu.memory_space<vmem>> -> memref<1x64x192xf32, #tpu.memory_space<vmem>>
    %dma_start3A_180 = tpu.memref_squeeze %dma_start3A_179 : memref<1x64x192xf32, #tpu.memory_space<vmem>> -> memref<64x192xf32, #tpu.memory_space<vmem>>
    tpu.enqueue_dma source(%dma_start3A_180 : memref<64x192xf32, #tpu.memory_space<vmem>>) target(%dma_start3A_176 : memref<64x192xf32, #tpu.memory_space<hbm>>) target_semaphore(%arg10 : memref<!tpu.dma_semaphore, #tpu.memory_space<semaphore_mem>>)
    %add3A_181 = arith.constant 64 : i32
    %add3A_182 = arith.addi %mul3A_118, %add3A_181 : i32
    %dma_wait3A_183 = arith.constant 1 : i32
    %dma_wait3A_184 = arith.constant 0 : i32
    %dma_wait3A_185 = arith.constant 0 : i32
    %dma_wait3A_186 = tpu.memref_slice %arg6[%dma_wait3A_183, %dma_wait3A_184, %dma_wait3A_185] : memref<2x64x256xf32, #tpu.memory_space<vmem>> -> memref<1x64x256xf32, #tpu.memory_space<vmem>>
    %dma_wait3A_187 = tpu.memref_squeeze %dma_wait3A_186 : memref<1x64x256xf32, #tpu.memory_space<vmem>> -> memref<64x256xf32, #tpu.memory_space<vmem>>
    %dma_wait3A_188 = tpu.memref_slice %arg2[%add3A_182, %multiple_of3A_126] : memref<8192x768xf32, #tpu.memory_space<hbm>> -> memref<64x256xf32, #tpu.memory_space<hbm>>
    %dma_wait3A_189 = arith.constant 0 : i32
    %dma_wait3A_190 = arith.constant 0 : i32
    %dma_wait3A_191 = tpu.memref_slice %arg6[%dma_wait3A_183, %dma_wait3A_189, %dma_wait3A_190] : memref<2x64x256xf32, #tpu.memory_space<vmem>> -> memref<1x64x256xf32, #tpu.memory_space<vmem>>
    %dma_wait3A_192 = tpu.memref_squeeze %dma_wait3A_191 : memref<1x64x256xf32, #tpu.memory_space<vmem>> -> memref<64x256xf32, #tpu.memory_space<vmem>>
    %dma_wait3A_193 = tpu.memref_slice %arg2[%add3A_182, %multiple_of3A_126] : memref<8192x768xf32, #tpu.memory_space<hbm>> -> memref<64x256xf32, #tpu.memory_space<hbm>>
    tpu.wait_dma2 semaphore(%arg9 : memref<!tpu.dma_semaphore, #tpu.memory_space<semaphore_mem>>) src(%dma_wait3A_193 : memref<64x256xf32, #tpu.memory_space<hbm>>) dst(%dma_wait3A_192 : memref<64x256xf32, #tpu.memory_space<vmem>>)
    %parallel_loop3A_194 = arith.constant 0 : i32
    %parallel_loop3A_195 = arith.constant 64 : i32
    %parallel_loop3A_196 = arith.constant 1 : i32
    scf.for %parallel_loop3A_360 = %parallel_loop3A_194 to %parallel_loop3A_195 step %parallel_loop3A_196  : i32 {
      %parallel_loop3A_361 = arith.constant 0 : i32
      %parallel_loop3A_362 = arith.addi %multiple_of3A, %parallel_loop3A_361 : i32
      %parallel_loop3A_363 = arith.constant 1 : i32
      %parallel_loop3A_364 = arith.index_cast %parallel_loop3A_363 : i32 to index
      %parallel_loop3A_365 = arith.index_cast %parallel_loop3A_360 : i32 to index
      %parallel_loop3A_366 = arith.index_cast %parallel_loop3A_362 : i32 to index
      %parallel_loop3A_367 = tpu.vector_load %arg6[%parallel_loop3A_364, %parallel_loop3A_365, %parallel_loop3A_366] {strides = array<i32>} : memref<2x64x256xf32, #tpu.memory_space<vmem>>, vector<1x1x16xf32>,
      %parallel_loop3A_368 = vector.shape_cast %parallel_loop3A_367 : vector<1x1x16xf32> to vector<16xf32>
      %parallel_loop3A_369 = arith.constant 1 : i32
      %parallel_loop3A_370 = arith.index_cast %parallel_loop3A_369 : i32 to index
      %parallel_loop3A_371 = arith.index_cast %parallel_loop3A_360 : i32 to index
      %parallel_loop3A_372 = arith.constant 0 : index
      %parallel_loop3A_373 = tpu.vector_load %arg7[%parallel_loop3A_370, %parallel_loop3A_371, %parallel_loop3A_372] {strides = array<i32>} : memref<2x64x192xf32, #tpu.memory_space<vmem>>, vector<1x1x16xf32>,
      %parallel_loop3A_374 = vector.shape_cast %parallel_loop3A_373 : vector<1x1x16xf32> to vector<16xf32>
      %parallel_loop3A_375 = vector.shape_cast %parallel_loop3A_368 : vector<16xf32> to vector<1x1x16xf32>
      tpu.vector_store %arg7[%parallel_loop3A_370, %parallel_loop3A_371, %parallel_loop3A_372], %parallel_loop3A_375 {strides = array<i32>} : memref<2x64x192xf32, #tpu.memory_space<vmem>>, vector<1x1x16xf32>,
      %parallel_loop3A_376 = arith.constant 16 : i32
      %parallel_loop3A_377 = arith.addi %multiple_of3A, %parallel_loop3A_376 : i32
      %parallel_loop3A_378 = arith.constant 1 : i32
      %parallel_loop3A_379 = arith.index_cast %parallel_loop3A_378 : i32 to index
      %parallel_loop3A_380 = arith.index_cast %parallel_loop3A_360 : i32 to index
      %parallel_loop3A_381 = arith.index_cast %parallel_loop3A_377 : i32 to index
      %parallel_loop3A_382 = tpu.vector_load %arg6[%parallel_loop3A_379, %parallel_loop3A_380, %parallel_loop3A_381] {strides = array<i32>} : memref<2x64x256xf32, #tpu.memory_space<vmem>>, vector<1x1x16xf32>,
      %parallel_loop3A_383 = vector.shape_cast %parallel_loop3A_382 : vector<1x1x16xf32> to vector<16xf32>
      %parallel_loop3A_384 = arith.constant 1 : i32
      %parallel_loop3A_385 = arith.index_cast %parallel_loop3A_384 : i32 to index
      %parallel_loop3A_386 = arith.index_cast %parallel_loop3A_360 : i32 to index
      %parallel_loop3A_387 = arith.constant 16 : index
      %parallel_loop3A_388 = tpu.vector_load %arg7[%parallel_loop3A_385, %parallel_loop3A_386, %parallel_loop3A_387] {strides = array<i32>} : memref<2x64x192xf32, #tpu.memory_space<vmem>>, vector<1x1x16xf32>,
      %parallel_loop3A_389 = vector.shape_cast %parallel_loop3A_388 : vector<1x1x16xf32> to vector<16xf32>
      %parallel_loop3A_390 = vector.shape_cast %parallel_loop3A_383 : vector<16xf32> to vector<1x1x16xf32>
      tpu.vector_store %arg7[%parallel_loop3A_385, %parallel_loop3A_386, %parallel_loop3A_387], %parallel_loop3A_390 {strides = array<i32>} : memref<2x64x192xf32, #tpu.memory_space<vmem>>, vector<1x1x16xf32>,
      %parallel_loop3A_391 = arith.constant 32 : i32
      %parallel_loop3A_392 = arith.addi %multiple_of3A, %parallel_loop3A_391 : i32
      %parallel_loop3A_393 = arith.constant 1 : i32
      %parallel_loop3A_394 = arith.index_cast %parallel_loop3A_393 : i32 to index
      %parallel_loop3A_395 = arith.index_cast %parallel_loop3A_360 : i32 to index
      %parallel_loop3A_396 = arith.index_cast %parallel_loop3A_392 : i32 to index
      %parallel_loop3A_397 = tpu.vector_load %arg6[%parallel_loop3A_394, %parallel_loop3A_395, %parallel_loop3A_396] {strides = array<i32>} : memref<2x64x256xf32, #tpu.memory_space<vmem>>, vector<1x1x16xf32>,
      %parallel_loop3A_398 = vector.shape_cast %parallel_loop3A_397 : vector<1x1x16xf32> to vector<16xf32>
      %parallel_loop3A_399 = arith.constant 1 : i32
      %parallel_loop3A_400 = arith.index_cast %parallel_loop3A_399 : i32 to index
      %parallel_loop3A_401 = arith.index_cast %parallel_loop3A_360 : i32 to index
      %parallel_loop3A_402 = arith.constant 32 : index
      %parallel_loop3A_403 = tpu.vector_load %arg7[%parallel_loop3A_400, %parallel_loop3A_401, %parallel_loop3A_402] {strides = array<i32>} : memref<2x64x192xf32, #tpu.memory_space<vmem>>, vector<1x1x16xf32>,
      %parallel_loop3A_404 = vector.shape_cast %parallel_loop3A_403 : vector<1x1x16xf32> to vector<16xf32>
      %parallel_loop3A_405 = vector.shape_cast %parallel_loop3A_398 : vector<16xf32> to vector<1x1x16xf32>
      tpu.vector_store %arg7[%parallel_loop3A_400, %parallel_loop3A_401, %parallel_loop3A_402], %parallel_loop3A_405 {strides = array<i32>} : memref<2x64x192xf32, #tpu.memory_space<vmem>>, vector<1x1x16xf32>,
      %parallel_loop3A_406 = arith.constant 48 : i32
      %parallel_loop3A_407 = arith.addi %multiple_of3A, %parallel_loop3A_406 : i32
      %parallel_loop3A_408 = arith.constant 1 : i32
      %parallel_loop3A_409 = arith.index_cast %parallel_loop3A_408 : i32 to index
      %parallel_loop3A_410 = arith.index_cast %parallel_loop3A_360 : i32 to index
      %parallel_loop3A_411 = arith.index_cast %parallel_loop3A_407 : i32 to index
      %parallel_loop3A_412 = tpu.vector_load %arg6[%parallel_loop3A_409, %parallel_loop3A_410, %parallel_loop3A_411] {strides = array<i32>} : memref<2x64x256xf32, #tpu.memory_space<vmem>>, vector<1x1x16xf32>,
      %parallel_loop3A_413 = vector.shape_cast %parallel_loop3A_412 : vector<1x1x16xf32> to vector<16xf32>
      %parallel_loop3A_414 = arith.constant 1 : i32
      %parallel_loop3A_415 = arith.index_cast %parallel_loop3A_414 : i32 to index
      %parallel_loop3A_416 = arith.index_cast %parallel_loop3A_360 : i32 to index
      %parallel_loop3A_417 = arith.constant 48 : index
      %parallel_loop3A_418 = tpu.vector_load %arg7[%parallel_loop3A_415, %parallel_loop3A_416, %parallel_loop3A_417] {strides = array<i32>} : memref<2x64x192xf32, #tpu.memory_space<vmem>>, vector<1x1x16xf32>,
      %parallel_loop3A_419 = vector.shape_cast %parallel_loop3A_418 : vector<1x1x16xf32> to vector<16xf32>
      %parallel_loop3A_420 = vector.shape_cast %parallel_loop3A_413 : vector<16xf32> to vector<1x1x16xf32>
      tpu.vector_store %arg7[%parallel_loop3A_415, %parallel_loop3A_416, %parallel_loop3A_417], %parallel_loop3A_420 {strides = array<i32>} : memref<2x64x192xf32, #tpu.memory_space<vmem>>, vector<1x1x16xf32>,
      %parallel_loop3A_421 = arith.constant 64 : i32
      %parallel_loop3A_422 = arith.addi %multiple_of3A, %parallel_loop3A_421 : i32
      %parallel_loop3A_423 = arith.constant 1 : i32
      %parallel_loop3A_424 = arith.index_cast %parallel_loop3A_423 : i32 to index
      %parallel_loop3A_425 = arith.index_cast %parallel_loop3A_360 : i32 to index
      %parallel_loop3A_426 = arith.index_cast %parallel_loop3A_422 : i32 to index
      %parallel_loop3A_427 = tpu.vector_load %arg6[%parallel_loop3A_424, %parallel_loop3A_425, %parallel_loop3A_426] {strides = array<i32>} : memref<2x64x256xf32, #tpu.memory_space<vmem>>, vector<1x1x16xf32>,
      %parallel_loop3A_428 = vector.shape_cast %parallel_loop3A_427 : vector<1x1x16xf32> to vector<16xf32>
      %parallel_loop3A_429 = arith.constant 1 : i32
      %parallel_loop3A_430 = arith.index_cast %parallel_loop3A_429 : i32 to index
      %parallel_loop3A_431 = arith.index_cast %parallel_loop3A_360 : i32 to index
      %parallel_loop3A_432 = arith.constant 64 : index
      %parallel_loop3A_433 = tpu.vector_load %arg7[%parallel_loop3A_430, %parallel_loop3A_431, %parallel_loop3A_432] {strides = array<i32>} : memref<2x64x192xf32, #tpu.memory_space<vmem>>, vector<1x1x16xf32>,
      %parallel_loop3A_434 = vector.shape_cast %parallel_loop3A_433 : vector<1x1x16xf32> to vector<16xf32>
      %parallel_loop3A_435 = vector.shape_cast %parallel_loop3A_428 : vector<16xf32> to vector<1x1x16xf32>
      tpu.vector_store %arg7[%parallel_loop3A_430, %parallel_loop3A_431, %parallel_loop3A_432], %parallel_loop3A_435 {strides = array<i32>} : memref<2x64x192xf32, #tpu.memory_space<vmem>>, vector<1x1x16xf32>,
      %parallel_loop3A_436 = arith.constant 80 : i32
      %parallel_loop3A_437 = arith.addi %multiple_of3A, %parallel_loop3A_436 : i32
      %parallel_loop3A_438 = arith.constant 1 : i32
      %parallel_loop3A_439 = arith.index_cast %parallel_loop3A_438 : i32 to index
      %parallel_loop3A_440 = arith.index_cast %parallel_loop3A_360 : i32 to index
      %parallel_loop3A_441 = arith.index_cast %parallel_loop3A_437 : i32 to index
      %parallel_loop3A_442 = tpu.vector_load %arg6[%parallel_loop3A_439, %parallel_loop3A_440, %parallel_loop3A_441] {strides = array<i32>} : memref<2x64x256xf32, #tpu.memory_space<vmem>>, vector<1x1x16xf32>,
      %parallel_loop3A_443 = vector.shape_cast %parallel_loop3A_442 : vector<1x1x16xf32> to vector<16xf32>
      %parallel_loop3A_444 = arith.constant 1 : i32
      %parallel_loop3A_445 = arith.index_cast %parallel_loop3A_444 : i32 to index
      %parallel_loop3A_446 = arith.index_cast %parallel_loop3A_360 : i32 to index
      %parallel_loop3A_447 = arith.constant 80 : index
      %parallel_loop3A_448 = tpu.vector_load %arg7[%parallel_loop3A_445, %parallel_loop3A_446, %parallel_loop3A_447] {strides = array<i32>} : memref<2x64x192xf32, #tpu.memory_space<vmem>>, vector<1x1x16xf32>,
      %parallel_loop3A_449 = vector.shape_cast %parallel_loop3A_448 : vector<1x1x16xf32> to vector<16xf32>
      %parallel_loop3A_450 = vector.shape_cast %parallel_loop3A_443 : vector<16xf32> to vector<1x1x16xf32>
      tpu.vector_store %arg7[%parallel_loop3A_445, %parallel_loop3A_446, %parallel_loop3A_447], %parallel_loop3A_450 {strides = array<i32>} : memref<2x64x192xf32, #tpu.memory_space<vmem>>, vector<1x1x16xf32>,
      %parallel_loop3A_451 = arith.constant 96 : i32
      %parallel_loop3A_452 = arith.addi %multiple_of3A, %parallel_loop3A_451 : i32
      %parallel_loop3A_453 = arith.constant 1 : i32
      %parallel_loop3A_454 = arith.index_cast %parallel_loop3A_453 : i32 to index
      %parallel_loop3A_455 = arith.index_cast %parallel_loop3A_360 : i32 to index
      %parallel_loop3A_456 = arith.index_cast %parallel_loop3A_452 : i32 to index
      %parallel_loop3A_457 = tpu.vector_load %arg6[%parallel_loop3A_454, %parallel_loop3A_455, %parallel_loop3A_456] {strides = array<i32>} : memref<2x64x256xf32, #tpu.memory_space<vmem>>, vector<1x1x16xf32>,
      %parallel_loop3A_458 = vector.shape_cast %parallel_loop3A_457 : vector<1x1x16xf32> to vector<16xf32>
      %parallel_loop3A_459 = arith.constant 1 : i32
      %parallel_loop3A_460 = arith.index_cast %parallel_loop3A_459 : i32 to index
      %parallel_loop3A_461 = arith.index_cast %parallel_loop3A_360 : i32 to index
      %parallel_loop3A_462 = arith.constant 96 : index
      %parallel_loop3A_463 = tpu.vector_load %arg7[%parallel_loop3A_460, %parallel_loop3A_461, %parallel_loop3A_462] {strides = array<i32>} : memref<2x64x192xf32, #tpu.memory_space<vmem>>, vector<1x1x16xf32>,
      %parallel_loop3A_464 = vector.shape_cast %parallel_loop3A_463 : vector<1x1x16xf32> to vector<16xf32>
      %parallel_loop3A_465 = vector.shape_cast %parallel_loop3A_458 : vector<16xf32> to vector<1x1x16xf32>
      tpu.vector_store %arg7[%parallel_loop3A_460, %parallel_loop3A_461, %parallel_loop3A_462], %parallel_loop3A_465 {strides = array<i32>} : memref<2x64x192xf32, #tpu.memory_space<vmem>>, vector<1x1x16xf32>,
      %parallel_loop3A_466 = arith.constant 112 : i32
      %parallel_loop3A_467 = arith.addi %multiple_of3A, %parallel_loop3A_466 : i32
      %parallel_loop3A_468 = arith.constant 1 : i32
      %parallel_loop3A_469 = arith.index_cast %parallel_loop3A_468 : i32 to index
      %parallel_loop3A_470 = arith.index_cast %parallel_loop3A_360 : i32 to index
      %parallel_loop3A_471 = arith.index_cast %parallel_loop3A_467 : i32 to index
      %parallel_loop3A_472 = tpu.vector_load %arg6[%parallel_loop3A_469, %parallel_loop3A_470, %parallel_loop3A_471] {strides = array<i32>} : memref<2x64x256xf32, #tpu.memory_space<vmem>>, vector<1x1x16xf32>,
      %parallel_loop3A_473 = vector.shape_cast %parallel_loop3A_472 : vector<1x1x16xf32> to vector<16xf32>
      %parallel_loop3A_474 = arith.constant 1 : i32
      %parallel_loop3A_475 = arith.index_cast %parallel_loop3A_474 : i32 to index
      %parallel_loop3A_476 = arith.index_cast %parallel_loop3A_360 : i32 to index
      %parallel_loop3A_477 = arith.constant 112 : index
      %parallel_loop3A_478 = tpu.vector_load %arg7[%parallel_loop3A_475, %parallel_loop3A_476, %parallel_loop3A_477] {strides = array<i32>} : memref<2x64x192xf32, #tpu.memory_space<vmem>>, vector<1x1x16xf32>,
      %parallel_loop3A_479 = vector.shape_cast %parallel_loop3A_478 : vector<1x1x16xf32> to vector<16xf32>
      %parallel_loop3A_480 = vector.shape_cast %parallel_loop3A_473 : vector<16xf32> to vector<1x1x16xf32>
      tpu.vector_store %arg7[%parallel_loop3A_475, %parallel_loop3A_476, %parallel_loop3A_477], %parallel_loop3A_480 {strides = array<i32>} : memref<2x64x192xf32, #tpu.memory_space<vmem>>, vector<1x1x16xf32>,
      %parallel_loop3A_481 = arith.constant 128 : i32
      %parallel_loop3A_482 = arith.addi %multiple_of3A, %parallel_loop3A_481 : i32
      %parallel_loop3A_483 = arith.constant 1 : i32
      %parallel_loop3A_484 = arith.index_cast %parallel_loop3A_483 : i32 to index
      %parallel_loop3A_485 = arith.index_cast %parallel_loop3A_360 : i32 to index
      %parallel_loop3A_486 = arith.index_cast %parallel_loop3A_482 : i32 to index
      %parallel_loop3A_487 = tpu.vector_load %arg6[%parallel_loop3A_484, %parallel_loop3A_485, %parallel_loop3A_486] {strides = array<i32>} : memref<2x64x256xf32, #tpu.memory_space<vmem>>, vector<1x1x16xf32>,
      %parallel_loop3A_488 = vector.shape_cast %parallel_loop3A_487 : vector<1x1x16xf32> to vector<16xf32>
      %parallel_loop3A_489 = arith.constant 1 : i32
      %parallel_loop3A_490 = arith.index_cast %parallel_loop3A_489 : i32 to index
      %parallel_loop3A_491 = arith.index_cast %parallel_loop3A_360 : i32 to index
      %parallel_loop3A_492 = arith.constant 128 : index
      %parallel_loop3A_493 = tpu.vector_load %arg7[%parallel_loop3A_490, %parallel_loop3A_491, %parallel_loop3A_492] {strides = array<i32>} : memref<2x64x192xf32, #tpu.memory_space<vmem>>, vector<1x1x16xf32>,
      %parallel_loop3A_494 = vector.shape_cast %parallel_loop3A_493 : vector<1x1x16xf32> to vector<16xf32>
      %parallel_loop3A_495 = vector.shape_cast %parallel_loop3A_488 : vector<16xf32> to vector<1x1x16xf32>
      tpu.vector_store %arg7[%parallel_loop3A_490, %parallel_loop3A_491, %parallel_loop3A_492], %parallel_loop3A_495 {strides = array<i32>} : memref<2x64x192xf32, #tpu.memory_space<vmem>>, vector<1x1x16xf32>,
      %parallel_loop3A_496 = arith.constant 144 : i32
      %parallel_loop3A_497 = arith.addi %multiple_of3A, %parallel_loop3A_496 : i32
      %parallel_loop3A_498 = arith.constant 1 : i32
      %parallel_loop3A_499 = arith.index_cast %parallel_loop3A_498 : i32 to index
      %parallel_loop3A_500 = arith.index_cast %parallel_loop3A_360 : i32 to index
      %parallel_loop3A_501 = arith.index_cast %parallel_loop3A_497 : i32 to index
      %parallel_loop3A_502 = tpu.vector_load %arg6[%parallel_loop3A_499, %parallel_loop3A_500, %parallel_loop3A_501] {strides = array<i32>} : memref<2x64x256xf32, #tpu.memory_space<vmem>>, vector<1x1x16xf32>,
      %parallel_loop3A_503 = vector.shape_cast %parallel_loop3A_502 : vector<1x1x16xf32> to vector<16xf32>
      %parallel_loop3A_504 = arith.constant 1 : i32
      %parallel_loop3A_505 = arith.index_cast %parallel_loop3A_504 : i32 to index
      %parallel_loop3A_506 = arith.index_cast %parallel_loop3A_360 : i32 to index
      %parallel_loop3A_507 = arith.constant 144 : index
      %parallel_loop3A_508 = tpu.vector_load %arg7[%parallel_loop3A_505, %parallel_loop3A_506, %parallel_loop3A_507] {strides = array<i32>} : memref<2x64x192xf32, #tpu.memory_space<vmem>>, vector<1x1x16xf32>,
      %parallel_loop3A_509 = vector.shape_cast %parallel_loop3A_508 : vector<1x1x16xf32> to vector<16xf32>
      %parallel_loop3A_510 = vector.shape_cast %parallel_loop3A_503 : vector<16xf32> to vector<1x1x16xf32>
      tpu.vector_store %arg7[%parallel_loop3A_505, %parallel_loop3A_506, %parallel_loop3A_507], %parallel_loop3A_510 {strides = array<i32>} : memref<2x64x192xf32, #tpu.memory_space<vmem>>, vector<1x1x16xf32>,
      %parallel_loop3A_511 = arith.constant 160 : i32
      %parallel_loop3A_512 = arith.addi %multiple_of3A, %parallel_loop3A_511 : i32
      %parallel_loop3A_513 = arith.constant 1 : i32
      %parallel_loop3A_514 = arith.index_cast %parallel_loop3A_513 : i32 to index
      %parallel_loop3A_515 = arith.index_cast %parallel_loop3A_360 : i32 to index
      %parallel_loop3A_516 = arith.index_cast %parallel_loop3A_512 : i32 to index
      %parallel_loop3A_517 = tpu.vector_load %arg6[%parallel_loop3A_514, %parallel_loop3A_515, %parallel_loop3A_516] {strides = array<i32>} : memref<2x64x256xf32, #tpu.memory_space<vmem>>, vector<1x1x16xf32>,
      %parallel_loop3A_518 = vector.shape_cast %parallel_loop3A_517 : vector<1x1x16xf32> to vector<16xf32>
      %parallel_loop3A_519 = arith.constant 1 : i32
      %parallel_loop3A_520 = arith.index_cast %parallel_loop3A_519 : i32 to index
      %parallel_loop3A_521 = arith.index_cast %parallel_loop3A_360 : i32 to index
      %parallel_loop3A_522 = arith.constant 160 : index
      %parallel_loop3A_523 = tpu.vector_load %arg7[%parallel_loop3A_520, %parallel_loop3A_521, %parallel_loop3A_522] {strides = array<i32>} : memref<2x64x192xf32, #tpu.memory_space<vmem>>, vector<1x1x16xf32>,
      %parallel_loop3A_524 = vector.shape_cast %parallel_loop3A_523 : vector<1x1x16xf32> to vector<16xf32>
      %parallel_loop3A_525 = vector.shape_cast %parallel_loop3A_518 : vector<16xf32> to vector<1x1x16xf32>
      tpu.vector_store %arg7[%parallel_loop3A_520, %parallel_loop3A_521, %parallel_loop3A_522], %parallel_loop3A_525 {strides = array<i32>} : memref<2x64x192xf32, #tpu.memory_space<vmem>>, vector<1x1x16xf32>,
      %parallel_loop3A_526 = arith.constant 176 : i32
      %parallel_loop3A_527 = arith.addi %multiple_of3A, %parallel_loop3A_526 : i32
      %parallel_loop3A_528 = arith.constant 1 : i32
      %parallel_loop3A_529 = arith.index_cast %parallel_loop3A_528 : i32 to index
      %parallel_loop3A_530 = arith.index_cast %parallel_loop3A_360 : i32 to index
      %parallel_loop3A_531 = arith.index_cast %parallel_loop3A_527 : i32 to index
      %parallel_loop3A_532 = tpu.vector_load %arg6[%parallel_loop3A_529, %parallel_loop3A_530, %parallel_loop3A_531] {strides = array<i32>} : memref<2x64x256xf32, #tpu.memory_space<vmem>>, vector<1x1x16xf32>,
      %parallel_loop3A_533 = vector.shape_cast %parallel_loop3A_532 : vector<1x1x16xf32> to vector<16xf32>
      %parallel_loop3A_534 = arith.constant 1 : i32
      %parallel_loop3A_535 = arith.index_cast %parallel_loop3A_534 : i32 to index
      %parallel_loop3A_536 = arith.index_cast %parallel_loop3A_360 : i32 to index
      %parallel_loop3A_537 = arith.constant 176 : index
      %parallel_loop3A_538 = tpu.vector_load %arg7[%parallel_loop3A_535, %parallel_loop3A_536, %parallel_loop3A_537] {strides = array<i32>} : memref<2x64x192xf32, #tpu.memory_space<vmem>>, vector<1x1x16xf32>,
      %parallel_loop3A_539 = vector.shape_cast %parallel_loop3A_538 : vector<1x1x16xf32> to vector<16xf32>
      %parallel_loop3A_540 = vector.shape_cast %parallel_loop3A_533 : vector<16xf32> to vector<1x1x16xf32>
      tpu.vector_store %arg7[%parallel_loop3A_535, %parallel_loop3A_536, %parallel_loop3A_537], %parallel_loop3A_540 {strides = array<i32>} : memref<2x64x192xf32, #tpu.memory_space<vmem>>, vector<1x1x16xf32>,
    } {sc.loop_unroll_factor = 4 : i64, sc.parallel_access}
    %add3A_197 = arith.constant 64 : i32
    %add3A_198 = arith.addi %mul3A_118, %add3A_197 : i32
    %dma_start3A_199 = arith.constant 1 : i32
    %dma_start3A_200 = arith.constant 0 : i32
    %dma_start3A_201 = arith.constant 0 : i32
    %dma_start3A_202 = tpu.memref_slice %arg7[%dma_start3A_199, %dma_start3A_200, %dma_start3A_201] : memref<2x64x192xf32, #tpu.memory_space<vmem>> -> memref<1x64x192xf32, #tpu.memory_space<vmem>>
    %dma_start3A_203 = tpu.memref_squeeze %dma_start3A_202 : memref<1x64x192xf32, #tpu.memory_space<vmem>> -> memref<64x192xf32, #tpu.memory_space<vmem>>
    %dma_start3A_204 = arith.constant 0 : i32
    %dma_start3A_205 = tpu.memref_slice %arg4[%add3A_198, %dma_start3A_204] : memref<8192x192xf32, #tpu.memory_space<hbm>> -> memref<64x192xf32, #tpu.memory_space<hbm>>
    %dma_start3A_206 = arith.constant 0 : i32
    %dma_start3A_207 = tpu.memref_slice %arg4[%add3A_198, %dma_start3A_206] : memref<8192x192xf32, #tpu.memory_space<hbm>> -> memref<64x192xf32, #tpu.memory_space<hbm>>
    %dma_start3A_208 = arith.constant 0 : i32
    %dma_start3A_209 = arith.constant 0 : i32
    %dma_start3A_210 = tpu.memref_slice %arg7[%dma_start3A_199, %dma_start3A_208, %dma_start3A_209] : memref<2x64x192xf32, #tpu.memory_space<vmem>> -> memref<1x64x192xf32, #tpu.memory_space<vmem>>
    %dma_start3A_211 = tpu.memref_squeeze %dma_start3A_210 : memref<1x64x192xf32, #tpu.memory_space<vmem>> -> memref<64x192xf32, #tpu.memory_space<vmem>>
    tpu.enqueue_dma source(%dma_start3A_211 : memref<64x192xf32, #tpu.memory_space<vmem>>) target(%dma_start3A_207 : memref<64x192xf32, #tpu.memory_space<hbm>>) target_semaphore(%arg11 : memref<!tpu.dma_semaphore, #tpu.memory_space<semaphore_mem>>)
    %add3A_212 = arith.constant 0 : i32
    %add3A_213 = arith.addi %mul3A_118, %add3A_212 : i32
    %dma_wait3A_214 = arith.constant 0 : i32
    %dma_wait3A_215 = arith.constant 0 : i32
    %dma_wait3A_216 = arith.constant 0 : i32
    %dma_wait3A_217 = tpu.memref_slice %arg7[%dma_wait3A_214, %dma_wait3A_215, %dma_wait3A_216] : memref<2x64x192xf32, #tpu.memory_space<vmem>> -> memref<1x64x192xf32, #tpu.memory_space<vmem>>
    %dma_wait3A_218 = tpu.memref_squeeze %dma_wait3A_217 : memref<1x64x192xf32, #tpu.memory_space<vmem>> -> memref<64x192xf32, #tpu.memory_space<vmem>>
    %dma_wait3A_219 = arith.constant 0 : i32
    %dma_wait3A_220 = tpu.memref_slice %arg4[%add3A_213, %dma_wait3A_219] : memref<8192x192xf32, #tpu.memory_space<hbm>> -> memref<64x192xf32, #tpu.memory_space<hbm>>
    %dma_wait3A_221 = arith.constant 0 : i32
    %dma_wait3A_222 = tpu.memref_slice %arg4[%add3A_213, %dma_wait3A_221] : memref<8192x192xf32, #tpu.memory_space<hbm>> -> memref<64x192xf32, #tpu.memory_space<hbm>>
    %dma_wait3A_223 = arith.constant 0 : i32
    %dma_wait3A_224 = arith.constant 0 : i32
    %dma_wait3A_225 = tpu.memref_slice %arg7[%dma_wait3A_214, %dma_wait3A_223, %dma_wait3A_224] : memref<2x64x192xf32, #tpu.memory_space<vmem>> -> memref<1x64x192xf32, #tpu.memory_space<vmem>>
    %dma_wait3A_226 = tpu.memref_squeeze %dma_wait3A_225 : memref<1x64x192xf32, #tpu.memory_space<vmem>> -> memref<64x192xf32, #tpu.memory_space<vmem>>
    tpu.wait_dma2 semaphore(%arg10 : memref<!tpu.dma_semaphore, #tpu.memory_space<semaphore_mem>>) src(%dma_wait3A_226 : memref<64x192xf32, #tpu.memory_space<vmem>>) dst(%dma_wait3A_222 : memref<64x192xf32, #tpu.memory_space<hbm>>)
    %add3A_227 = arith.constant 128 : i32
    %add3A_228 = arith.addi %mul3A_118, %add3A_227 : i32
    %dma_start3A_229 = arith.constant 0 : i32
    %dma_start3A_230 = arith.constant 0 : i32
    %dma_start3A_231 = arith.constant 0 : i32
    %dma_start3A_232 = tpu.memref_slice %arg6[%dma_start3A_229, %dma_start3A_230, %dma_start3A_231] : memref<2x64x256xf32, #tpu.memory_space<vmem>> -> memref<1x64x256xf32, #tpu.memory_space<vmem>>
    %dma_start3A_233 = tpu.memref_squeeze %dma_start3A_232 : memref<1x64x256xf32, #tpu.memory_space<vmem>> -> memref<64x256xf32, #tpu.memory_space<vmem>>
    %dma_start3A_234 = tpu.memref_slice %arg2[%add3A_228, %multiple_of3A_126] : memref<8192x768xf32, #tpu.memory_space<hbm>> -> memref<64x256xf32, #tpu.memory_space<hbm>>
    %dma_start3A_235 = arith.constant 0 : i32
    %dma_start3A_236 = arith.constant 0 : i32
    %dma_start3A_237 = tpu.memref_slice %arg6[%dma_start3A_229, %dma_start3A_235, %dma_start3A_236] : memref<2x64x256xf32, #tpu.memory_space<vmem>> -> memref<1x64x256xf32, #tpu.memory_space<vmem>>
    %dma_start3A_238 = tpu.memref_squeeze %dma_start3A_237 : memref<1x64x256xf32, #tpu.memory_space<vmem>> -> memref<64x256xf32, #tpu.memory_space<vmem>>
    %dma_start3A_239 = tpu.memref_slice %arg2[%add3A_228, %multiple_of3A_126] : memref<8192x768xf32, #tpu.memory_space<hbm>> -> memref<64x256xf32, #tpu.memory_space<hbm>>
    tpu.enqueue_dma source(%dma_start3A_239 : memref<64x256xf32, #tpu.memory_space<hbm>>) target(%dma_start3A_238 : memref<64x256xf32, #tpu.memory_space<vmem>>) target_semaphore(%arg8 : memref<!tpu.dma_semaphore, #tpu.memory_space<semaphore_mem>>)
    %add3A_240 = arith.constant 128 : i32
    %add3A_241 = arith.addi %mul3A_118, %add3A_240 : i32
    %dma_wait3A_242 = arith.constant 0 : i32
    %dma_wait3A_243 = arith.constant 0 : i32
    %dma_wait3A_244 = arith.constant 0 : i32
    %dma_wait3A_245 = tpu.memref_slice %arg6[%dma_wait3A_242, %dma_wait3A_243, %dma_wait3A_244] : memref<2x64x256xf32, #tpu.memory_space<vmem>> -> memref<1x64x256xf32, #tpu.memory_space<vmem>>
    %dma_wait3A_246 = tpu.memref_squeeze %dma_wait3A_245 : memref<1x64x256xf32, #tpu.memory_space<vmem>> -> memref<64x256xf32, #tpu.memory_space<vmem>>
    %dma_wait3A_247 = tpu.memref_slice %arg2[%add3A_241, %multiple_of3A_126] : memref<8192x768xf32, #tpu.memory_space<hbm>> -> memref<64x256xf32, #tpu.memory_space<hbm>>
    %dma_wait3A_248 = arith.constant 0 : i32
    %dma_wait3A_249 = arith.constant 0 : i32
    %dma_wait3A_250 = tpu.memref_slice %arg6[%dma_wait3A_242, %dma_wait3A_248, %dma_wait3A_249] : memref<2x64x256xf32, #tpu.memory_space<vmem>> -> memref<1x64x256xf32, #tpu.memory_space<vmem>>
    %dma_wait3A_251 = tpu.memref_squeeze %dma_wait3A_250 : memref<1x64x256xf32, #tpu.memory_space<vmem>> -> memref<64x256xf32, #tpu.memory_space<vmem>>
    %dma_wait3A_252 = tpu.memref_slice %arg2[%add3A_241, %multiple_of3A_126] : memref<8192x768xf32, #tpu.memory_space<hbm>> -> memref<64x256xf32, #tpu.memory_space<hbm>>
    tpu.wait_dma2 semaphore(%arg8 : memref<!tpu.dma_semaphore, #tpu.memory_space<semaphore_mem>>) src(%dma_wait3A_252 : memref<64x256xf32, #tpu.memory_space<hbm>>) dst(%dma_wait3A_251 : memref<64x256xf32, #tpu.memory_space<vmem>>)
    %parallel_loop3A_253 = arith.constant 0 : i32
    %parallel_loop3A_254 = arith.constant 64 : i32
    %parallel_loop3A_255 = arith.constant 1 : i32
    scf.for %parallel_loop3A_360 = %parallel_loop3A_253 to %parallel_loop3A_254 step %parallel_loop3A_255  : i32 {
      %parallel_loop3A_361 = arith.constant 0 : i32
      %parallel_loop3A_362 = arith.addi %multiple_of3A, %parallel_loop3A_361 : i32
      %parallel_loop3A_363 = arith.constant 0 : i32
      %parallel_loop3A_364 = arith.index_cast %parallel_loop3A_363 : i32 to index
      %parallel_loop3A_365 = arith.index_cast %parallel_loop3A_360 : i32 to index
      %parallel_loop3A_366 = arith.index_cast %parallel_loop3A_362 : i32 to index
      %parallel_loop3A_367 = tpu.vector_load %arg6[%parallel_loop3A_364, %parallel_loop3A_365, %parallel_loop3A_366] {strides = array<i32>} : memref<2x64x256xf32, #tpu.memory_space<vmem>>, vector<1x1x16xf32>,
      %parallel_loop3A_368 = vector.shape_cast %parallel_loop3A_367 : vector<1x1x16xf32> to vector<16xf32>
      %parallel_loop3A_369 = arith.constant 0 : i32
      %parallel_loop3A_370 = arith.index_cast %parallel_loop3A_369 : i32 to index
      %parallel_loop3A_371 = arith.index_cast %parallel_loop3A_360 : i32 to index
      %parallel_loop3A_372 = arith.constant 0 : index
      %parallel_loop3A_373 = tpu.vector_load %arg7[%parallel_loop3A_370, %parallel_loop3A_371, %parallel_loop3A_372] {strides = array<i32>} : memref<2x64x192xf32, #tpu.memory_space<vmem>>, vector<1x1x16xf32>,
      %parallel_loop3A_374 = vector.shape_cast %parallel_loop3A_373 : vector<1x1x16xf32> to vector<16xf32>
      %parallel_loop3A_375 = vector.shape_cast %parallel_loop3A_368 : vector<16xf32> to vector<1x1x16xf32>
      tpu.vector_store %arg7[%parallel_loop3A_370, %parallel_loop3A_371, %parallel_loop3A_372], %parallel_loop3A_375 {strides = array<i32>} : memref<2x64x192xf32, #tpu.memory_space<vmem>>, vector<1x1x16xf32>,
      %parallel_loop3A_376 = arith.constant 16 : i32
      %parallel_loop3A_377 = arith.addi %multiple_of3A, %parallel_loop3A_376 : i32
      %parallel_loop3A_378 = arith.constant 0 : i32
      %parallel_loop3A_379 = arith.index_cast %parallel_loop3A_378 : i32 to index
      %parallel_loop3A_380 = arith.index_cast %parallel_loop3A_360 : i32 to index
      %parallel_loop3A_381 = arith.index_cast %parallel_loop3A_377 : i32 to index
      %parallel_loop3A_382 = tpu.vector_load %arg6[%parallel_loop3A_379, %parallel_loop3A_380, %parallel_loop3A_381] {strides = array<i32>} : memref<2x64x256xf32, #tpu.memory_space<vmem>>, vector<1x1x16xf32>,
      %parallel_loop3A_383 = vector.shape_cast %parallel_loop3A_382 : vector<1x1x16xf32> to vector<16xf32>
      %parallel_loop3A_384 = arith.constant 0 : i32
      %parallel_loop3A_385 = arith.index_cast %parallel_loop3A_384 : i32 to index
      %parallel_loop3A_386 = arith.index_cast %parallel_loop3A_360 : i32 to index
      %parallel_loop3A_387 = arith.constant 16 : index
      %parallel_loop3A_388 = tpu.vector_load %arg7[%parallel_loop3A_385, %parallel_loop3A_386, %parallel_loop3A_387] {strides = array<i32>} : memref<2x64x192xf32, #tpu.memory_space<vmem>>, vector<1x1x16xf32>,
      %parallel_loop3A_389 = vector.shape_cast %parallel_loop3A_388 : vector<1x1x16xf32> to vector<16xf32>
      %parallel_loop3A_390 = vector.shape_cast %parallel_loop3A_383 : vector<16xf32> to vector<1x1x16xf32>
      tpu.vector_store %arg7[%parallel_loop3A_385, %parallel_loop3A_386, %parallel_loop3A_387], %parallel_loop3A_390 {strides = array<i32>} : memref<2x64x192xf32, #tpu.memory_space<vmem>>, vector<1x1x16xf32>,
      %parallel_loop3A_391 = arith.constant 32 : i32
      %parallel_loop3A_392 = arith.addi %multiple_of3A, %parallel_loop3A_391 : i32
      %parallel_loop3A_393 = arith.constant 0 : i32
      %parallel_loop3A_394 = arith.index_cast %parallel_loop3A_393 : i32 to index
      %parallel_loop3A_395 = arith.index_cast %parallel_loop3A_360 : i32 to index
      %parallel_loop3A_396 = arith.index_cast %parallel_loop3A_392 : i32 to index
      %parallel_loop3A_397 = tpu.vector_load %arg6[%parallel_loop3A_394, %parallel_loop3A_395, %parallel_loop3A_396] {strides = array<i32>} : memref<2x64x256xf32, #tpu.memory_space<vmem>>, vector<1x1x16xf32>,
      %parallel_loop3A_398 = vector.shape_cast %parallel_loop3A_397 : vector<1x1x16xf32> to vector<16xf32>
      %parallel_loop3A_399 = arith.constant 0 : i32
      %parallel_loop3A_400 = arith.index_cast %parallel_loop3A_399 : i32 to index
      %parallel_loop3A_401 = arith.index_cast %parallel_loop3A_360 : i32 to index
      %parallel_loop3A_402 = arith.constant 32 : index
      %parallel_loop3A_403 = tpu.vector_load %arg7[%parallel_loop3A_400, %parallel_loop3A_401, %parallel_loop3A_402] {strides = array<i32>} : memref<2x64x192xf32, #tpu.memory_space<vmem>>, vector<1x1x16xf32>,
      %parallel_loop3A_404 = vector.shape_cast %parallel_loop3A_403 : vector<1x1x16xf32> to vector<16xf32>
      %parallel_loop3A_405 = vector.shape_cast %parallel_loop3A_398 : vector<16xf32> to vector<1x1x16xf32>
      tpu.vector_store %arg7[%parallel_loop3A_400, %parallel_loop3A_401, %parallel_loop3A_402], %parallel_loop3A_405 {strides = array<i32>} : memref<2x64x192xf32, #tpu.memory_space<vmem>>, vector<1x1x16xf32>,
      %parallel_loop3A_406 = arith.constant 48 : i32
      %parallel_loop3A_407 = arith.addi %multiple_of3A, %parallel_loop3A_406 : i32
      %parallel_loop3A_408 = arith.constant 0 : i32
      %parallel_loop3A_409 = arith.index_cast %parallel_loop3A_408 : i32 to index
      %parallel_loop3A_410 = arith.index_cast %parallel_loop3A_360 : i32 to index
      %parallel_loop3A_411 = arith.index_cast %parallel_loop3A_407 : i32 to index
      %parallel_loop3A_412 = tpu.vector_load %arg6[%parallel_loop3A_409, %parallel_loop3A_410, %parallel_loop3A_411] {strides = array<i32>} : memref<2x64x256xf32, #tpu.memory_space<vmem>>, vector<1x1x16xf32>,
      %parallel_loop3A_413 = vector.shape_cast %parallel_loop3A_412 : vector<1x1x16xf32> to vector<16xf32>
      %parallel_loop3A_414 = arith.constant 0 : i32
      %parallel_loop3A_415 = arith.index_cast %parallel_loop3A_414 : i32 to index
      %parallel_loop3A_416 = arith.index_cast %parallel_loop3A_360 : i32 to index
      %parallel_loop3A_417 = arith.constant 48 : index
      %parallel_loop3A_418 = tpu.vector_load %arg7[%parallel_loop3A_415, %parallel_loop3A_416, %parallel_loop3A_417] {strides = array<i32>} : memref<2x64x192xf32, #tpu.memory_space<vmem>>, vector<1x1x16xf32>,
      %parallel_loop3A_419 = vector.shape_cast %parallel_loop3A_418 : vector<1x1x16xf32> to vector<16xf32>
      %parallel_loop3A_420 = vector.shape_cast %parallel_loop3A_413 : vector<16xf32> to vector<1x1x16xf32>
      tpu.vector_store %arg7[%parallel_loop3A_415, %parallel_loop3A_416, %parallel_loop3A_417], %parallel_loop3A_420 {strides = array<i32>} : memref<2x64x192xf32, #tpu.memory_space<vmem>>, vector<1x1x16xf32>,
      %parallel_loop3A_421 = arith.constant 64 : i32
      %parallel_loop3A_422 = arith.addi %multiple_of3A, %parallel_loop3A_421 : i32
      %parallel_loop3A_423 = arith.constant 0 : i32
      %parallel_loop3A_424 = arith.index_cast %parallel_loop3A_423 : i32 to index
      %parallel_loop3A_425 = arith.index_cast %parallel_loop3A_360 : i32 to index
      %parallel_loop3A_426 = arith.index_cast %parallel_loop3A_422 : i32 to index
      %parallel_loop3A_427 = tpu.vector_load %arg6[%parallel_loop3A_424, %parallel_loop3A_425, %parallel_loop3A_426] {strides = array<i32>} : memref<2x64x256xf32, #tpu.memory_space<vmem>>, vector<1x1x16xf32>,
      %parallel_loop3A_428 = vector.shape_cast %parallel_loop3A_427 : vector<1x1x16xf32> to vector<16xf32>
      %parallel_loop3A_429 = arith.constant 0 : i32
      %parallel_loop3A_430 = arith.index_cast %parallel_loop3A_429 : i32 to index
      %parallel_loop3A_431 = arith.index_cast %parallel_loop3A_360 : i32 to index
      %parallel_loop3A_432 = arith.constant 64 : index
      %parallel_loop3A_433 = tpu.vector_load %arg7[%parallel_loop3A_430, %parallel_loop3A_431, %parallel_loop3A_432] {strides = array<i32>} : memref<2x64x192xf32, #tpu.memory_space<vmem>>, vector<1x1x16xf32>,
      %parallel_loop3A_434 = vector.shape_cast %parallel_loop3A_433 : vector<1x1x16xf32> to vector<16xf32>
      %parallel_loop3A_435 = vector.shape_cast %parallel_loop3A_428 : vector<16xf32> to vector<1x1x16xf32>
      tpu.vector_store %arg7[%parallel_loop3A_430, %parallel_loop3A_431, %parallel_loop3A_432], %parallel_loop3A_435 {strides = array<i32>} : memref<2x64x192xf32, #tpu.memory_space<vmem>>, vector<1x1x16xf32>,
      %parallel_loop3A_436 = arith.constant 80 : i32
      %parallel_loop3A_437 = arith.addi %multiple_of3A, %parallel_loop3A_436 : i32
      %parallel_loop3A_438 = arith.constant 0 : i32
      %parallel_loop3A_439 = arith.index_cast %parallel_loop3A_438 : i32 to index
      %parallel_loop3A_440 = arith.index_cast %parallel_loop3A_360 : i32 to index
      %parallel_loop3A_441 = arith.index_cast %parallel_loop3A_437 : i32 to index
      %parallel_loop3A_442 = tpu.vector_load %arg6[%parallel_loop3A_439, %parallel_loop3A_440, %parallel_loop3A_441] {strides = array<i32>} : memref<2x64x256xf32, #tpu.memory_space<vmem>>, vector<1x1x16xf32>,
      %parallel_loop3A_443 = vector.shape_cast %parallel_loop3A_442 : vector<1x1x16xf32> to vector<16xf32>
      %parallel_loop3A_444 = arith.constant 0 : i32
      %parallel_loop3A_445 = arith.index_cast %parallel_loop3A_444 : i32 to index
      %parallel_loop3A_446 = arith.index_cast %parallel_loop3A_360 : i32 to index
      %parallel_loop3A_447 = arith.constant 80 : index
      %parallel_loop3A_448 = tpu.vector_load %arg7[%parallel_loop3A_445, %parallel_loop3A_446, %parallel_loop3A_447] {strides = array<i32>} : memref<2x64x192xf32, #tpu.memory_space<vmem>>, vector<1x1x16xf32>,
      %parallel_loop3A_449 = vector.shape_cast %parallel_loop3A_448 : vector<1x1x16xf32> to vector<16xf32>
      %parallel_loop3A_450 = vector.shape_cast %parallel_loop3A_443 : vector<16xf32> to vector<1x1x16xf32>
      tpu.vector_store %arg7[%parallel_loop3A_445, %parallel_loop3A_446, %parallel_loop3A_447], %parallel_loop3A_450 {strides = array<i32>} : memref<2x64x192xf32, #tpu.memory_space<vmem>>, vector<1x1x16xf32>,
      %parallel_loop3A_451 = arith.constant 96 : i32
      %parallel_loop3A_452 = arith.addi %multiple_of3A, %parallel_loop3A_451 : i32
      %parallel_loop3A_453 = arith.constant 0 : i32
      %parallel_loop3A_454 = arith.index_cast %parallel_loop3A_453 : i32 to index
      %parallel_loop3A_455 = arith.index_cast %parallel_loop3A_360 : i32 to index
      %parallel_loop3A_456 = arith.index_cast %parallel_loop3A_452 : i32 to index
      %parallel_loop3A_457 = tpu.vector_load %arg6[%parallel_loop3A_454, %parallel_loop3A_455, %parallel_loop3A_456] {strides = array<i32>} : memref<2x64x256xf32, #tpu.memory_space<vmem>>, vector<1x1x16xf32>,
      %parallel_loop3A_458 = vector.shape_cast %parallel_loop3A_457 : vector<1x1x16xf32> to vector<16xf32>
      %parallel_loop3A_459 = arith.constant 0 : i32
      %parallel_loop3A_460 = arith.index_cast %parallel_loop3A_459 : i32 to index
      %parallel_loop3A_461 = arith.index_cast %parallel_loop3A_360 : i32 to index
      %parallel_loop3A_462 = arith.constant 96 : index
      %parallel_loop3A_463 = tpu.vector_load %arg7[%parallel_loop3A_460, %parallel_loop3A_461, %parallel_loop3A_462] {strides = array<i32>} : memref<2x64x192xf32, #tpu.memory_space<vmem>>, vector<1x1x16xf32>,
      %parallel_loop3A_464 = vector.shape_cast %parallel_loop3A_463 : vector<1x1x16xf32> to vector<16xf32>
      %parallel_loop3A_465 = vector.shape_cast %parallel_loop3A_458 : vector<16xf32> to vector<1x1x16xf32>
      tpu.vector_store %arg7[%parallel_loop3A_460, %parallel_loop3A_461, %parallel_loop3A_462], %parallel_loop3A_465 {strides = array<i32>} : memref<2x64x192xf32, #tpu.memory_space<vmem>>, vector<1x1x16xf32>,
      %parallel_loop3A_466 = arith.constant 112 : i32
      %parallel_loop3A_467 = arith.addi %multiple_of3A, %parallel_loop3A_466 : i32
      %parallel_loop3A_468 = arith.constant 0 : i32
      %parallel_loop3A_469 = arith.index_cast %parallel_loop3A_468 : i32 to index
      %parallel_loop3A_470 = arith.index_cast %parallel_loop3A_360 : i32 to index
      %parallel_loop3A_471 = arith.index_cast %parallel_loop3A_467 : i32 to index
      %parallel_loop3A_472 = tpu.vector_load %arg6[%parallel_loop3A_469, %parallel_loop3A_470, %parallel_loop3A_471] {strides = array<i32>} : memref<2x64x256xf32, #tpu.memory_space<vmem>>, vector<1x1x16xf32>,
      %parallel_loop3A_473 = vector.shape_cast %parallel_loop3A_472 : vector<1x1x16xf32> to vector<16xf32>
      %parallel_loop3A_474 = arith.constant 0 : i32
      %parallel_loop3A_475 = arith.index_cast %parallel_loop3A_474 : i32 to index
      %parallel_loop3A_476 = arith.index_cast %parallel_loop3A_360 : i32 to index
      %parallel_loop3A_477 = arith.constant 112 : index
      %parallel_loop3A_478 = tpu.vector_load %arg7[%parallel_loop3A_475, %parallel_loop3A_476, %parallel_loop3A_477] {strides = array<i32>} : memref<2x64x192xf32, #tpu.memory_space<vmem>>, vector<1x1x16xf32>,
      %parallel_loop3A_479 = vector.shape_cast %parallel_loop3A_478 : vector<1x1x16xf32> to vector<16xf32>
      %parallel_loop3A_480 = vector.shape_cast %parallel_loop3A_473 : vector<16xf32> to vector<1x1x16xf32>
      tpu.vector_store %arg7[%parallel_loop3A_475, %parallel_loop3A_476, %parallel_loop3A_477], %parallel_loop3A_480 {strides = array<i32>} : memref<2x64x192xf32, #tpu.memory_space<vmem>>, vector<1x1x16xf32>,
      %parallel_loop3A_481 = arith.constant 128 : i32
      %parallel_loop3A_482 = arith.addi %multiple_of3A, %parallel_loop3A_481 : i32
      %parallel_loop3A_483 = arith.constant 0 : i32
      %parallel_loop3A_484 = arith.index_cast %parallel_loop3A_483 : i32 to index
      %parallel_loop3A_485 = arith.index_cast %parallel_loop3A_360 : i32 to index
      %parallel_loop3A_486 = arith.index_cast %parallel_loop3A_482 : i32 to index
      %parallel_loop3A_487 = tpu.vector_load %arg6[%parallel_loop3A_484, %parallel_loop3A_485, %parallel_loop3A_486] {strides = array<i32>} : memref<2x64x256xf32, #tpu.memory_space<vmem>>, vector<1x1x16xf32>,
      %parallel_loop3A_488 = vector.shape_cast %parallel_loop3A_487 : vector<1x1x16xf32> to vector<16xf32>
      %parallel_loop3A_489 = arith.constant 0 : i32
      %parallel_loop3A_490 = arith.index_cast %parallel_loop3A_489 : i32 to index
      %parallel_loop3A_491 = arith.index_cast %parallel_loop3A_360 : i32 to index
      %parallel_loop3A_492 = arith.constant 128 : index
      %parallel_loop3A_493 = tpu.vector_load %arg7[%parallel_loop3A_490, %parallel_loop3A_491, %parallel_loop3A_492] {strides = array<i32>} : memref<2x64x192xf32, #tpu.memory_space<vmem>>, vector<1x1x16xf32>,
      %parallel_loop3A_494 = vector.shape_cast %parallel_loop3A_493 : vector<1x1x16xf32> to vector<16xf32>
      %parallel_loop3A_495 = vector.shape_cast %parallel_loop3A_488 : vector<16xf32> to vector<1x1x16xf32>
      tpu.vector_store %arg7[%parallel_loop3A_490, %parallel_loop3A_491, %parallel_loop3A_492], %parallel_loop3A_495 {strides = array<i32>} : memref<2x64x192xf32, #tpu.memory_space<vmem>>, vector<1x1x16xf32>,
      %parallel_loop3A_496 = arith.constant 144 : i32
      %parallel_loop3A_497 = arith.addi %multiple_of3A, %parallel_loop3A_496 : i32
      %parallel_loop3A_498 = arith.constant 0 : i32
      %parallel_loop3A_499 = arith.index_cast %parallel_loop3A_498 : i32 to index
      %parallel_loop3A_500 = arith.index_cast %parallel_loop3A_360 : i32 to index
      %parallel_loop3A_501 = arith.index_cast %parallel_loop3A_497 : i32 to index
      %parallel_loop3A_502 = tpu.vector_load %arg6[%parallel_loop3A_499, %parallel_loop3A_500, %parallel_loop3A_501] {strides = array<i32>} : memref<2x64x256xf32, #tpu.memory_space<vmem>>, vector<1x1x16xf32>,
      %parallel_loop3A_503 = vector.shape_cast %parallel_loop3A_502 : vector<1x1x16xf32> to vector<16xf32>
      %parallel_loop3A_504 = arith.constant 0 : i32
      %parallel_loop3A_505 = arith.index_cast %parallel_loop3A_504 : i32 to index
      %parallel_loop3A_506 = arith.index_cast %parallel_loop3A_360 : i32 to index
      %parallel_loop3A_507 = arith.constant 144 : index
      %parallel_loop3A_508 = tpu.vector_load %arg7[%parallel_loop3A_505, %parallel_loop3A_506, %parallel_loop3A_507] {strides = array<i32>} : memref<2x64x192xf32, #tpu.memory_space<vmem>>, vector<1x1x16xf32>,
      %parallel_loop3A_509 = vector.shape_cast %parallel_loop3A_508 : vector<1x1x16xf32> to vector<16xf32>
      %parallel_loop3A_510 = vector.shape_cast %parallel_loop3A_503 : vector<16xf32> to vector<1x1x16xf32>
      tpu.vector_store %arg7[%parallel_loop3A_505, %parallel_loop3A_506, %parallel_loop3A_507], %parallel_loop3A_510 {strides = array<i32>} : memref<2x64x192xf32, #tpu.memory_space<vmem>>, vector<1x1x16xf32>,
      %parallel_loop3A_511 = arith.constant 160 : i32
      %parallel_loop3A_512 = arith.addi %multiple_of3A, %parallel_loop3A_511 : i32
      %parallel_loop3A_513 = arith.constant 0 : i32
      %parallel_loop3A_514 = arith.index_cast %parallel_loop3A_513 : i32 to index
      %parallel_loop3A_515 = arith.index_cast %parallel_loop3A_360 : i32 to index
      %parallel_loop3A_516 = arith.index_cast %parallel_loop3A_512 : i32 to index
      %parallel_loop3A_517 = tpu.vector_load %arg6[%parallel_loop3A_514, %parallel_loop3A_515, %parallel_loop3A_516] {strides = array<i32>} : memref<2x64x256xf32, #tpu.memory_space<vmem>>, vector<1x1x16xf32>,
      %parallel_loop3A_518 = vector.shape_cast %parallel_loop3A_517 : vector<1x1x16xf32> to vector<16xf32>
      %parallel_loop3A_519 = arith.constant 0 : i32
      %parallel_loop3A_520 = arith.index_cast %parallel_loop3A_519 : i32 to index
      %parallel_loop3A_521 = arith.index_cast %parallel_loop3A_360 : i32 to index
      %parallel_loop3A_522 = arith.constant 160 : index
      %parallel_loop3A_523 = tpu.vector_load %arg7[%parallel_loop3A_520, %parallel_loop3A_521, %parallel_loop3A_522] {strides = array<i32>} : memref<2x64x192xf32, #tpu.memory_space<vmem>>, vector<1x1x16xf32>,
      %parallel_loop3A_524 = vector.shape_cast %parallel_loop3A_523 : vector<1x1x16xf32> to vector<16xf32>
      %parallel_loop3A_525 = vector.shape_cast %parallel_loop3A_518 : vector<16xf32> to vector<1x1x16xf32>
      tpu.vector_store %arg7[%parallel_loop3A_520, %parallel_loop3A_521, %parallel_loop3A_522], %parallel_loop3A_525 {strides = array<i32>} : memref<2x64x192xf32, #tpu.memory_space<vmem>>, vector<1x1x16xf32>,
      %parallel_loop3A_526 = arith.constant 176 : i32
      %parallel_loop3A_527 = arith.addi %multiple_of3A, %parallel_loop3A_526 : i32
      %parallel_loop3A_528 = arith.constant 0 : i32
      %parallel_loop3A_529 = arith.index_cast %parallel_loop3A_528 : i32 to index
      %parallel_loop3A_530 = arith.index_cast %parallel_loop3A_360 : i32 to index
      %parallel_loop3A_531 = arith.index_cast %parallel_loop3A_527 : i32 to index
      %parallel_loop3A_532 = tpu.vector_load %arg6[%parallel_loop3A_529, %parallel_loop3A_530, %parallel_loop3A_531] {strides = array<i32>} : memref<2x64x256xf32, #tpu.memory_space<vmem>>, vector<1x1x16xf32>,
      %parallel_loop3A_533 = vector.shape_cast %parallel_loop3A_532 : vector<1x1x16xf32> to vector<16xf32>
      %parallel_loop3A_534 = arith.constant 0 : i32
      %parallel_loop3A_535 = arith.index_cast %parallel_loop3A_534 : i32 to index
      %parallel_loop3A_536 = arith.index_cast %parallel_loop3A_360 : i32 to index
      %parallel_loop3A_537 = arith.constant 176 : index
      %parallel_loop3A_538 = tpu.vector_load %arg7[%parallel_loop3A_535, %parallel_loop3A_536, %parallel_loop3A_537] {strides = array<i32>} : memref<2x64x192xf32, #tpu.memory_space<vmem>>, vector<1x1x16xf32>,
      %parallel_loop3A_539 = vector.shape_cast %parallel_loop3A_538 : vector<1x1x16xf32> to vector<16xf32>
      %parallel_loop3A_540 = vector.shape_cast %parallel_loop3A_533 : vector<16xf32> to vector<1x1x16xf32>
      tpu.vector_store %arg7[%parallel_loop3A_535, %parallel_loop3A_536, %parallel_loop3A_537], %parallel_loop3A_540 {strides = array<i32>} : memref<2x64x192xf32, #tpu.memory_space<vmem>>, vector<1x1x16xf32>,
    } {sc.loop_unroll_factor = 4 : i64, sc.parallel_access}
    %add3A_256 = arith.constant 128 : i32
    %add3A_257 = arith.addi %mul3A_118, %add3A_256 : i32
    %dma_start3A_258 = arith.constant 0 : i32
    %dma_start3A_259 = arith.constant 0 : i32
    %dma_start3A_260 = arith.constant 0 : i32
    %dma_start3A_261 = tpu.memref_slice %arg7[%dma_start3A_258, %dma_start3A_259, %dma_start3A_260] : memref<2x64x192xf32, #tpu.memory_space<vmem>> -> memref<1x64x192xf32, #tpu.memory_space<vmem>>
    %dma_start3A_262 = tpu.memref_squeeze %dma_start3A_261 : memref<1x64x192xf32, #tpu.memory_space<vmem>> -> memref<64x192xf32, #tpu.memory_space<vmem>>
    %dma_start3A_263 = arith.constant 0 : i32
    %dma_start3A_264 = tpu.memref_slice %arg4[%add3A_257, %dma_start3A_263] : memref<8192x192xf32, #tpu.memory_space<hbm>> -> memref<64x192xf32, #tpu.memory_space<hbm>>
    %dma_start3A_265 = arith.constant 0 : i32
    %dma_start3A_266 = tpu.memref_slice %arg4[%add3A_257, %dma_start3A_265] : memref<8192x192xf32, #tpu.memory_space<hbm>> -> memref<64x192xf32, #tpu.memory_space<hbm>>
    %dma_start3A_267 = arith.constant 0 : i32
    %dma_start3A_268 = arith.constant 0 : i32
    %dma_start3A_269 = tpu.memref_slice %arg7[%dma_start3A_258, %dma_start3A_267, %dma_start3A_268] : memref<2x64x192xf32, #tpu.memory_space<vmem>> -> memref<1x64x192xf32, #tpu.memory_space<vmem>>
    %dma_start3A_270 = tpu.memref_squeeze %dma_start3A_269 : memref<1x64x192xf32, #tpu.memory_space<vmem>> -> memref<64x192xf32, #tpu.memory_space<vmem>>
    tpu.enqueue_dma source(%dma_start3A_270 : memref<64x192xf32, #tpu.memory_space<vmem>>) target(%dma_start3A_266 : memref<64x192xf32, #tpu.memory_space<hbm>>) target_semaphore(%arg10 : memref<!tpu.dma_semaphore, #tpu.memory_space<semaphore_mem>>)
    %add3A_271 = arith.constant 64 : i32
    %add3A_272 = arith.addi %mul3A_118, %add3A_271 : i32
    %dma_wait3A_273 = arith.constant 1 : i32
    %dma_wait3A_274 = arith.constant 0 : i32
    %dma_wait3A_275 = arith.constant 0 : i32
    %dma_wait3A_276 = tpu.memref_slice %arg7[%dma_wait3A_273, %dma_wait3A_274, %dma_wait3A_275] : memref<2x64x192xf32, #tpu.memory_space<vmem>> -> memref<1x64x192xf32, #tpu.memory_space<vmem>>
    %dma_wait3A_277 = tpu.memref_squeeze %dma_wait3A_276 : memref<1x64x192xf32, #tpu.memory_space<vmem>> -> memref<64x192xf32, #tpu.memory_space<vmem>>
    %dma_wait3A_278 = arith.constant 0 : i32
    %dma_wait3A_279 = tpu.memref_slice %arg4[%add3A_272, %dma_wait3A_278] : memref<8192x192xf32, #tpu.memory_space<hbm>> -> memref<64x192xf32, #tpu.memory_space<hbm>>
    %dma_wait3A_280 = arith.constant 0 : i32
    %dma_wait3A_281 = tpu.memref_slice %arg4[%add3A_272, %dma_wait3A_280] : memref<8192x192xf32, #tpu.memory_space<hbm>> -> memref<64x192xf32, #tpu.memory_space<hbm>>
    %dma_wait3A_282 = arith.constant 0 : i32
    %dma_wait3A_283 = arith.constant 0 : i32
    %dma_wait3A_284 = tpu.memref_slice %arg7[%dma_wait3A_273, %dma_wait3A_282, %dma_wait3A_283] : memref<2x64x192xf32, #tpu.memory_space<vmem>> -> memref<1x64x192xf32, #tpu.memory_space<vmem>>
    %dma_wait3A_285 = tpu.memref_squeeze %dma_wait3A_284 : memref<1x64x192xf32, #tpu.memory_space<vmem>> -> memref<64x192xf32, #tpu.memory_space<vmem>>
    tpu.wait_dma2 semaphore(%arg11 : memref<!tpu.dma_semaphore, #tpu.memory_space<semaphore_mem>>) src(%dma_wait3A_285 : memref<64x192xf32, #tpu.memory_space<vmem>>) dst(%dma_wait3A_281 : memref<64x192xf32, #tpu.memory_space<hbm>>)
    %add3A_286 = arith.constant 192 : i32
    %add3A_287 = arith.addi %mul3A_118, %add3A_286 : i32
    %dma_start3A_288 = arith.constant 1 : i32
    %dma_start3A_289 = arith.constant 0 : i32
    %dma_start3A_290 = arith.constant 0 : i32
    %dma_start3A_291 = tpu.memref_slice %arg6[%dma_start3A_288, %dma_start3A_289, %dma_start3A_290] : memref<2x64x256xf32, #tpu.memory_space<vmem>> -> memref<1x64x256xf32, #tpu.memory_space<vmem>>
    %dma_start3A_292 = tpu.memref_squeeze %dma_start3A_291 : memref<1x64x256xf32, #tpu.memory_space<vmem>> -> memref<64x256xf32, #tpu.memory_space<vmem>>
    %dma_start3A_293 = tpu.memref_slice %arg2[%add3A_287, %multiple_of3A_126] : memref<8192x768xf32, #tpu.memory_space<hbm>> -> memref<64x256xf32, #tpu.memory_space<hbm>>
    %dma_start3A_294 = arith.constant 0 : i32
    %dma_start3A_295 = arith.constant 0 : i32
    %dma_start3A_296 = tpu.memref_slice %arg6[%dma_start3A_288, %dma_start3A_294, %dma_start3A_295] : memref<2x64x256xf32, #tpu.memory_space<vmem>> -> memref<1x64x256xf32, #tpu.memory_space<vmem>>
    %dma_start3A_297 = tpu.memref_squeeze %dma_start3A_296 : memref<1x64x256xf32, #tpu.memory_space<vmem>> -> memref<64x256xf32, #tpu.memory_space<vmem>>
    %dma_start3A_298 = tpu.memref_slice %arg2[%add3A_287, %multiple_of3A_126] : memref<8192x768xf32, #tpu.memory_space<hbm>> -> memref<64x256xf32, #tpu.memory_space<hbm>>
    tpu.enqueue_dma source(%dma_start3A_298 : memref<64x256xf32, #tpu.memory_space<hbm>>) target(%dma_start3A_297 : memref<64x256xf32, #tpu.memory_space<vmem>>) target_semaphore(%arg9 : memref<!tpu.dma_semaphore, #tpu.memory_space<semaphore_mem>>)
    %add3A_299 = arith.constant 192 : i32
    %add3A_300 = arith.addi %mul3A_118, %add3A_299 : i32
    %dma_wait3A_301 = arith.constant 1 : i32
    %dma_wait3A_302 = arith.constant 0 : i32
    %dma_wait3A_303 = arith.constant 0 : i32
    %dma_wait3A_304 = tpu.memref_slice %arg6[%dma_wait3A_301, %dma_wait3A_302, %dma_wait3A_303] : memref<2x64x256xf32, #tpu.memory_space<vmem>> -> memref<1x64x256xf32, #tpu.memory_space<vmem>>
    %dma_wait3A_305 = tpu.memref_squeeze %dma_wait3A_304 : memref<1x64x256xf32, #tpu.memory_space<vmem>> -> memref<64x256xf32, #tpu.memory_space<vmem>>
    %dma_wait3A_306 = tpu.memref_slice %arg2[%add3A_300, %multiple_of3A_126] : memref<8192x768xf32, #tpu.memory_space<hbm>> -> memref<64x256xf32, #tpu.memory_space<hbm>>
    %dma_wait3A_307 = arith.constant 0 : i32
    %dma_wait3A_308 = arith.constant 0 : i32
    %dma_wait3A_309 = tpu.memref_slice %arg6[%dma_wait3A_301, %dma_wait3A_307, %dma_wait3A_308] : memref<2x64x256xf32, #tpu.memory_space<vmem>> -> memref<1x64x256xf32, #tpu.memory_space<vmem>>
    %dma_wait3A_310 = tpu.memref_squeeze %dma_wait3A_309 : memref<1x64x256xf32, #tpu.memory_space<vmem>> -> memref<64x256xf32, #tpu.memory_space<vmem>>
    %dma_wait3A_311 = tpu.memref_slice %arg2[%add3A_300, %multiple_of3A_126] : memref<8192x768xf32, #tpu.memory_space<hbm>> -> memref<64x256xf32, #tpu.memory_space<hbm>>
    tpu.wait_dma2 semaphore(%arg9 : memref<!tpu.dma_semaphore, #tpu.memory_space<semaphore_mem>>) src(%dma_wait3A_311 : memref<64x256xf32, #tpu.memory_space<hbm>>) dst(%dma_wait3A_310 : memref<64x256xf32, #tpu.memory_space<vmem>>)
    %parallel_loop3A_312 = arith.constant 0 : i32
    %parallel_loop3A_313 = arith.constant 64 : i32
    %parallel_loop3A_314 = arith.constant 1 : i32
    scf.for %parallel_loop3A_360 = %parallel_loop3A_312 to %parallel_loop3A_313 step %parallel_loop3A_314  : i32 {
      %parallel_loop3A_361 = arith.constant 0 : i32
      %parallel_loop3A_362 = arith.addi %multiple_of3A, %parallel_loop3A_361 : i32
      %parallel_loop3A_363 = arith.constant 1 : i32
      %parallel_loop3A_364 = arith.index_cast %parallel_loop3A_363 : i32 to index
      %parallel_loop3A_365 = arith.index_cast %parallel_loop3A_360 : i32 to index
      %parallel_loop3A_366 = arith.index_cast %parallel_loop3A_362 : i32 to index
      %parallel_loop3A_367 = tpu.vector_load %arg6[%parallel_loop3A_364, %parallel_loop3A_365, %parallel_loop3A_366] {strides = array<i32>} : memref<2x64x256xf32, #tpu.memory_space<vmem>>, vector<1x1x16xf32>,
      %parallel_loop3A_368 = vector.shape_cast %parallel_loop3A_367 : vector<1x1x16xf32> to vector<16xf32>
      %parallel_loop3A_369 = arith.constant 1 : i32
      %parallel_loop3A_370 = arith.index_cast %parallel_loop3A_369 : i32 to index
      %parallel_loop3A_371 = arith.index_cast %parallel_loop3A_360 : i32 to index
      %parallel_loop3A_372 = arith.constant 0 : index
      %parallel_loop3A_373 = tpu.vector_load %arg7[%parallel_loop3A_370, %parallel_loop3A_371, %parallel_loop3A_372] {strides = array<i32>} : memref<2x64x192xf32, #tpu.memory_space<vmem>>, vector<1x1x16xf32>,
      %parallel_loop3A_374 = vector.shape_cast %parallel_loop3A_373 : vector<1x1x16xf32> to vector<16xf32>
      %parallel_loop3A_375 = vector.shape_cast %parallel_loop3A_368 : vector<16xf32> to vector<1x1x16xf32>
      tpu.vector_store %arg7[%parallel_loop3A_370, %parallel_loop3A_371, %parallel_loop3A_372], %parallel_loop3A_375 {strides = array<i32>} : memref<2x64x192xf32, #tpu.memory_space<vmem>>, vector<1x1x16xf32>,
      %parallel_loop3A_376 = arith.constant 16 : i32
      %parallel_loop3A_377 = arith.addi %multiple_of3A, %parallel_loop3A_376 : i32
      %parallel_loop3A_378 = arith.constant 1 : i32
      %parallel_loop3A_379 = arith.index_cast %parallel_loop3A_378 : i32 to index
      %parallel_loop3A_380 = arith.index_cast %parallel_loop3A_360 : i32 to index
      %parallel_loop3A_381 = arith.index_cast %parallel_loop3A_377 : i32 to index
      %parallel_loop3A_382 = tpu.vector_load %arg6[%parallel_loop3A_379, %parallel_loop3A_380, %parallel_loop3A_381] {strides = array<i32>} : memref<2x64x256xf32, #tpu.memory_space<vmem>>, vector<1x1x16xf32>,
      %parallel_loop3A_383 = vector.shape_cast %parallel_loop3A_382 : vector<1x1x16xf32> to vector<16xf32>
      %parallel_loop3A_384 = arith.constant 1 : i32
      %parallel_loop3A_385 = arith.index_cast %parallel_loop3A_384 : i32 to index
      %parallel_loop3A_386 = arith.index_cast %parallel_loop3A_360 : i32 to index
      %parallel_loop3A_387 = arith.constant 16 : index
      %parallel_loop3A_388 = tpu.vector_load %arg7[%parallel_loop3A_385, %parallel_loop3A_386, %parallel_loop3A_387] {strides = array<i32>} : memref<2x64x192xf32, #tpu.memory_space<vmem>>, vector<1x1x16xf32>,
      %parallel_loop3A_389 = vector.shape_cast %parallel_loop3A_388 : vector<1x1x16xf32> to vector<16xf32>
      %parallel_loop3A_390 = vector.shape_cast %parallel_loop3A_383 : vector<16xf32> to vector<1x1x16xf32>
      tpu.vector_store %arg7[%parallel_loop3A_385, %parallel_loop3A_386, %parallel_loop3A_387], %parallel_loop3A_390 {strides = array<i32>} : memref<2x64x192xf32, #tpu.memory_space<vmem>>, vector<1x1x16xf32>,
      %parallel_loop3A_391 = arith.constant 32 : i32
      %parallel_loop3A_392 = arith.addi %multiple_of3A, %parallel_loop3A_391 : i32
      %parallel_loop3A_393 = arith.constant 1 : i32
      %parallel_loop3A_394 = arith.index_cast %parallel_loop3A_393 : i32 to index
      %parallel_loop3A_395 = arith.index_cast %parallel_loop3A_360 : i32 to index
      %parallel_loop3A_396 = arith.index_cast %parallel_loop3A_392 : i32 to index
      %parallel_loop3A_397 = tpu.vector_load %arg6[%parallel_loop3A_394, %parallel_loop3A_395, %parallel_loop3A_396] {strides = array<i32>} : memref<2x64x256xf32, #tpu.memory_space<vmem>>, vector<1x1x16xf32>,
      %parallel_loop3A_398 = vector.shape_cast %parallel_loop3A_397 : vector<1x1x16xf32> to vector<16xf32>
      %parallel_loop3A_399 = arith.constant 1 : i32
      %parallel_loop3A_400 = arith.index_cast %parallel_loop3A_399 : i32 to index
      %parallel_loop3A_401 = arith.index_cast %parallel_loop3A_360 : i32 to index
      %parallel_loop3A_402 = arith.constant 32 : index
      %parallel_loop3A_403 = tpu.vector_load %arg7[%parallel_loop3A_400, %parallel_loop3A_401, %parallel_loop3A_402] {strides = array<i32>} : memref<2x64x192xf32, #tpu.memory_space<vmem>>, vector<1x1x16xf32>,
      %parallel_loop3A_404 = vector.shape_cast %parallel_loop3A_403 : vector<1x1x16xf32> to vector<16xf32>
      %parallel_loop3A_405 = vector.shape_cast %parallel_loop3A_398 : vector<16xf32> to vector<1x1x16xf32>
      tpu.vector_store %arg7[%parallel_loop3A_400, %parallel_loop3A_401, %parallel_loop3A_402], %parallel_loop3A_405 {strides = array<i32>} : memref<2x64x192xf32, #tpu.memory_space<vmem>>, vector<1x1x16xf32>,
      %parallel_loop3A_406 = arith.constant 48 : i32
      %parallel_loop3A_407 = arith.addi %multiple_of3A, %parallel_loop3A_406 : i32
      %parallel_loop3A_408 = arith.constant 1 : i32
      %parallel_loop3A_409 = arith.index_cast %parallel_loop3A_408 : i32 to index
      %parallel_loop3A_410 = arith.index_cast %parallel_loop3A_360 : i32 to index
      %parallel_loop3A_411 = arith.index_cast %parallel_loop3A_407 : i32 to index
      %parallel_loop3A_412 = tpu.vector_load %arg6[%parallel_loop3A_409, %parallel_loop3A_410, %parallel_loop3A_411] {strides = array<i32>} : memref<2x64x256xf32, #tpu.memory_space<vmem>>, vector<1x1x16xf32>,
      %parallel_loop3A_413 = vector.shape_cast %parallel_loop3A_412 : vector<1x1x16xf32> to vector<16xf32>
      %parallel_loop3A_414 = arith.constant 1 : i32
      %parallel_loop3A_415 = arith.index_cast %parallel_loop3A_414 : i32 to index
      %parallel_loop3A_416 = arith.index_cast %parallel_loop3A_360 : i32 to index
      %parallel_loop3A_417 = arith.constant 48 : index
      %parallel_loop3A_418 = tpu.vector_load %arg7[%parallel_loop3A_415, %parallel_loop3A_416, %parallel_loop3A_417] {strides = array<i32>} : memref<2x64x192xf32, #tpu.memory_space<vmem>>, vector<1x1x16xf32>,
      %parallel_loop3A_419 = vector.shape_cast %parallel_loop3A_418 : vector<1x1x16xf32> to vector<16xf32>
      %parallel_loop3A_420 = vector.shape_cast %parallel_loop3A_413 : vector<16xf32> to vector<1x1x16xf32>
      tpu.vector_store %arg7[%parallel_loop3A_415, %parallel_loop3A_416, %parallel_loop3A_417], %parallel_loop3A_420 {strides = array<i32>} : memref<2x64x192xf32, #tpu.memory_space<vmem>>, vector<1x1x16xf32>,
      %parallel_loop3A_421 = arith.constant 64 : i32
      %parallel_loop3A_422 = arith.addi %multiple_of3A, %parallel_loop3A_421 : i32
      %parallel_loop3A_423 = arith.constant 1 : i32
      %parallel_loop3A_424 = arith.index_cast %parallel_loop3A_423 : i32 to index
      %parallel_loop3A_425 = arith.index_cast %parallel_loop3A_360 : i32 to index
      %parallel_loop3A_426 = arith.index_cast %parallel_loop3A_422 : i32 to index
      %parallel_loop3A_427 = tpu.vector_load %arg6[%parallel_loop3A_424, %parallel_loop3A_425, %parallel_loop3A_426] {strides = array<i32>} : memref<2x64x256xf32, #tpu.memory_space<vmem>>, vector<1x1x16xf32>,
      %parallel_loop3A_428 = vector.shape_cast %parallel_loop3A_427 : vector<1x1x16xf32> to vector<16xf32>
      %parallel_loop3A_429 = arith.constant 1 : i32
      %parallel_loop3A_430 = arith.index_cast %parallel_loop3A_429 : i32 to index
      %parallel_loop3A_431 = arith.index_cast %parallel_loop3A_360 : i32 to index
      %parallel_loop3A_432 = arith.constant 64 : index
      %parallel_loop3A_433 = tpu.vector_load %arg7[%parallel_loop3A_430, %parallel_loop3A_431, %parallel_loop3A_432] {strides = array<i32>} : memref<2x64x192xf32, #tpu.memory_space<vmem>>, vector<1x1x16xf32>,
      %parallel_loop3A_434 = vector.shape_cast %parallel_loop3A_433 : vector<1x1x16xf32> to vector<16xf32>
      %parallel_loop3A_435 = vector.shape_cast %parallel_loop3A_428 : vector<16xf32> to vector<1x1x16xf32>
      tpu.vector_store %arg7[%parallel_loop3A_430, %parallel_loop3A_431, %parallel_loop3A_432], %parallel_loop3A_435 {strides = array<i32>} : memref<2x64x192xf32, #tpu.memory_space<vmem>>, vector<1x1x16xf32>,
      %parallel_loop3A_436 = arith.constant 80 : i32
      %parallel_loop3A_437 = arith.addi %multiple_of3A, %parallel_loop3A_436 : i32
      %parallel_loop3A_438 = arith.constant 1 : i32
      %parallel_loop3A_439 = arith.index_cast %parallel_loop3A_438 : i32 to index
      %parallel_loop3A_440 = arith.index_cast %parallel_loop3A_360 : i32 to index
      %parallel_loop3A_441 = arith.index_cast %parallel_loop3A_437 : i32 to index
      %parallel_loop3A_442 = tpu.vector_load %arg6[%parallel_loop3A_439, %parallel_loop3A_440, %parallel_loop3A_441] {strides = array<i32>} : memref<2x64x256xf32, #tpu.memory_space<vmem>>, vector<1x1x16xf32>,
      %parallel_loop3A_443 = vector.shape_cast %parallel_loop3A_442 : vector<1x1x16xf32> to vector<16xf32>
      %parallel_loop3A_444 = arith.constant 1 : i32
      %parallel_loop3A_445 = arith.index_cast %parallel_loop3A_444 : i32 to index
      %parallel_loop3A_446 = arith.index_cast %parallel_loop3A_360 : i32 to index
      %parallel_loop3A_447 = arith.constant 80 : index
      %parallel_loop3A_448 = tpu.vector_load %arg7[%parallel_loop3A_445, %parallel_loop3A_446, %parallel_loop3A_447] {strides = array<i32>} : memref<2x64x192xf32, #tpu.memory_space<vmem>>, vector<1x1x16xf32>,
      %parallel_loop3A_449 = vector.shape_cast %parallel_loop3A_448 : vector<1x1x16xf32> to vector<16xf32>
      %parallel_loop3A_450 = vector.shape_cast %parallel_loop3A_443 : vector<16xf32> to vector<1x1x16xf32>
      tpu.vector_store %arg7[%parallel_loop3A_445, %parallel_loop3A_446, %parallel_loop3A_447], %parallel_loop3A_450 {strides = array<i32>} : memref<2x64x192xf32, #tpu.memory_space<vmem>>, vector<1x1x16xf32>,
      %parallel_loop3A_451 = arith.constant 96 : i32
      %parallel_loop3A_452 = arith.addi %multiple_of3A, %parallel_loop3A_451 : i32
      %parallel_loop3A_453 = arith.constant 1 : i32
      %parallel_loop3A_454 = arith.index_cast %parallel_loop3A_453 : i32 to index
      %parallel_loop3A_455 = arith.index_cast %parallel_loop3A_360 : i32 to index
      %parallel_loop3A_456 = arith.index_cast %parallel_loop3A_452 : i32 to index
      %parallel_loop3A_457 = tpu.vector_load %arg6[%parallel_loop3A_454, %parallel_loop3A_455, %parallel_loop3A_456] {strides = array<i32>} : memref<2x64x256xf32, #tpu.memory_space<vmem>>, vector<1x1x16xf32>,
      %parallel_loop3A_458 = vector.shape_cast %parallel_loop3A_457 : vector<1x1x16xf32> to vector<16xf32>
      %parallel_loop3A_459 = arith.constant 1 : i32
      %parallel_loop3A_460 = arith.index_cast %parallel_loop3A_459 : i32 to index
      %parallel_loop3A_461 = arith.index_cast %parallel_loop3A_360 : i32 to index
      %parallel_loop3A_462 = arith.constant 96 : index
      %parallel_loop3A_463 = tpu.vector_load %arg7[%parallel_loop3A_460, %parallel_loop3A_461, %parallel_loop3A_462] {strides = array<i32>} : memref<2x64x192xf32, #tpu.memory_space<vmem>>, vector<1x1x16xf32>,
      %parallel_loop3A_464 = vector.shape_cast %parallel_loop3A_463 : vector<1x1x16xf32> to vector<16xf32>
      %parallel_loop3A_465 = vector.shape_cast %parallel_loop3A_458 : vector<16xf32> to vector<1x1x16xf32>
      tpu.vector_store %arg7[%parallel_loop3A_460, %parallel_loop3A_461, %parallel_loop3A_462], %parallel_loop3A_465 {strides = array<i32>} : memref<2x64x192xf32, #tpu.memory_space<vmem>>, vector<1x1x16xf32>,
      %parallel_loop3A_466 = arith.constant 112 : i32
      %parallel_loop3A_467 = arith.addi %multiple_of3A, %parallel_loop3A_466 : i32
      %parallel_loop3A_468 = arith.constant 1 : i32
      %parallel_loop3A_469 = arith.index_cast %parallel_loop3A_468 : i32 to index
      %parallel_loop3A_470 = arith.index_cast %parallel_loop3A_360 : i32 to index
      %parallel_loop3A_471 = arith.index_cast %parallel_loop3A_467 : i32 to index
      %parallel_loop3A_472 = tpu.vector_load %arg6[%parallel_loop3A_469, %parallel_loop3A_470, %parallel_loop3A_471] {strides = array<i32>} : memref<2x64x256xf32, #tpu.memory_space<vmem>>, vector<1x1x16xf32>,
      %parallel_loop3A_473 = vector.shape_cast %parallel_loop3A_472 : vector<1x1x16xf32> to vector<16xf32>
      %parallel_loop3A_474 = arith.constant 1 : i32
      %parallel_loop3A_475 = arith.index_cast %parallel_loop3A_474 : i32 to index
      %parallel_loop3A_476 = arith.index_cast %parallel_loop3A_360 : i32 to index
      %parallel_loop3A_477 = arith.constant 112 : index
      %parallel_loop3A_478 = tpu.vector_load %arg7[%parallel_loop3A_475, %parallel_loop3A_476, %parallel_loop3A_477] {strides = array<i32>} : memref<2x64x192xf32, #tpu.memory_space<vmem>>, vector<1x1x16xf32>,
      %parallel_loop3A_479 = vector.shape_cast %parallel_loop3A_478 : vector<1x1x16xf32> to vector<16xf32>
      %parallel_loop3A_480 = vector.shape_cast %parallel_loop3A_473 : vector<16xf32> to vector<1x1x16xf32>
      tpu.vector_store %arg7[%parallel_loop3A_475, %parallel_loop3A_476, %parallel_loop3A_477], %parallel_loop3A_480 {strides = array<i32>} : memref<2x64x192xf32, #tpu.memory_space<vmem>>, vector<1x1x16xf32>,
      %parallel_loop3A_481 = arith.constant 128 : i32
      %parallel_loop3A_482 = arith.addi %multiple_of3A, %parallel_loop3A_481 : i32
      %parallel_loop3A_483 = arith.constant 1 : i32
      %parallel_loop3A_484 = arith.index_cast %parallel_loop3A_483 : i32 to index
      %parallel_loop3A_485 = arith.index_cast %parallel_loop3A_360 : i32 to index
      %parallel_loop3A_486 = arith.index_cast %parallel_loop3A_482 : i32 to index
      %parallel_loop3A_487 = tpu.vector_load %arg6[%parallel_loop3A_484, %parallel_loop3A_485, %parallel_loop3A_486] {strides = array<i32>} : memref<2x64x256xf32, #tpu.memory_space<vmem>>, vector<1x1x16xf32>,
      %parallel_loop3A_488 = vector.shape_cast %parallel_loop3A_487 : vector<1x1x16xf32> to vector<16xf32>
      %parallel_loop3A_489 = arith.constant 1 : i32
      %parallel_loop3A_490 = arith.index_cast %parallel_loop3A_489 : i32 to index
      %parallel_loop3A_491 = arith.index_cast %parallel_loop3A_360 : i32 to index
      %parallel_loop3A_492 = arith.constant 128 : index
      %parallel_loop3A_493 = tpu.vector_load %arg7[%parallel_loop3A_490, %parallel_loop3A_491, %parallel_loop3A_492] {strides = array<i32>} : memref<2x64x192xf32, #tpu.memory_space<vmem>>, vector<1x1x16xf32>,
      %parallel_loop3A_494 = vector.shape_cast %parallel_loop3A_493 : vector<1x1x16xf32> to vector<16xf32>
      %parallel_loop3A_495 = vector.shape_cast %parallel_loop3A_488 : vector<16xf32> to vector<1x1x16xf32>
      tpu.vector_store %arg7[%parallel_loop3A_490, %parallel_loop3A_491, %parallel_loop3A_492], %parallel_loop3A_495 {strides = array<i32>} : memref<2x64x192xf32, #tpu.memory_space<vmem>>, vector<1x1x16xf32>,
      %parallel_loop3A_496 = arith.constant 144 : i32
      %parallel_loop3A_497 = arith.addi %multiple_of3A, %parallel_loop3A_496 : i32
      %parallel_loop3A_498 = arith.constant 1 : i32
      %parallel_loop3A_499 = arith.index_cast %parallel_loop3A_498 : i32 to index
      %parallel_loop3A_500 = arith.index_cast %parallel_loop3A_360 : i32 to index
      %parallel_loop3A_501 = arith.index_cast %parallel_loop3A_497 : i32 to index
      %parallel_loop3A_502 = tpu.vector_load %arg6[%parallel_loop3A_499, %parallel_loop3A_500, %parallel_loop3A_501] {strides = array<i32>} : memref<2x64x256xf32, #tpu.memory_space<vmem>>, vector<1x1x16xf32>,
      %parallel_loop3A_503 = vector.shape_cast %parallel_loop3A_502 : vector<1x1x16xf32> to vector<16xf32>
      %parallel_loop3A_504 = arith.constant 1 : i32
      %parallel_loop3A_505 = arith.index_cast %parallel_loop3A_504 : i32 to index
      %parallel_loop3A_506 = arith.index_cast %parallel_loop3A_360 : i32 to index
      %parallel_loop3A_507 = arith.constant 144 : index
      %parallel_loop3A_508 = tpu.vector_load %arg7[%parallel_loop3A_505, %parallel_loop3A_506, %parallel_loop3A_507] {strides = array<i32>} : memref<2x64x192xf32, #tpu.memory_space<vmem>>, vector<1x1x16xf32>,
      %parallel_loop3A_509 = vector.shape_cast %parallel_loop3A_508 : vector<1x1x16xf32> to vector<16xf32>
      %parallel_loop3A_510 = vector.shape_cast %parallel_loop3A_503 : vector<16xf32> to vector<1x1x16xf32>
      tpu.vector_store %arg7[%parallel_loop3A_505, %parallel_loop3A_506, %parallel_loop3A_507], %parallel_loop3A_510 {strides = array<i32>} : memref<2x64x192xf32, #tpu.memory_space<vmem>>, vector<1x1x16xf32>,
      %parallel_loop3A_511 = arith.constant 160 : i32
      %parallel_loop3A_512 = arith.addi %multiple_of3A, %parallel_loop3A_511 : i32
      %parallel_loop3A_513 = arith.constant 1 : i32
      %parallel_loop3A_514 = arith.index_cast %parallel_loop3A_513 : i32 to index
      %parallel_loop3A_515 = arith.index_cast %parallel_loop3A_360 : i32 to index
      %parallel_loop3A_516 = arith.index_cast %parallel_loop3A_512 : i32 to index
      %parallel_loop3A_517 = tpu.vector_load %arg6[%parallel_loop3A_514, %parallel_loop3A_515, %parallel_loop3A_516] {strides = array<i32>} : memref<2x64x256xf32, #tpu.memory_space<vmem>>, vector<1x1x16xf32>,
      %parallel_loop3A_518 = vector.shape_cast %parallel_loop3A_517 : vector<1x1x16xf32> to vector<16xf32>
      %parallel_loop3A_519 = arith.constant 1 : i32
      %parallel_loop3A_520 = arith.index_cast %parallel_loop3A_519 : i32 to index
      %parallel_loop3A_521 = arith.index_cast %parallel_loop3A_360 : i32 to index
      %parallel_loop3A_522 = arith.constant 160 : index
      %parallel_loop3A_523 = tpu.vector_load %arg7[%parallel_loop3A_520, %parallel_loop3A_521, %parallel_loop3A_522] {strides = array<i32>} : memref<2x64x192xf32, #tpu.memory_space<vmem>>, vector<1x1x16xf32>,
      %parallel_loop3A_524 = vector.shape_cast %parallel_loop3A_523 : vector<1x1x16xf32> to vector<16xf32>
      %parallel_loop3A_525 = vector.shape_cast %parallel_loop3A_518 : vector<16xf32> to vector<1x1x16xf32>
      tpu.vector_store %arg7[%parallel_loop3A_520, %parallel_loop3A_521, %parallel_loop3A_522], %parallel_loop3A_525 {strides = array<i32>} : memref<2x64x192xf32, #tpu.memory_space<vmem>>, vector<1x1x16xf32>,
      %parallel_loop3A_526 = arith.constant 176 : i32
      %parallel_loop3A_527 = arith.addi %multiple_of3A, %parallel_loop3A_526 : i32
      %parallel_loop3A_528 = arith.constant 1 : i32
      %parallel_loop3A_529 = arith.index_cast %parallel_loop3A_528 : i32 to index
      %parallel_loop3A_530 = arith.index_cast %parallel_loop3A_360 : i32 to index
      %parallel_loop3A_531 = arith.index_cast %parallel_loop3A_527 : i32 to index
      %parallel_loop3A_532 = tpu.vector_load %arg6[%parallel_loop3A_529, %parallel_loop3A_530, %parallel_loop3A_531] {strides = array<i32>} : memref<2x64x256xf32, #tpu.memory_space<vmem>>, vector<1x1x16xf32>,
      %parallel_loop3A_533 = vector.shape_cast %parallel_loop3A_532 : vector<1x1x16xf32> to vector<16xf32>
      %parallel_loop3A_534 = arith.constant 1 : i32
      %parallel_loop3A_535 = arith.index_cast %parallel_loop3A_534 : i32 to index
      %parallel_loop3A_536 = arith.index_cast %parallel_loop3A_360 : i32 to index
      %parallel_loop3A_537 = arith.constant 176 : index
      %parallel_loop3A_538 = tpu.vector_load %arg7[%parallel_loop3A_535, %parallel_loop3A_536, %parallel_loop3A_537] {strides = array<i32>} : memref<2x64x192xf32, #tpu.memory_space<vmem>>, vector<1x1x16xf32>,
      %parallel_loop3A_539 = vector.shape_cast %parallel_loop3A_538 : vector<1x1x16xf32> to vector<16xf32>
      %parallel_loop3A_540 = vector.shape_cast %parallel_loop3A_533 : vector<16xf32> to vector<1x1x16xf32>
      tpu.vector_store %arg7[%parallel_loop3A_535, %parallel_loop3A_536, %parallel_loop3A_537], %parallel_loop3A_540 {strides = array<i32>} : memref<2x64x192xf32, #tpu.memory_space<vmem>>, vector<1x1x16xf32>,
    } {sc.loop_unroll_factor = 4 : i64, sc.parallel_access}
    %add3A_315 = arith.constant 192 : i32
    %add3A_316 = arith.addi %mul3A_118, %add3A_315 : i32
    %dma_start3A_317 = arith.constant 1 : i32
    %dma_start3A_318 = arith.constant 0 : i32
    %dma_start3A_319 = arith.constant 0 : i32
    %dma_start3A_320 = tpu.memref_slice %arg7[%dma_start3A_317, %dma_start3A_318, %dma_start3A_319] : memref<2x64x192xf32, #tpu.memory_space<vmem>> -> memref<1x64x192xf32, #tpu.memory_space<vmem>>
    %dma_start3A_321 = tpu.memref_squeeze %dma_start3A_320 : memref<1x64x192xf32, #tpu.memory_space<vmem>> -> memref<64x192xf32, #tpu.memory_space<vmem>>
    %dma_start3A_322 = arith.constant 0 : i32
    %dma_start3A_323 = tpu.memref_slice %arg4[%add3A_316, %dma_start3A_322] : memref<8192x192xf32, #tpu.memory_space<hbm>> -> memref<64x192xf32, #tpu.memory_space<hbm>>
    %dma_start3A_324 = arith.constant 0 : i32
    %dma_start3A_325 = tpu.memref_slice %arg4[%add3A_316, %dma_start3A_324] : memref<8192x192xf32, #tpu.memory_space<hbm>> -> memref<64x192xf32, #tpu.memory_space<hbm>>
    %dma_start3A_326 = arith.constant 0 : i32
    %dma_start3A_327 = arith.constant 0 : i32
    %dma_start3A_328 = tpu.memref_slice %arg7[%dma_start3A_317, %dma_start3A_326, %dma_start3A_327] : memref<2x64x192xf32, #tpu.memory_space<vmem>> -> memref<1x64x192xf32, #tpu.memory_space<vmem>>
    %dma_start3A_329 = tpu.memref_squeeze %dma_start3A_328 : memref<1x64x192xf32, #tpu.memory_space<vmem>> -> memref<64x192xf32, #tpu.memory_space<vmem>>
    tpu.enqueue_dma source(%dma_start3A_329 : memref<64x192xf32, #tpu.memory_space<vmem>>) target(%dma_start3A_325 : memref<64x192xf32, #tpu.memory_space<hbm>>) target_semaphore(%arg11 : memref<!tpu.dma_semaphore, #tpu.memory_space<semaphore_mem>>)
    %add3A_330 = arith.constant 128 : i32
    %add3A_331 = arith.addi %mul3A_118, %add3A_330 : i32
    %dma_wait3A_332 = arith.constant 0 : i32
    %dma_wait3A_333 = arith.constant 0 : i32
    %dma_wait3A_334 = arith.constant 0 : i32
    %dma_wait3A_335 = tpu.memref_slice %arg7[%dma_wait3A_332, %dma_wait3A_333, %dma_wait3A_334] : memref<2x64x192xf32, #tpu.memory_space<vmem>> -> memref<1x64x192xf32, #tpu.memory_space<vmem>>
    %dma_wait3A_336 = tpu.memref_squeeze %dma_wait3A_335 : memref<1x64x192xf32, #tpu.memory_space<vmem>> -> memref<64x192xf32, #tpu.memory_space<vmem>>
    %dma_wait3A_337 = arith.constant 0 : i32
    %dma_wait3A_338 = tpu.memref_slice %arg4[%add3A_331, %dma_wait3A_337] : memref<8192x192xf32, #tpu.memory_space<hbm>> -> memref<64x192xf32, #tpu.memory_space<hbm>>
    %dma_wait3A_339 = arith.constant 0 : i32
    %dma_wait3A_340 = tpu.memref_slice %arg4[%add3A_331, %dma_wait3A_339] : memref<8192x192xf32, #tpu.memory_space<hbm>> -> memref<64x192xf32, #tpu.memory_space<hbm>>
    %dma_wait3A_341 = arith.constant 0 : i32
    %dma_wait3A_342 = arith.constant 0 : i32
    %dma_wait3A_343 = tpu.memref_slice %arg7[%dma_wait3A_332, %dma_wait3A_341, %dma_wait3A_342] : memref<2x64x192xf32, #tpu.memory_space<vmem>> -> memref<1x64x192xf32, #tpu.memory_space<vmem>>
    %dma_wait3A_344 = tpu.memref_squeeze %dma_wait3A_343 : memref<1x64x192xf32, #tpu.memory_space<vmem>> -> memref<64x192xf32, #tpu.memory_space<vmem>>
    tpu.wait_dma2 semaphore(%arg10 : memref<!tpu.dma_semaphore, #tpu.memory_space<semaphore_mem>>) src(%dma_wait3A_344 : memref<64x192xf32, #tpu.memory_space<vmem>>) dst(%dma_wait3A_340 : memref<64x192xf32, #tpu.memory_space<hbm>>)
    %add3A_345 = arith.constant 192 : i32
    %add3A_346 = arith.addi %mul3A_118, %add3A_345 : i32
    %dma_wait3A_347 = arith.constant 1 : i32
    %dma_wait3A_348 = arith.constant 0 : i32
    %dma_wait3A_349 = arith.constant 0 : i32
    %dma_wait3A_350 = tpu.memref_slice %arg7[%dma_wait3A_347, %dma_wait3A_348, %dma_wait3A_349] : memref<2x64x192xf32, #tpu.memory_space<vmem>> -> memref<1x64x192xf32, #tpu.memory_space<vmem>>
    %dma_wait3A_351 = tpu.memref_squeeze %dma_wait3A_350 : memref<1x64x192xf32, #tpu.memory_space<vmem>> -> memref<64x192xf32, #tpu.memory_space<vmem>>
    %dma_wait3A_352 = arith.constant 0 : i32
    %dma_wait3A_353 = tpu.memref_slice %arg4[%add3A_346, %dma_wait3A_352] : memref<8192x192xf32, #tpu.memory_space<hbm>> -> memref<64x192xf32, #tpu.memory_space<hbm>>
    %dma_wait3A_354 = arith.constant 0 : i32
    %dma_wait3A_355 = tpu.memref_slice %arg4[%add3A_346, %dma_wait3A_354] : memref<8192x192xf32, #tpu.memory_space<hbm>> -> memref<64x192xf32, #tpu.memory_space<hbm>>
    %dma_wait3A_356 = arith.constant 0 : i32
    %dma_wait3A_357 = arith.constant 0 : i32
    %dma_wait3A_358 = tpu.memref_slice %arg7[%dma_wait3A_347, %dma_wait3A_356, %dma_wait3A_357] : memref<2x64x192xf32, #tpu.memory_space<vmem>> -> memref<1x64x192xf32, #tpu.memory_space<vmem>>
    %dma_wait3A_359 = tpu.memref_squeeze %dma_wait3A_358 : memref<1x64x192xf32, #tpu.memory_space<vmem>> -> memref<64x192xf32, #tpu.memory_space<vmem>>
    tpu.wait_dma2 semaphore(%arg11 : memref<!tpu.dma_semaphore, #tpu.memory_space<semaphore_mem>>) src(%dma_wait3A_359 : memref<64x192xf32, #tpu.memory_space<vmem>>) dst(%dma_wait3A_355 : memref<64x192xf32, #tpu.memory_space<hbm>>)
    return
  }
}

</mosaic_0001>

<sc_bundles>
// kernel: kernel.3.cloned.1.call-start
scs
__scs_entry_jumppad:
0x0: {  	(pc) =	sbr.rel $0x88, $3  }
0x1: {  	(tag) =	ssettag $0x0;
	lr =	simm.s32 $0x1  }
0x2: {  	[smem:$0x3F9F] =	sst lr;
	_ =	strace $0xD0000000  }
0x3: {  	_ = 	snop  }
0x4: {  	_ = 	snop  }
0x5: {  	_ = 	snop  }
0x6: {  	_ = 	snop  }
0x7: {  	_ = 	snop  }
__scs_overlays_trampoline_lowered:
0x8: {  	[smem:$0x3FAE] =	sst s0  }
0x9: {  	[smem:$0x3FAF] =	sst s1  }
0xa: {  	[smem:$0x3FB0] =	sst s2  }
0xb: {  	[smem:$0x3FB1] =	sst s3  }
0xc: {  	[smem:$0x3FB2] =	sst s4  }
0xd: {  	[smem:$0x3FB3] =	sst s5  }
0xe: {  	[smem:$0x3FB4] =	sst s6  }
0xf: {  	[smem:$0x3FB5] =	sst s7  }
0x10: {  	[smem:$0x3FB6] =	sst s8  }
0x11: {  	[smem:$0x3FB7] =	sst s9;
	s0 =	simm.s32 @!p0 $0x0  }
0x12: {  	s1 =	sld [smem:$0x3F9D];
	s0 =	simm.s32 @p0 $0x1  }
0x13: {  	[smem:$0x3FB8] =	sst s0;
	s0 =	simm.s32 @!p1 $0x0  }
0x14: {  	s2 =	sld [smem:$0x3F9C];
	s0 =	simm.s32 @p1 $0x1  }
0x15: {  	[smem:$0x3FB9] =	sst s0;
	s0 =	simm.s32 @!p2 $0x0  }
0x16: {  	s3 =	sld [smem:$0x3FDB];
	s0 =	simm.s32 @p2 $0x1  }
0x17: {  	s4 =	simm.s32 $0x1BF5;
	[smem:$0x3FBB] =	sst s0  }
0x18: {  	s0 =	sld [smem:$0x3F9E];
	_ =	swait.ge [sflag:s4], $0x0  }
0x19: {  	s7 =	sld [smem:$0x3F9F]  }
0x1a: {  	s8 =	sadd.s32 $0xFFFFE003, lr  }
0x1b: {  	s9 =	sadd.s32 $0xFFFFFEF7, lr;
	s5 =	simm.s32 $0xFFFFFFFF;
	p2 =	slt.u32 s8, $0xFFFFF086  }
0x1c: {  	p1 =	slt.u32 s9, $0xF7A;
	s5 =	simm.s32 @!p2 $0x0  }
0x1d: {  	s5 =	simm.s32 @p1 $0x1;
	p0 =	seq.s32 s7, s2  }
0x1e: {  	s7 =	smul.u32 @!p0 $0xF7A, s2;
	p2 =	seq.s32 @!p0 s5, $0x0  }
0x1f: {  	s9 =	smul.u32 $0xF7A, s1;
	s8 =	simm.s32 @!p0 $0x1BF5;
	p2 =	por !p2, p0  }
0x20: {  	[sflag:s8] =	ssyncset.s32 @!p0 $0xFFFFF086;
	s6 =	sadd.s32 @!p0 s3, s7;
	s7 =	simm.s32 @!p0 $0x108  }
0x21: {  	s3 =	sadd.s32 s3, s9;
	s6 =	sadd.s32 @!p0 $0x88, s6;
	s7 =	simm.s32 @p2 $0x1082  }
0x22: {  	[simem:s7], [sflag:s8] =	dma.local @!p0 [hbm:s6], $0xF7A  }
0x23: {  	s9 =	sor.u32 $0xD0000000, s2;
	s6 =	simm.s32 $0x108;
	_ =	swait.ge @!p0 [sflag:s8], $0x0  }
0x24: {  	s3 =	sadd.s32 $0x88, s3;
	s6 =	simm.s32 @!p1 $0x1082;
	[sflag:s4] =	ssyncset.s32 $0xFFFFF086  }
0x25: {  	[simem:s6], [sflag:s4] =	dma.local [hbm:s3], $0xF7A  }
0x26: {  	[smem:$0x3F9F] =	sst s1;
	(tag) =	ssettag s2;
	_ =	strace s9  }
0x27: {  	s1 =	sld [smem:$0x3FAF]  }
0x28: {  	s2 =	sld [smem:$0x3FB0]  }
0x29: {  	s4 =	sld [smem:$0x3FB2]  }
0x2a: {  	p0 =	seq.s32 s5, $0x0;
	s5 =	sld [smem:$0x3FB3]  }
0x2b: {  	s6 =	sld [smem:$0x3FB4]  }
0x2c: {  	s7 =	sld [smem:$0x3FB5]  }
0x2d: {  	s3 =	simm.s32 $0x108;
	s8 =	sld [smem:$0x3FB6]  }
0x2e: {  	s3 =	simm.s32 @!p0 $0x1082;
	s9 =	sld [smem:$0x3FB7]  }
0x2f: {  	lr =	sadd.s32 s0, s3;
	s0 =	sld [smem:$0x3FAE]  }
0x30: {  	s3 =	sld [smem:$0x3FB1]  }
0x31: {  	[smem:$0x3FBA] =	sst s10  }
0x32: {  	s10 =	sld [smem:$0x3FB8];
	_ =	sdelay $0x3  }
0x33: {  	p0 =	seq.s32 s10, $0x1;
	s10 =	sld [smem:$0x3FBA];
	_ =	sdelay $0x3  }
0x34: {  	[smem:$0x3FBA] =	sst s10  }
0x35: {  	s10 =	sld [smem:$0x3FB9];
	_ =	sdelay $0x3  }
0x36: {  	p1 =	seq.s32 s10, $0x1;
	s10 =	sld [smem:$0x3FBA];
	_ =	sdelay $0x3  }
0x37: {  	[smem:$0x3FBA] =	sst s10  }
0x38: {  	s10 =	sld [smem:$0x3FBB]  }
0x39: {  	_ = 	snop;
	(pc) =	sbr.ind lr, $3  }
0x3a: {  	_ = 	snop  }
0x3b: {  	_ = 	snop  }
0x3c: {  	p2 =	seq.s32 s10, $0x1;
	s10 =	sld [smem:$0x3FBA]  }
0x3d: {  	_ =	shalt  }
0x3e: {  	_ =	shalt  }
0x3f: {  	_ =	shalt  }
0x40: {  	_ =	shalt  }
0x41: {  	_ =	shalt  }
0x42: {  	_ =	shalt  }
0x43: {  	_ =	shalt  }
0x44: {  	_ =	shalt  }
0x45: {  	_ =	shalt  }
0x46: {  	_ =	shalt  }
0x47: {  	_ =	shalt  }
0x48: {  	_ =	shalt  }
0x49: {  	_ =	shalt  }
0x4a: {  	_ =	shalt  }
0x4b: {  	_ =	shalt  }
0x4c: {  	_ =	shalt  }
0x4d: {  	_ =	shalt  }
0x4e: {  	_ =	shalt  }
0x4f: {  	_ =	shalt  }
0x50: {  	_ =	shalt  }
0x51: {  	_ =	shalt  }
0x52: {  	_ =	shalt  }
0x53: {  	_ =	shalt  }
0x54: {  	_ =	shalt  }
0x55: {  	_ =	shalt  }
0x56: {  	_ =	shalt  }
0x57: {  	_ =	shalt  }
0x58: {  	_ =	shalt  }
0x59: {  	_ =	shalt  }
0x5a: {  	_ =	shalt  }
0x5b: {  	_ =	shalt  }
0x5c: {  	_ =	shalt  }
0x5d: {  	_ =	shalt  }
0x5e: {  	_ =	shalt  }
0x5f: {  	_ =	shalt  }
0x60: {  	_ =	shalt  }
0x61: {  	_ =	shalt  }
0x62: {  	_ =	shalt  }
0x63: {  	_ =	shalt  }
0x64: {  	_ =	shalt  }
0x65: {  	_ =	shalt  }
0x66: {  	_ =	shalt  }
0x67: {  	_ =	shalt  }
0x68: {  	_ =	shalt  }
0x69: {  	_ =	shalt  }
0x6a: {  	_ =	shalt  }
0x6b: {  	_ =	shalt  }
0x6c: {  	_ =	shalt  }
0x6d: {  	_ =	shalt  }
0x6e: {  	_ =	shalt  }
0x6f: {  	_ =	shalt  }
0x70: {  	_ =	shalt  }
0x71: {  	_ =	shalt  }
0x72: {  	_ =	shalt  }
0x73: {  	_ =	shalt  }
0x74: {  	_ =	shalt  }
0x75: {  	_ =	shalt  }
0x76: {  	_ =	shalt  }
0x77: {  	_ =	shalt  }
0x78: {  	_ =	shalt  }
0x79: {  	_ =	shalt  }
0x7a: {  	_ =	shalt  }
0x7b: {  	_ =	shalt  }
0x7c: {  	_ =	shalt  }
0x7d: {  	_ =	shalt  }
0x7e: {  	_ =	shalt  }
0x7f: {  	_ =	shalt  }
0x80: {  	_ =	shalt  }
0x81: {  	_ =	shalt  }
0x82: {  	_ =	shalt  }
0x83: {  	_ =	shalt  }
0x84: {  	_ =	shalt  }
0x85: {  	_ =	shalt  }
0x86: {  	_ =	shalt  }
0x87: {  	_ =	shalt  }
.Lfunc_end0:
.L_simem_size_0:
called_computation_lowered:
.L_overlay_start_0:
0x88: {  	s2 =	sld [smem:$0x3FD9]  }
0x89: {  	s3 =	sld [smem:$0x3FFE];
	_ =	sdelay $0x1  }
0x8a: {  	s1 =	srdreg.scid  }
0x8b: {  	s0 =	sand.u32 $0x1, s1  }
0x8c: {  	s17 =	sshll.u32 s0, $0xA;
	s2 =	sadd.s32 s3, s2  }
0x8d: {  	s2 =	sadd.s32 s2, s17  }
0x8e: {  	[smem:$0x3FC6] =	sst s2  }
0x8f: {  	_ = 	snop  }
0x90: {  	s2 =	sld [smem:$0x3FC9]  }
0x91: {  	s18 =	sld [smem:$0x3FD0];
	(tm) =	ssettm $0x1  }
0x92: {  	s4 =	sld [smem:$0x3FFB];
	_ =	sdelay $0x3  }
0x93: {  	_ =	strace s4  }
0x94: {  	s4 =	sld [smem:$0x3FFC];
	_ =	sdelay $0x3  }
0x95: {  	_ =	strace s4  }
0x96: {  	s4 =	sld [smem:$0x3FFD];
	_ =	sdelay $0x3  }
0x97: {  	_ =	strace s4  }
0x98: {  	_ =	strace $0x8FFFFFFF  }
0x99: {  	s19 =	sld [smem:$0x3FDB];
	_ =	sdelay $0x1  }
0x9a: {  	s5 =	simm.s32 $_scs_section_size  }
0x9b: {  	s6 =	simm.s32 $_size__tile_overlayer_lowered;
	s7 =	simm.s32 $_tile_overlayer_lowered  }
0x9c: {  	s22 =	simm.s32 $0x1BFF;
	s21 =	sshll.u32 s7, $0x1;
	s4 =	sadd.s32 s5, s19  }
0x9d: {  	s8 =	simm.s32 $0x0;
	s20 =	sshll.u32 s6, $0x1;
	s6 =	sadd.s32 s21, s4  }
0x9e: {  	[timem:s8], [sflag:s22] =	dma.local [hbm:s6], s20  }
0x9f: {  	_ =	swait.ge [sflag:s22], s20  }
0xa0: {  	s5 =	ssub.s32 $0x0, s20;
	[sflag:s22] =	ssyncset.done $0x0  }
0xa1: {  	[sflag:s22] =	ssyncadd.s32 s5;
	_ =	sdelay $0x1  }
0xa2: {  	s23 =	simm.s32 $0x1B8B  }
0xa3: {  	_ =	swait.ge [sflag:s23], $0x1  }
0xa4: {  	[sflag:s23] =	ssyncset.done $0x0  }
0xa5: {  	s25 =	simm.s32 $0x1B8E;
	s24 =	sld [smem:$0x3FFE];
	[sflag:s23] =	ssyncadd.s32 $0xFFFFFFFF  }
0xa6: {  	s26 =	simm.s32 $execute0_lowered;
	[smem:$0x3FD2] =	sst s25  }
0xa7: {  	s6 =	sshll.u32 s26, $0x1;
	_ =	strace $0x80000046;
	[dreg:$0x1] =	wrdreg $0xFFFFFFFF  }
0xa8: {  	s28 =	simm.s32 $_size_execute0_lowered;
	s4 =	sadd.s32 s4, s6;
	[dreg:$0x0] =	wrdreg $0x0  }
0xa9: {  	s6 =	sshll.u32 s28, $0x1;
	[dreg:$0x2] =	wrdreg s4  }
0xaa: {  	[dreg:$0x3] =	wrdreg s6  }
0xab: {  	[dreg:$0x4] =	wrdreg $0xC0  }
0xac: {  	_ =	task [dreg:s8], $0x5FFFF  }
0xad: {  	[dreg:$0x1] =	wrdreg $0xFFFFFFFF  }
0xae: {  	[dreg:$0x0] =	wrdreg $0x60  }
0xaf: {  	[dreg:$0x2] =	wrdreg s2  }
0xb0: {  	[dreg:$0x3] =	wrdreg s24  }
0xb1: {  	[dreg:$0x4] =	wrdreg s18  }
0xb2: {  	[dreg:$0x5] =	wrdreg $0x9  }
0xb3: {  	_ =	task.clear_ibuf [dreg:s8], $0x6FFFF;
	_ =	strace $0x90000046  }
0xb4: {  	s29 =	simm.s32 $0x9;
	_ =	strace $0x80000048  }
0xb5: {  	_ =	swait.ge [sflag:s29], $0x1  }
0xb6: {  	[sflag:s29] =	ssyncadd.s32 $0xFFFFFFFF  }
0xb7: {  	_ =	strace $0x90000048  }
0xb8: {  	_ =	sfence  }
0xb9: {  	s30 =	sld [smem:$0x0];
	_ =	sdelay $0x2  }
0xba: {  	s31 =	sshll.u32 s1, $0xD;
	s1 =	sshrl.u32 s1, $0x2  }
0xbb: {  	s3 =	sand.u32 $0x4000, s31;
	s1 =	sadd.s32 s1, s30  }
0xbc: {  	s0 =	sor.u32 s3, s0;
	s1 =	sshll.u32 s1, $0x11  }
0xbd: {  	s0 =	sor.u32 s1, s0  }
0xbe: {  	s0 =	sadd.s32 $0x8F2B, s0  }
0xbf: {  	[sflag:s0] =	ssyncadd.remote.s32 $0x1  }
0xc0: {  	_ =	sfence.sel $0xFFFF  }
0xc1: {  	[dreg:$0x0] =	wrdreg $0xFFFFFFFF;
	(pc) =	sbr.abs _section_cstart, $3  }
0xc2: {  	[dreg:$0x1] =	wrdreg $0xFFFFFFFF  }
0xc3: {  	_ =	task.clear_ibuf [dreg:s8], $0x2FFFF;
	_ =	strace $0x9FFFFFFF  }
0xc4: {  	(tm) =	ssettm $0x7FFFFFFF  }
0xc5: {  	_ =	shalt  }
tec
execute0_lowered:
.L_overlay_start_1:
0x0: {  	(tag) =	ssettag $0x1  }
0x1: {  	s0 =	rddreg [dreg:$0x1]  }
0x2: {  	s1 =	rddreg [dreg:$0x2];
	s15 =	simm.s32 $0x0;
	s2 =	srdreg.scid  }
0x3: {  	s6 =	stileid.u32;
	[smem:$0x7FF] =	sst s15  }
0x4: {  	s2 =	sand.u32 $0x1, s2;
	s4 =	sshll.u32 s6, $0x1;
	s0 =	sadd.s32 $0x400, s0  }
0x5: {  	s24 =	sshrl.u32 s6, $0x1;
	p3 =	slt.u32 s6, $0x8;
	_ =	strace $0x80000047  }
0x6: {  	s3 =	ssub.s32 $0x2, s2;
	[smem:$0x7F4] =	sst s0;
	s2 =	sor.u32 s2, s4  }
0x7: {  	s23 =	sshrl.u32 s3, $0x1;
	s4 =	sshll.u32 s2, $0x5;
	s5 =	smul.u32 $0x30000, s2  }
0x8: {  	s2 =	sshll.u32 s2, $0xD;
	s0 =	ssub.s32 s3, s23;
	s3 =	sand.u32 $0x3, s24  }
0x9: {  	s25 =	sor.u32 $0x8, s4;
	s2 =	sadd.s32 s1, s2;
	[smem:$0x7F5] =	sst s5  }
0xa: {  	s7 =	smul.u32 $0x1800, s25;
	[smem:$0x7F7] =	sst s2;
	s0 =	smax.u32 s0, $0x1  }
0xb: {  	s28 =	sor.u32 $0x10, s4;
	s5 =	sshll.u32 s25, $0x8;
	[smem:$0x7FD] =	sst s0  }
0xc: {  	s29 =	smul.u32 $0x1800, s28;
	s26 =	sadd.s32 s1, s5;
	[smem:$0x7F6] =	sst s7  }
0xd: {  	s4 =	sor.u32 $0x18, s4;
	s2 =	sshll.u32 s28, $0x8;
	[smem:$0x7F8] =	sst s26  }
0xe: {  	s30 =	smul.u32 $0x1800, s4;
	s2 =	sadd.s32 s1, s2;
	[smem:$0x7F9] =	sst s29  }
0xf: {  	s31 =	sshll.u32 s4, $0x8;
	p0 =	seq.s32 s3, $0x0;
	[smem:$0x7FA] =	sst s2  }
0x10: {  	p1 =	seq.s32 s3, $0x1;
	s1 =	sadd.s32 s1, s31;
	[smem:$0x7FB] =	sst s30  }
0x11: {  	p2 =	seq.s32 s3, $0x2;
	[smem:$0x7FC] =	sst s1;
	s2 =	simm.s32 $0x0  }
.LBB2_1:
0x12: {  	s0 =	sld [smem:$0x7F4];
	_ =	sdelay $0x1  }
0x13: {  	[smem:$0x7EE] =	sst s2;
	s1 =	simm.s32 $0x5  }
0x14: {  	[tilespmem:s15], [sflag:$0x5] =	stream.linear.gather [hbm4b:s0+s15], $0x80, $0x38;
	[tilespmem:$0x10080] =	vst v63  }
0x15: {  	_ =	swait.ge [sflag:s1], $0x80  }
0x16: {  	s0 =	simm.s32 $0x0;
	[sflag:s1] =	ssyncset.done $0x0  }
0x17: {  	s0 =	simm.s32 @!p3 $0x10;
	[sflag:s1] =	ssyncadd.s32 $0xFFFFFF80  }
0x18: {  	v0 =	vld [tilespmem:s0+$0x0];
	_ =	sdelay $0x4  }
0x19: {  	(v2sf) =	vpush v0, $0x0  }
0x1a: {  	(v2sf) =	vpush v0, $0x1  }
0x1b: {  	(v2sf) =	vpush v0, $0x2  }
0x1c: {  	(v2sf) =	vpush v0, $0x3  }
0x1d: {  	(v2sf) =	vpush v0, $0x4  }
0x1e: {  	(v2sf) =	vpush v0, $0x5  }
0x1f: {  	(v2sf) =	vpush v0, $0x6  }
0x20: {  	(v2sf) =	vpush v0, $0x7  }
0x21: {  	(v2sf) =	vpush v0, $0x8  }
0x22: {  	(v2sf) =	vpush v0, $0x9  }
0x23: {  	(v2sf) =	vpush v0, $0xA  }
0x24: {  	(v2sf) =	vpush v0, $0xB  }
0x25: {  	(v2sf) =	vpush v0, $0xC  }
0x26: {  	(v2sf) =	vpush v0, $0xD;
	_ =	sdelay $0x1  }
0x27: {  	s0 =	spop (v2sf)  }
0x28: {  	(v2sf) =	vpush v0, $0xE;
	s1 =	spop (v2sf)  }
0x29: {  	s2 =	spop (v2sf)  }
0x2a: {  	s3 =	spop (v2sf)  }
0x2b: {  	(v2sf) =	vpush v0, $0xF;
	s4 =	spop (v2sf)  }
0x2c: {  	s5 =	spop (v2sf)  }
0x2d: {  	s6 =	spop (v2sf)  }
0x2e: {  	s7 =	spop (v2sf)  }
0x2f: {  	s8 =	spop (v2sf)  }
0x30: {  	s9 =	spop (v2sf)  }
0x31: {  	s10 =	spop (v2sf)  }
0x32: {  	s11 =	spop (v2sf)  }
0x33: {  	s12 =	spop (v2sf)  }
0x34: {  	s13 =	spop (v2sf)  }
0x35: {  	s12 =	smov.u32 @p2 s8;
	s13 =	smov.u32 @p2 s9  }
0x36: {  	s12 =	smov.u32 @p1 s4;
	s13 =	smov.u32 @p1 s5  }
0x37: {  	s14 =	spop (v2sf);
	s12 =	smov.u32 @p0 s0;
	s13 =	smov.u32 @p0 s1  }
0x38: {  	s14 =	smov.u32 @p2 s10;
	p4 =	sgt.f32 s13, s12  }
0x39: {  	s14 =	smov.u32 @p1 s6  }
0x3a: {  	s0 =	spop (v2sf);
	s14 =	smov.u32 @p0 s2;
	s12 =	smov.u32 @p4 s13  }
0x3b: {  	s0 =	smov.u32 @p2 s11;
	p5 =	sgt.f32 s14, s12  }
0x3c: {  	s0 =	smov.u32 @p1 s7  }
0x3d: {  	s1 =	simm.s32 $0x1;
	s0 =	smov.u32 @p0 s3;
	s12 =	smov.u32 @p5 s14  }
0x3e: {  	s1 =	simm.s32 @!p4 $0x0;
	p4 =	sgt.f32 s0, s12  }
0x3f: {  	s1 =	simm.s32 @p5 $0x2  }
0x40: {  	s1 =	simm.s32 @p4 $0x3  }
0x41: {  	s0 =	sshll.u32 s1, $0x6;
	s1 =	smul.u32 $0xC0, s1  }
0x42: {  	s29 =	sand.u32 $0x40, s0  }
0x43: {  	s12 =	sld [smem:$0x7F5];
	s1 =	ssub.s32 s1, s29  }
0x44: {  	s1 =	sshll.u32 s1, $0x3  }
0x45: {  	s11 =	sand.u32 $0x7FFFFC00, s1  }
0x46: {  	s18 =	sld [smem:$0x7F6];
	s1 =	sadd.s32 s12, s11  }
0x47: {  	s16 =	simm.s32 $0x1800;
	s13 =	rddreg [dreg:$0x0];
	s1 =	sshrl.u32 s1, $0x3  }
0x48: {  	s17 =	simm.s32 $0x80;
	s14 =	simm.s32 $0x800;
	s1 =	sadd.s32 s13, s1  }
0x49: {  	[tilespmem:s17], [sflag:$0x1] =	stream.strided.gather [hbm4b:s1+s14], $0x4000, s16, s14, $0x38;
	[tilespmem:$0x10080] =	vst v63  }
0x4a: {  	s1 =	sadd.s32 s18, s11  }
0x4b: {  	s19 =	simm.s32 $0x4080;
	s1 =	sshrl.u32 s1, $0x3  }
0x4c: {  	s20 =	sand.u32 $0x3800, s15;
	s5 =	sand.u32 $0x200, s15;
	s1 =	sadd.s32 s13, s1  }
0x4d: {  	[tilespmem:s19], [sflag:$0x2] =	stream.strided.gather [hbm4b:s1+s14], $0x4000, s16, s14, $0x38;
	[tilespmem:$0x10080] =	vst v63  }
0x4e: {  	s21 =	simm.s32 $0x1;
	[smem:$0x7EF] =	sst s11;
	s1 =	sor.u32 $0x180, s5  }
0x4f: {  	_ =	swait.ge [sflag:s21], $0x4000;
	s2 =	sor.u32 s20, s1  }
0x50: {  	[sflag:s21] =	ssyncset.done $0x0;
	s22 =	sadd.s32 $0x80, s2  }
0x51: {  	[sflag:s21] =	ssyncadd.s32 $0xFFFFC000;
	s23 =	sor.u32 s29, s22  }
0x52: {  	v0 =	vld [tilespmem:s23+$0x0];
	_ =	sdelay $0x3  }
0x53: {  	s30 =	sor.u32 $0x10, s29  }
0x54: {  	s24 =	sor.u32 s30, s22;
	[tilespmem:s2+$0x8080] =	vst v0  }
0x55: {  	v0 =	vld [tilespmem:s24+$0x0];
	_ =	sdelay $0x3  }
0x56: {  	s28 =	sor.u32 $0x20, s29  }
0x57: {  	s25 =	sor.u32 s28, s22;
	[tilespmem:s2+$0x8090] =	vst v0  }
0x58: {  	s10 =	sor.u32 $0x100, s5;
	v0 =	vld [tilespmem:s25+$0x0]  }
0x59: {  	s7 =	sor.u32 s20, s10;
	s12 =	sor.u32 $0x80, s5  }
0x5a: {  	s9 =	sor.u32 s20, s12;
	s13 =	sor.u32 $0x80, s7  }
0x5b: {  	s11 =	sadd.s32 $0x80, s9;
	s17 =	sor.u32 s29, s13  }
0x5c: {  	s19 =	sor.u32 $0x30, s29;
	s16 =	sor.u32 s29, s11;
	v3 =	vld [tilespmem:s17+$0x0]  }
0x5d: {  	s26 =	sadd.s32 $0x40, s29;
	s4 =	sor.u32 s19, s22;
	v2 =	vld [tilespmem:s16+$0x0];
	[tilespmem:s2+$0x80A0] =	vst v0  }
0x5e: {  	s8 =	sor.u32 s5, s20;
	s15 =	sand.u32 $0x40, s26;
	s6 =	sshll.u32 s26, $0x3;
	v1 =	vld [tilespmem:s4+$0x0]  }
0x5f: {  	s6 =	sand.u32 $0x400, s6;
	v0 =	vmov s15;
	s4 =	sor.u32 $0x80, s8  }
0x60: {  	[dreg:$0x8] =	wrdreg s6;
	s18 =	sor.u32 s29, s4  }
0x61: {  	s3 =	sor.u32 $0x80, s20;
	s22 =	sor.u32 s30, s13;
	[tilespmem:s7+$0x8080] =	vst v3;
	v4 =	vld [tilespmem:s18+$0x0]  }
0x62: {  	s20 =	sadd.s32 $0x50, s29;
	s17 =	sor.u32 s30, s11;
	s6 =	sadd.s32 s6, s3;
	[tilespmem:s9+$0x8080] =	vst v2;
	v6 =	vld [tilespmem:s22+$0x0]  }
0x63: {  	s15 =	sshll.u32 s20, $0x3;
	s21 =	sadd.s32 s1, s6;
	v5 =	vld [tilespmem:s17+$0x0];
	[tilespmem:s2+$0x80B0] =	vst v1  }
0x64: {  	s16 =	sand.u32 $0x50, s20;
	s15 =	sand.u32 $0x400, s15;
	v2 =	vld.idx.msk [tilespmem:v0+s21+$0x0 ss:$0x1], $0xffff  }
0x65: {  	v1 =	vmov s16;
	[dreg:$0x9] =	wrdreg s15  }
0x66: {  	s23 =	sor.u32 s30, s4;
	[tilespmem:s8+$0x8080] =	vst v4  }
0x67: {  	s17 =	sor.u32 s28, s13;
	[tilespmem:s7+$0x8090] =	vst v6;
	v4 =	vld [tilespmem:s23+$0x0]  }
0x68: {  	s24 =	sadd.s32 $0x60, s29;
	s18 =	sor.u32 s28, s11;
	s15 =	sadd.s32 s15, s3;
	[tilespmem:s9+$0x8090] =	vst v5;
	v6 =	vld [tilespmem:s17+$0x0]  }
0x69: {  	s16 =	sshll.u32 s24, $0x3;
	s25 =	sadd.s32 s1, s15;
	v5 =	vld [tilespmem:s18+$0x0];
	[tilespmem:s2+$0x80C0] =	vst v2  }
0x6a: {  	s26 =	sand.u32 $0x60, s24;
	s16 =	sand.u32 $0x400, s16;
	v2 =	vld.idx.msk [tilespmem:v1+s25+$0x0 ss:$0x1], $0xffff  }
0x6b: {  	v3 =	vmov s26;
	[dreg:$0xa] =	wrdreg s16  }
0x6c: {  	s18 =	sor.u32 s28, s4;
	[tilespmem:s8+$0x8090] =	vst v4  }
0x6d: {  	s13 =	sor.u32 s19, s13;
	[tilespmem:s7+$0x80A0] =	vst v6;
	v4 =	vld [tilespmem:s18+$0x0]  }
0x6e: {  	s20 =	sadd.s32 $0x70, s29;
	s11 =	sor.u32 s19, s11;
	s16 =	sadd.s32 s16, s3;
	[tilespmem:s9+$0x80A0] =	vst v5;
	v6 =	vld [tilespmem:s13+$0x0]  }
0x6f: {  	s23 =	sshll.u32 s20, $0x3;
	s21 =	sadd.s32 s1, s16;
	v5 =	vld [tilespmem:s11+$0x0];
	[tilespmem:s2+$0x80D0] =	vst v2  }
0x70: {  	s22 =	sand.u32 $0x70, s20;
	s24 =	sand.u32 $0x400, s23;
	v7 =	vld.idx.msk [tilespmem:v3+s21+$0x0 ss:$0x1], $0xffff  }
0x71: {  	v2 =	vmov s22;
	[dreg:$0xb] =	wrdreg s24  }
0x72: {  	s26 =	simm.s32 $0x200;
	s4 =	sor.u32 s19, s4;
	s17 =	simm.s32 $0x400;
	[tilespmem:s8+$0x80A0] =	vst v4  }
0x73: {  	s20 =	sadd.s32 s10, s6;
	s17 =	sand.u32 $0x3800, s17;
	s18 =	sand.u32 $0x200, s26;
	[tilespmem:s7+$0x80B0] =	vst v6;
	v4 =	vld [tilespmem:s4+$0x0]  }
0x74: {  	s25 =	sadd.s32 s12, s6;
	s13 =	sadd.s32 s24, s3;
	s11 =	sor.u32 $0x180, s18;
	[tilespmem:s9+$0x80B0] =	vst v5;
	v6 =	vld.idx.msk [tilespmem:v0+s20+$0x0 ss:$0x1], $0xffff  }
0x75: {  	s1 =	sadd.s32 s1, s13;
	s4 =	sor.u32 s17, s11;
	[tilespmem:s2+$0x80E0] =	vst v7;
	v7 =	vld.idx.msk [tilespmem:v0+s25+$0x0 ss:$0x1], $0xffff  }
0x76: {  	p4 =	por $0x0, $0x0;
	s20 =	sadd.s32 $0x80, s4;
	v5 =	vld.idx.msk [tilespmem:v2+s1+$0x0 ss:$0x1], $0xffff;
	s1 =	simm.s32 $0x1  }
0x77: {  	s21 =	sor.u32 s29, s20;
	s25 =	sor.u32 $0x400, s0;
	s1 =	simm.s32 @!p4 $0x0  }
0x78: {  	v8 =	vld [tilespmem:s21+$0x0];
	[dreg:$0xd] =	wrdreg s25;
	s1 =	sshll.u32 s1, $0x9  }
0x79: {  	s22 =	sadd.s32 s5, s6;
	[tilespmem:s8+$0x80B0] =	vst v4;
	s31 =	sadd.s32 $0x0, s1  }
0x7a: {  	s24 =	sadd.s32 s12, s15;
	v4 =	vld.idx.msk [tilespmem:v0+s22+$0x0 ss:$0x1], $0xffff;
	s14 =	sadd.s32 $0x180, s31;
	[tilespmem:s9+$0x80C0] =	vst v7  }
0x7b: {  	[tilespmem:s2+$0x80F0] =	vst v5;
	s23 =	sor.u32 s25, s14;
	v7 =	vld.idx.msk [tilespmem:v1+s24+$0x0 ss:$0x1], $0xffff  }
0x7c: {  	s26 =	sadd.s32 s10, s15;
	[tilespmem:s7+$0x80C0] =	vst v6;
	v5 =	vld [tilespmem:s23+$0x80]  }
0x7d: {  	v6 =	vld.idx.msk [tilespmem:v1+s26+$0x0 ss:$0x1], $0xffff  }
0x7e: {  	[tilespmem:s4+$0x8080] =	vst v8  }
0x7f: {  	s1 =	sor.u32 s30, s20;
	[tilespmem:s8+$0x80C0] =	vst v4  }
0x80: {  	v8 =	vld [tilespmem:s1+$0x0];
	s2 =	sadd.s32 s5, s15;
	s6 =	sor.u32 $0x400, s14;
	[tilespmem:s9+$0x80D0] =	vst v7  }
0x81: {  	s3 =	sor.u32 $0x410, s29;
	s21 =	sadd.s32 s12, s16;
	v4 =	vld.idx.msk [tilespmem:v1+s2+$0x0 ss:$0x1], $0xffff;
	[tilespmem:s6+$0x8080] =	vst v5;
	s6 =	sor.u32 $0x80, s18  }
0x82: {  	s22 =	sadd.s32 s10, s16;
	s15 =	sor.u32 s3, s14;
	[tilespmem:s7+$0x80D0] =	vst v6;
	v7 =	vld.idx.msk [tilespmem:v3+s21+$0x0 ss:$0x1], $0xffff;
	s1 =	sor.u32 s17, s6  }
0x83: {  	s2 =	sor.u32 $0x100, s18;
	v5 =	vld [tilespmem:s15+$0x80];
	[smem:$0x7F0] =	sst s18;
	s21 =	sadd.s32 $0x80, s1  }
0x84: {  	s26 =	sor.u32 s17, s2;
	v6 =	vld.idx.msk [tilespmem:v3+s22+$0x0 ss:$0x1], $0xffff;
	s23 =	sor.u32 s29, s21  }
0x85: {  	s24 =	sor.u32 s28, s20;
	[tilespmem:s4+$0x8090] =	vst v8;
	s22 =	sor.u32 $0x80, s26;
	v9 =	vld [tilespmem:s23+$0x0]  }
0x86: {  	s15 =	sor.u32 s18, s17;
	v8 =	vld [tilespmem:s24+$0x0];
	s23 =	sor.u32 s29, s22  }
0x87: {  	s16 =	sadd.s32 s5, s16;
	s18 =	sor.u32 $0x80, s15;
	[tilespmem:s8+$0x80D0] =	vst v4;
	v10 =	vld [tilespmem:s23+$0x0]  }
0x88: {  	s24 =	sor.u32 $0x410, s14;
	s0 =	sor.u32 s29, s18;
	v4 =	vld.idx.msk [tilespmem:v3+s16+$0x0 ss:$0x1], $0xffff;
	[tilespmem:s9+$0x80E0] =	vst v7  }
0x89: {  	s12 =	sadd.s32 s12, s13;
	[tilespmem:s24+$0x8080] =	vst v5;
	v5 =	vld [tilespmem:s0+$0x0]  }
0x8a: {  	s16 =	sor.u32 s30, s21;
	v7 =	vld.idx.msk [tilespmem:v2+s12+$0x0 ss:$0x1], $0xffff;
	[tilespmem:s1+$0x8080] =	vst v9  }
0x8b: {  	s20 =	sor.u32 s19, s20;
	[tilespmem:s4+$0x80A0] =	vst v8;
	v9 =	vld [tilespmem:s16+$0x0]  }
0x8c: {  	s23 =	sor.u32 s30, s22;
	v8 =	vld [tilespmem:s20+$0x0];
	[tilespmem:s26+$0x8080] =	vst v10  }
0x8d: {  	s10 =	sadd.s32 s10, s13;
	[tilespmem:s7+$0x80E0] =	vst v6;
	v10 =	vld [tilespmem:s23+$0x0]  }
0x8e: {  	s24 =	sor.u32 s30, s18;
	v6 =	vld.idx.msk [tilespmem:v2+s10+$0x0 ss:$0x1], $0xffff;
	[tilespmem:s15+$0x8080] =	vst v5;
	s23 =	sor.u32 $0x420, s29  }
0x8f: {  	[tilespmem:s9+$0x80F0] =	vst v7;
	v5 =	vld [tilespmem:s24+$0x0];
	s0 =	sor.u32 s23, s14  }
0x90: {  	s10 =	sor.u32 s28, s21;
	v7 =	vld [tilespmem:s0+$0x80];
	[tilespmem:s1+$0x8090] =	vst v9  }
0x91: {  	s12 =	sor.u32 $0x80, s17;
	s17 =	rddreg [dreg:$0x8];
	v9 =	vld [tilespmem:s10+$0x0];
	[tilespmem:s4+$0x80B0] =	vst v8  }
0x92: {  	[tilespmem:s26+$0x8090] =	vst v10;
	s16 =	sadd.s32 s17, s12  }
0x93: {  	[tilespmem:s8+$0x80E0] =	vst v4;
	s20 =	sadd.s32 s11, s16  }
0x94: {  	s24 =	sor.u32 s28, s22;
	s10 =	sor.u32 $0x420, s14;
	[tilespmem:s15+$0x8090] =	vst v5;
	v8 =	vld.idx.msk [tilespmem:v0+s20+$0x0 ss:$0x1], $0xffff  }
0x95: {  	s5 =	sadd.s32 s5, s13;
	v10 =	vld [tilespmem:s24+$0x0];
	[tilespmem:s10+$0x8080] =	vst v7  }
0x96: {  	s0 =	sor.u32 s28, s18;
	s24 =	sor.u32 $0x430, s29;
	v4 =	vld.idx.msk [tilespmem:v2+s5+$0x0 ss:$0x1], $0xffff;
	[tilespmem:s1+$0x80A0] =	vst v9  }
0x97: {  	v5 =	vld [tilespmem:s0+$0x0];
	s13 =	sor.u32 s24, s14;
	s20 =	rddreg [dreg:$0x9]  }
0x98: {  	s17 =	sor.u32 s19, s21;
	v7 =	vld [tilespmem:s13+$0x80];
	s10 =	sadd.s32 s20, s12  }
0x99: {  	v9 =	vld [tilespmem:s17+$0x0];
	[tilespmem:s4+$0x80C0] =	vst v8;
	s21 =	sadd.s32 s11, s10  }
0x9a: {  	v8 =	vld.idx.msk [tilespmem:v1+s21+$0x0 ss:$0x1], $0xffff;
	[dreg:$0x4] =	wrdreg s19  }
0x9b: {  	s9 =	sadd.s32 $0x80, s31;
	[tilespmem:s26+$0x80A0] =	vst v10  }
0x9c: {  	s13 =	sor.u32 s25, s9;
	[tilespmem:s7+$0x80F0] =	vst v6  }
0x9d: {  	s22 =	sor.u32 s19, s22;
	s17 =	sor.u32 $0x400, s29;
	v6 =	vld [tilespmem:s13+$0x80];
	[tilespmem:s15+$0x80A0] =	vst v5  }
0x9e: {  	s14 =	sor.u32 $0x430, s14;
	s21 =	sadd.s32 $0x100, s31;
	v10 =	vld [tilespmem:s22+$0x0];
	[dreg:$0x10] =	wrdreg s17  }
0x9f: {  	s0 =	sor.u32 s19, s18;
	s18 =	sor.u32 s17, s21;
	[tilespmem:s14+$0x8080] =	vst v7  }
0xa0: {  	s19 =	sor.u32 s17, s31;
	v7 =	vld [tilespmem:s18+$0x80];
	[tilespmem:s8+$0x80F0] =	vst v4  }
0xa1: {  	s22 =	rddreg [dreg:$0xa];
	v4 =	vld [tilespmem:s19+$0x80];
	[tilespmem:s1+$0x80B0] =	vst v9  }
0xa2: {  	s8 =	sor.u32 $0x400, s9;
	[tilespmem:s4+$0x80D0] =	vst v8  }
0xa3: {  	s13 =	sadd.s32 s6, s16;
	v5 =	vld [tilespmem:s0+$0x0];
	s20 =	sadd.s32 s22, s12;
	[tilespmem:s8+$0x8080] =	vst v6  }
0xa4: {  	s18 =	sor.u32 $0x400, s21;
	v9 =	vld.idx.msk [tilespmem:v0+s13+$0x0 ss:$0x1], $0xffff;
	s7 =	sadd.s32 s11, s20;
	[tilespmem:s26+$0x80B0] =	vst v10  }
0xa5: {  	s17 =	sor.u32 s3, s9;
	s22 =	sor.u32 $0x400, s31;
	v8 =	vld.idx.msk [tilespmem:v3+s7+$0x0 ss:$0x1], $0xffff;
	[tilespmem:s18+$0x8080] =	vst v7  }
0xa6: {  	s14 =	smov.u32 s3;
	s19 =	sadd.s32 s2, s16;
	v6 =	vld [tilespmem:s17+$0x80];
	[tilespmem:s22+$0x8080] =	vst v4  }
0xa7: {  	s3 =	sor.u32 s3, s21;
	s17 =	smov.u32 s14;
	v10 =	vld.idx.msk [tilespmem:v0+s19+$0x0 ss:$0x1], $0xffff;
	s8 =	rddreg [dreg:$0xb]  }
0xa8: {  	v7 =	vld [tilespmem:s3+$0x80];
	[dreg:$0xc] =	wrdreg s17;
	s3 =	sadd.s32 s8, s12;
	s12 =	sor.u32 s14, s31  }
0xa9: {  	v4 =	vld [tilespmem:s12+$0x80];
	s12 =	sld [smem:$0x7F0];
	_ =	sdelay $0x1  }
0xaa: {  	[tilespmem:s4+$0x80E0] =	vst v8  }
0xab: {  	s14 =	sadd.s32 s11, s3;
	[tilespmem:s15+$0x80B0] =	vst v5;
	s13 =	sadd.s32 s12, s16;
	s16 =	sor.u32 $0x410, s9  }
0xac: {  	p4 =	por !p4, !p4;
	s18 =	sor.u32 s23, s9;
	s8 =	simm.s32 $0x1;
	v8 =	vld.idx.msk [tilespmem:v2+s14+$0x0 ss:$0x1], $0xffff;
	[tilespmem:s16+$0x8080] =	vst v6  }
0xad: {  	s0 =	sadd.s32 s6, s10;
	s8 =	simm.s32 @!p4 $0x0;
	[tilespmem:s1+$0x80C0] =	vst v9;
	v6 =	vld [tilespmem:s18+$0x80]  }
0xae: {  	s22 =	sor.u32 $0x410, s21;
	s19 =	sshll.u32 s8, $0x9;
	v9 =	vld.idx.msk [tilespmem:v1+s0+$0x0 ss:$0x1], $0xffff;
	[tilespmem:s26+$0x80C0] =	vst v10  }
0xaf: {  	s11 =	sor.u32 $0x410, s31;
	[tilespmem:s22+$0x8080] =	vst v7;
	s5 =	sadd.s32 $0x400, s19;
	v5 =	vld.idx.msk [tilespmem:v0+s13+$0x0 ss:$0x1], $0xffff;
	s13 =	sor.u32 s23, s21  }
0xb0: {  	s14 =	sor.u32 s23, s31;
	s8 =	simm.s32 $0x400;
	v7 =	vld [tilespmem:s13+$0x80];
	[tilespmem:s11+$0x8080] =	vst v4;
	s18 =	sadd.s32 $0x180, s5  }
0xb1: {  	s0 =	sand.u32 $0x200, s8;
	s16 =	sor.u32 $0x420, s9;
	v4 =	vld [tilespmem:s14+$0x80];
	[tilespmem:s4+$0x80F0] =	vst v8;
	s19 =	sor.u32 s25, s18  }
0xb2: {  	s22 =	sadd.s32 s2, s10;
	s25 =	simm.s32 $0x800;
	s14 =	sor.u32 $0x180, s0;
	v8 =	vld [tilespmem:s19+$0x80];
	[tilespmem:s16+$0x8080] =	vst v6  }
0xb3: {  	v10 =	vld.idx.msk [tilespmem:v1+s22+$0x0 ss:$0x1], $0xffff;
	s13 =	sor.u32 s24, s9;
	s4 =	sand.u32 $0x3800, s25;
	[smem:$0x7F1] =	sst s14  }
0xb4: {  	s19 =	sor.u32 $0x420, s21;
	s16 =	sadd.s32 s12, s10;
	s14 =	sor.u32 s4, s14;
	v6 =	vld [tilespmem:s13+$0x80];
	[tilespmem:s15+$0x80C0] =	vst v5  }
0xb5: {  	s22 =	sor.u32 $0x420, s31;
	s25 =	sor.u32 s24, s21;
	[tilespmem:s19+$0x8080] =	vst v7;
	s7 =	sadd.s32 $0x80, s14;
	v5 =	vld.idx.msk [tilespmem:v1+s16+$0x0 ss:$0x1], $0xffff  }
0xb6: {  	s12 =	sor.u32 $0x400, s18;
	[tilespmem:s22+$0x8080] =	vst v4;
	v7 =	vld [tilespmem:s25+$0x80];
	s11 =	sor.u32 s29, s7  }
0xb7: {  	s13 =	sor.u32 $0x80, s0;
	[tilespmem:s12+$0x8080] =	vst v8;
	s16 =	sor.u32 s17, s18;
	v4 =	vld [tilespmem:s11+$0x0]  }
0xb8: {  	s9 =	sor.u32 $0x430, s9;
	s10 =	smov.u32 s24;
	[tilespmem:s1+$0x80D0] =	vst v9;
	s19 =	sor.u32 s4, s13;
	v8 =	vld [tilespmem:s16+$0x80]  }
0xb9: {  	[tilespmem:s26+$0x80D0] =	vst v10;
	s17 =	sadd.s32 s6, s20;
	s16 =	sor.u32 $0x100, s0;
	s22 =	sadd.s32 $0x80, s19  }
0xba: {  	s25 =	sor.u32 $0x430, s21;
	v9 =	vld.idx.msk [tilespmem:v3+s17+$0x0 ss:$0x1], $0xffff;
	s17 =	sor.u32 s4, s16;
	s24 =	sor.u32 s29, s22;
	[tilespmem:s9+$0x8080] =	vst v6  }
0xbb: {  	s12 =	sor.u32 $0x80, s17;
	v6 =	vld [tilespmem:s24+$0x0];
	s9 =	sadd.s32 s2, s20;
	[tilespmem:s25+$0x8080] =	vst v7  }
0xbc: {  	s11 =	sor.u32 s0, s4;
	s24 =	sor.u32 s29, s12;
	v10 =	vld.idx.msk [tilespmem:v3+s9+$0x0 ss:$0x1], $0xffff;
	s9 =	sor.u32 $0x410, s18;
	[tilespmem:s14+$0x8080] =	vst v4  }
0xbd: {  	s21 =	sor.u32 $0x80, s11;
	v7 =	vld [tilespmem:s24+$0x0];
	s25 =	sor.u32 s30, s7;
	[tilespmem:s9+$0x8080] =	vst v8  }
0xbe: {  	s9 =	sor.u32 s29, s21;
	v4 =	vld [tilespmem:s25+$0x0];
	[dreg:$0x6] =	wrdreg s29  }
0xbf: {  	v8 =	vld [tilespmem:s9+$0x0];
	s9 =	sld [smem:$0x7F0];
	[tilespmem:s15+$0x80D0] =	vst v5  }
0xc0: {  	s6 =	sadd.s32 s6, s3;
	[tilespmem:s1+$0x80E0] =	vst v9  }
0xc1: {  	s25 =	sor.u32 s30, s22;
	[tilespmem:s19+$0x8080] =	vst v6;
	v9 =	vld.idx.msk [tilespmem:v2+s6+$0x0 ss:$0x1], $0xffff  }
0xc2: {  	s24 =	smov.u32 s0;
	s0 =	sor.u32 s30, s12;
	v6 =	vld [tilespmem:s25+$0x0];
	[tilespmem:s17+$0x8080] =	vst v7  }
0xc3: {  	s20 =	sadd.s32 s9, s20;
	v7 =	vld [tilespmem:s0+$0x0];
	[tilespmem:s14+$0x8090] =	vst v4  }
0xc4: {  	v5 =	vld.idx.msk [tilespmem:v3+s20+$0x0 ss:$0x1], $0xffff;
	s20 =	sor.u32 s28, s7;
	[tilespmem:s11+$0x8080] =	vst v8  }
0xc5: {  	v4 =	vld [tilespmem:s20+$0x0];
	[dreg:$0x7] =	wrdreg s30  }
0xc6: {  	s25 =	sor.u32 s30, s21;
	[tilespmem:s26+$0x80E0] =	vst v10  }
0xc7: {  	s2 =	sadd.s32 s2, s3;
	v8 =	vld [tilespmem:s25+$0x0];
	[tilespmem:s19+$0x8090] =	vst v6  }
0xc8: {  	s0 =	sor.u32 s28, s22;
	[tilespmem:s1+$0x80F0] =	vst v9;
	v10 =	vld.idx.msk [tilespmem:v2+s2+$0x0 ss:$0x1], $0xffff  }
0xc9: {  	v6 =	vld [tilespmem:s0+$0x0];
	s2 =	sor.u32 s23, s18;
	[tilespmem:s17+$0x8090] =	vst v7  }
0xca: {  	s6 =	sor.u32 s28, s12;
	v9 =	vld [tilespmem:s2+$0x80];
	[tilespmem:s14+$0x80A0] =	vst v4  }
0xcb: {  	v7 =	vld [tilespmem:s6+$0x0];
	s6 =	rddreg [dreg:$0x4]  }
0xcc: {  	s20 =	sor.u32 s6, s7;
	[tilespmem:s11+$0x8090] =	vst v8  }
0xcd: {  	v4 =	vld [tilespmem:s20+$0x0];
	[dreg:$0x5] =	wrdreg s28  }
0xce: {  	s25 =	sor.u32 s28, s21;
	[tilespmem:s15+$0x80E0] =	vst v5  }
0xcf: {  	s1 =	sadd.s32 s9, s3;
	s7 =	sor.u32 $0x420, s18;
	v8 =	vld [tilespmem:s25+$0x0];
	[tilespmem:s19+$0x80A0] =	vst v6  }
0xd0: {  	s3 =	sor.u32 s6, s22;
	[tilespmem:s7+$0x8080] =	vst v9;
	v5 =	vld.idx.msk [tilespmem:v2+s1+$0x0 ss:$0x1], $0xffff  }
0xd1: {  	s9 =	sor.u32 s10, s18;
	s20 =	sor.u32 s6, s12;
	v6 =	vld [tilespmem:s3+$0x0];
	s12 =	sld [smem:$0x7F1];
	[tilespmem:s17+$0x80A0] =	vst v7  }
0xd2: {  	s4 =	sor.u32 $0x80, s4;
	v9 =	vld [tilespmem:s9+$0x80];
	s1 =	rddreg [dreg:$0x8]  }
0xd3: {  	v7 =	vld [tilespmem:s20+$0x0];
	[tilespmem:s26+$0x80F0] =	vst v10;
	s2 =	sadd.s32 s1, s4  }
0xd4: {  	[tilespmem:s14+$0x80B0] =	vst v4;
	s22 =	sadd.s32 s12, s2  }
0xd5: {  	s25 =	sor.u32 s6, s21;
	s3 =	sadd.s32 $0x80, s5;
	v4 =	vld.idx.msk [tilespmem:v0+s22+$0x0 ss:$0x1], $0xffff;
	[tilespmem:s11+$0x80A0] =	vst v8  }
0xd6: {  	s1 =	sor.u32 $0x430, s18;
	s18 =	sadd.s32 s13, s2;
	v8 =	vld [tilespmem:s25+$0x0];
	s26 =	rddreg [dreg:$0xd];
	[tilespmem:s19+$0x80B0] =	vst v6  }
0xd7: {  	[tilespmem:s1+$0x8080] =	vst v9;
	s0 =	sor.u32 s26, s3;
	v6 =	vld.idx.msk [tilespmem:v0+s18+$0x0 ss:$0x1], $0xffff  }
0xd8: {  	s7 =	sadd.s32 $0x100, s5;
	s22 =	sadd.s32 s16, s2;
	s20 =	rddreg [dreg:$0x10];
	[tilespmem:s17+$0x80B0] =	vst v7;
	v10 =	vld [tilespmem:s0+$0x80]  }
0xd9: {  	s1 =	sor.u32 s10, s31;
	[tilespmem:s15+$0x80F0] =	vst v5;
	s21 =	sor.u32 s20, s7;
	v7 =	vld.idx.msk [tilespmem:v0+s22+$0x0 ss:$0x1], $0xffff  }
0xda: {  	s9 =	smov.u32 s26;
	s25 =	sor.u32 s20, s5;
	s26 =	rddreg [dreg:$0x9];
	v9 =	vld [tilespmem:s21+$0x80];
	[tilespmem:s14+$0x80C0] =	vst v4  }
0xdb: {  	s15 =	sadd.s32 s26, s4;
	v5 =	vld [tilespmem:s25+$0x80];
	[smem:$0x7F2] =	sst s1  }
0xdc: {  	s20 =	sor.u32 $0x400, s3;
	s6 =	sadd.s32 s12, s15;
	[tilespmem:s11+$0x80B0] =	vst v8  }
0xdd: {  	s18 =	sadd.s32 s24, s2;
	v4 =	vld.idx.msk [tilespmem:v1+s6+$0x0 ss:$0x1], $0xffff;
	[tilespmem:s20+$0x8080] =	vst v10  }
0xde: {  	s21 =	sor.u32 $0x400, s7;
	s26 =	sadd.s32 s13, s15;
	v11 =	vld.idx.msk [tilespmem:v0+s18+$0x0 ss:$0x1], $0xffff;
	s22 =	rddreg [dreg:$0xc];
	[tilespmem:s19+$0x80C0] =	vst v6  }
0xdf: {  	s6 =	sor.u32 $0x430, s3;
	[tilespmem:s21+$0x8080] =	vst v9;
	s25 =	sor.u32 s22, s3;
	v12 =	vld.idx.msk [tilespmem:v1+s26+$0x0 ss:$0x1], $0xffff  }
0xe0: {  	v10 =	vld [tilespmem:s25+$0x80];
	[dreg:$0x18] =	wrdreg s6  }
0xe1: {  	s21 =	sor.u32 $0x400, s5;
	s20 =	sor.u32 s22, s7;
	[tilespmem:s17+$0x80C0] =	vst v7  }
0xe2: {  	s30 =	sor.u32 $0x430, s31;
	s28 =	sor.u32 s10, s5;
	s25 =	sadd.s32 s16, s15;
	v13 =	vld [tilespmem:s20+$0x80];
	[tilespmem:s21+$0x8080] =	vst v5  }
0xe3: {  	s22 =	sor.u32 s22, s5;
	s6 =	sor.u32 $0x420, s5;
	v6 =	vld.idx.msk [tilespmem:v1+s25+$0x0 ss:$0x1], $0xffff;
	s0 =	rddreg [dreg:$0xa];
	[tilespmem:s14+$0x80D0] =	vst v4  }
0xe4: {  	s29 =	sor.u32 $0x420, s3;
	v5 =	vld [tilespmem:s22+$0x80];
	s0 =	sadd.s32 s0, s4;
	[dreg:$0x1f] =	wrdreg s6  }
0xe5: {  	s2 =	sor.u32 $0x410, s3;
	s1 =	sor.u32 s23, s3;
	s18 =	sadd.s32 s12, s0;
	[tilespmem:s11+$0x80C0] =	vst v11  }
0xe6: {  	s26 =	sor.u32 s10, s3;
	s3 =	sor.u32 $0x420, s7;
	s22 =	sadd.s32 s24, s15;
	v8 =	vld.idx.msk [tilespmem:v3+s18+$0x0 ss:$0x1], $0xffff;
	[tilespmem:s2+$0x8080] =	vst v10  }
0xe7: {  	s31 =	simm.s32 $0x800;
	s6 =	sor.u32 $0x430, s7;
	v9 =	vld.idx.msk [tilespmem:v1+s22+$0x0 ss:$0x1], $0xffff;
	[smem:$0x7F3] =	sst s3  }
0xe8: {  	s21 =	sor.u32 $0x410, s5;
	s20 =	sor.u32 s23, s5;
	v4 =	vld [tilespmem:s1+$0x80];
	[dreg:$0x19] =	wrdreg s6  }
0xe9: {  	s25 =	sor.u32 $0x410, s7;
	s18 =	sor.u32 $0x430, s5;
	s5 =	sor.u32 s23, s7;
	[tilespmem:s19+$0x80D0] =	vst v12  }
0xea: {  	s22 =	sor.u32 s10, s7;
	s7 =	sadd.s32 s13, s0;
	s10 =	smov.u32 s10;
	[tilespmem:s25+$0x8080] =	vst v13  }
0xeb: {  	s2 =	sadd.s32 s16, s0;
	s1 =	sadd.s32 s24, s0;
	v7 =	vld.idx.msk [tilespmem:v3+s7+$0x0 ss:$0x1], $0xffff;
	[dreg:$0xe] =	wrdreg s23  }
0xec: {  	s0 =	simm.s32 $0x8;
	s25 =	simm.s32 $0xC00;
	[dreg:$0xf] =	wrdreg s10  }
.LBB2_2:
0xed: {  	[smem:$0x7DA] =	sst s19  }
0xee: {  	[smem:$0x7D9] =	sst s30  }
0xef: {  	[smem:$0x7DE] =	sst s18  }
0xf0: {  	[smem:$0x7DD] =	sst s28  }
0xf1: {  	s3 =	rddreg [dreg:$0xb]  }
0xf2: {  	[smem:$0x7E0] =	sst s17  }
0xf3: {  	[smem:$0x7E3] =	sst s11  }
0xf4: {  	s8 =	sadd.s32 $0x200, s8;
	s23 =	sld [smem:$0x7F2]  }
0xf5: {  	[dreg:$0x13] =	wrdreg s8;
	s30 =	sand.u32 $0x200, s8  }
0xf6: {  	s15 =	smov.u32 s9;
	[tilespmem:s21+$0x8080] =	vst v5;
	s21 =	sld [smem:$0x7F3];
	s9 =	sor.u32 $0x180, s30  }
0xf7: {  	s28 =	sand.u32 $0x3800, s25;
	s10 =	sor.u32 $0x80, s30;
	[smem:$0x7F1] =	sst s9  }
0xf8: {  	s7 =	smov.u32 s17;
	s6 =	sor.u32 $0x100, s30;
	[smem:$0x7DB] =	sst s10  }
0xf9: {  	p4 =	por !p4, !p4;
	v5 =	vld [tilespmem:s20+$0x80];
	[smem:$0x7DC] =	sst s6;
	[tilespmem:s17+$0x80D0] =	vst v6;
	s17 =	sor.u32 s28, s9  }
0xfa: {  	[tilespmem:s29+$0x8080] =	vst v4;
	s29 =	sor.u32 s28, s6;
	v6 =	vld [tilespmem:s5+$0x80];
	s5 =	sadd.s32 s3, s4;
	s4 =	sor.u32 s28, s10  }
0xfb: {  	[tilespmem:s11+$0x80D0] =	vst v9;
	v10 =	vld.idx.msk [tilespmem:v3+s2+$0x0 ss:$0x1], $0xffff;
	s3 =	smov.u32 s16;
	s16 =	smov.u32 s13;
	s13 =	smov.u32 s24  }
0xfc: {  	s24 =	sadd.s32 $0x80, s17;
	v9 =	vld.idx.msk [tilespmem:v3+s1+$0x0 ss:$0x1], $0xffff;
	s2 =	simm.s32 $0x1;
	[tilespmem:s19+$0x80E0] =	vst v7;
	s10 =	rddreg [dreg:$0x1f]  }
0xfd: {  	[tilespmem:s14+$0x80E0] =	vst v8;
	s19 =	sor.u32 $0x80, s29;
	s8 =	sadd.s32 s12, s5;
	s12 =	rddreg [dreg:$0x6];
	v4 =	vld [tilespmem:s26+$0x80]  }
0xfe: {  	s2 =	simm.s32 @!p4 $0x0;
	s26 =	sor.u32 s30, s28;
	s6 =	sadd.s32 $0x80, s4;
	v8 =	vld.idx.msk [tilespmem:v2+s8+$0x0 ss:$0x1], $0xffff  }
0xff: {  	s18 =	sor.u32 s12, s24;
	s20 =	sshll.u32 s2, $0x9;
	[tilespmem:s10+$0x8080] =	vst v5;
	s8 =	rddreg [dreg:$0x7]  }
0x100: {  	s2 =	sor.u32 $0x80, s26;
	s10 =	rddreg [dreg:$0x5];
	v7 =	vld [tilespmem:s18+$0x0];
	s31 =	sadd.s32 s20, s31;
	[tilespmem:s21+$0x8080] =	vst v6  }
0x101: {  	s18 =	sor.u32 s12, s19;
	v5 =	vld [tilespmem:s23+$0x80];
	s20 =	sor.u32 s12, s2;
	s1 =	sadd.s32 $0x180, s31;
	[tilespmem:s11+$0x80E0] =	vst v9  }
0x102: {  	s23 =	sor.u32 s8, s19;
	s21 =	sor.u32 s8, s6;
	s9 =	sor.u32 s15, s1;
	[tilespmem:s7+$0x80E0] =	vst v10  }
0x103: {  	s11 =	rddreg [dreg:$0x18];
	s15 =	sadd.s32 s16, s5;
	s7 =	sor.u32 s10, s19;
	v6 =	vld [tilespmem:s22+$0x80];
	[tilespmem:s14+$0x80F0] =	vst v8  }
0x104: {  	s22 =	sor.u32 s12, s6;
	s12 =	sor.u32 s8, s2;
	v8 =	vld [tilespmem:s9+$0x80];
	s9 =	rddreg [dreg:$0x4]  }
0x105: {  	s14 =	sor.u32 s10, s2;
	s8 =	sor.u32 s8, s24;
	v10 =	vld [tilespmem:s22+$0x0];
	[tilespmem:s17+$0x8080] =	vst v7;
	s2 =	sor.u32 s9, s2  }
0x106: {  	v7 =	vld [tilespmem:s8+$0x0];
	s8 =	sadd.s32 $0x80, s31;
	[smem:$0x7DF] =	sst s2;
	s2 =	sor.u32 s9, s19  }
0x107: {  	v9 =	vld [tilespmem:s18+$0x0];
	s19 =	sadd.s32 s13, s5;
	s5 =	sadd.s32 s3, s5;
	s3 =	rddreg [dreg:$0xd]  }
0x108: {  	s16 =	rddreg [dreg:$0x19];
	[tilespmem:s11+$0x8080] =	vst v4;
	s11 =	sor.u32 s3, s8  }
0x109: {  	[tilespmem:s16+$0x8080] =	vst v6;
	[smem:$0x7E1] =	sst s11  }
0x10a: {  	v4 =	vld [tilespmem:s20+$0x0];
	s20 =	sor.u32 $0x400, s1;
	s16 =	rddreg [dreg:$0xc];
	[tilespmem:s4+$0x8080] =	vst v10  }
0x10b: {  	[tilespmem:s20+$0x8080] =	vst v8;
	s20 =	sor.u32 $0x400, s8;
	v6 =	vld.idx.msk [tilespmem:v2+s15+$0x0 ss:$0x1], $0xffff;
	s15 =	rddreg [dreg:$0x10]  }
0x10c: {  	s22 =	sor.u32 s10, s6;
	[tilespmem:s29+$0x8080] =	vst v9;
	[smem:$0x7E5] =	sst s20  }
0x10d: {  	s18 =	sor.u32 s9, s6;
	s6 =	sor.u32 s16, s31;
	v9 =	vld [tilespmem:s23+$0x0];
	s23 =	rddreg [dreg:$0xe]  }
0x10e: {  	s11 =	sor.u32 s16, s1;
	s20 =	sor.u32 $0x400, s31;
	[smem:$0x7EA] =	sst s6  }
0x10f: {  	v8 =	vld [tilespmem:s11+$0x80];
	s11 =	sor.u32 s10, s24;
	s10 =	sor.u32 $0x410, s8;
	[smem:$0x7E9] =	sst s20  }
0x110: {  	s13 =	sadd.s32 $0x100, s31;
	[smem:$0x7EB] =	sst s10  }
0x111: {  	v10 =	vld [tilespmem:s21+$0x0];
	s21 =	sor.u32 s15, s13;
	s20 =	sld [smem:$0x7D9]  }
0x112: {  	s15 =	sor.u32 s15, s31;
	[smem:$0x7E2] =	sst s21  }
0x113: {  	[tilespmem:s17+$0x8090] =	vst v7;
	[smem:$0x7E4] =	sst s15  }
0x114: {  	[tilespmem:s26+$0x8080] =	vst v4;
	v4 =	vld [tilespmem:s11+$0x0];
	s11 =	sor.u32 s16, s13;
	s15 =	rddreg [dreg:$0xf]  }
0x115: {  	v7 =	vld [tilespmem:s12+$0x0];
	s12 =	sor.u32 s23, s8;
	[smem:$0x7E8] =	sst s11  }
0x116: {  	s21 =	sor.u32 $0x400, s13;
	[smem:$0x7EC] =	sst s12  }
0x117: {  	s10 =	sor.u32 $0x420, s8;
	[smem:$0x7E7] =	sst s21  }
0x118: {  	s21 =	sor.u32 s16, s8;
	s6 =	sor.u32 s15, s8;
	s8 =	sor.u32 $0x430, s8;
	[tilespmem:s4+$0x8090] =	vst v10  }
0x119: {  	[dreg:$0x18] =	wrdreg s8;
	v10 =	vld [tilespmem:s22+$0x0]  }
0x11a: {  	s11 =	sor.u32 $0x420, s13;
	s8 =	sld [smem:$0x7DA]  }
0x11b: {  	[smem:$0x7F3] =	sst s11;
	[tilespmem:s20+$0x8080] =	vst v5  }
0x11c: {  	s16 =	sor.u32 $0x410, s13;
	s11 =	sld [smem:$0x7DB];
	[tilespmem:s26+$0x8090] =	vst v7  }
0x11d: {  	s3 =	sor.u32 $0x410, s1;
	[smem:$0x7ED] =	sst s16;
	v5 =	vld.idx.msk [tilespmem:v2+s5+$0x0 ss:$0x1], $0xffff;
	[tilespmem:s8+$0x80F0] =	vst v6  }
0x11e: {  	s24 =	sor.u32 s9, s24;
	v6 =	vld.idx.msk [tilespmem:v2+s19+$0x0 ss:$0x1], $0xffff;
	s19 =	smov.u32 s4;
	[tilespmem:s4+$0x80A0] =	vst v10;
	s4 =	sld [smem:$0x7DD]  }
0x11f: {  	s16 =	sor.u32 s23, s1;
	[tilespmem:s3+$0x8080] =	vst v8;
	s22 =	sor.u32 $0x420, s31;
	v7 =	vld [tilespmem:s14+$0x0];
	s14 =	sld [smem:$0x7DC]  }
0x120: {  	s5 =	sor.u32 s23, s13;
	[tilespmem:s29+$0x8090] =	vst v9;
	s3 =	sor.u32 $0x430, s13;
	v8 =	vld [tilespmem:s16+$0x80];
	[dreg:$0x1f] =	wrdreg s22  }
0x121: {  	v9 =	vld [tilespmem:s7+$0x0];
	[tilespmem:s17+$0x80A0] =	vst v4;
	s22 =	sor.u32 s15, s13;
	s13 =	smov.u32 s11;
	s11 =	smov.u32 s4  }
0x122: {  	s12 =	sor.u32 s15, s31;
	v4 =	vld [tilespmem:s24+$0x0];
	s16 =	smov.u32 s14;
	[smem:$0x7F2] =	sst s11  }
0x123: {  	s14 =	smov.u32 s17;
	s17 =	sor.u32 $0x420, s1;
	s11 =	sld [smem:$0x7DE]  }
0x124: {  	s4 =	sor.u32 $0x80, s28;
	s28 =	smov.u32 s12;
	s12 =	sld [smem:$0x7F1]  }
0x125: {  	s24 =	smov.u32 s30;
	[tilespmem:s17+$0x8080] =	vst v8;
	s17 =	sor.u32 s15, s1;
	v10 =	vld [tilespmem:s18+$0x0];
	s18 =	rddreg [dreg:$0x8]  }
0x126: {  	[tilespmem:s29+$0x80A0] =	vst v9;
	v8 =	vld [tilespmem:s17+$0x80];
	s8 =	sadd.s32 s18, s4;
	s30 =	smov.u32 s11;
	s11 =	sld [smem:$0x7DF]  }
0x127: {  	v9 =	vld [tilespmem:s2+$0x0];
	[tilespmem:s14+$0x80B0] =	vst v4;
	s17 =	sadd.s32 s12, s8  }
0x128: {  	[tilespmem:s26+$0x80A0] =	vst v7;
	v4 =	vld.idx.msk [tilespmem:v0+s17+$0x0 ss:$0x1], $0xffff;
	s17 =	sld [smem:$0x7E0]  }
0x129: {  	v7 =	vld [tilespmem:s11+$0x0];
	s11 =	sld [smem:$0x7E1];
	_ =	sdelay $0x1  }
0x12a: {  	s7 =	sor.u32 $0x430, s31;
	[tilespmem:s19+$0x80B0] =	vst v10  }
0x12b: {  	s18 =	smov.u32 s7;
	s7 =	sadd.s32 s13, s8;
	[tilespmem:s17+$0x80F0] =	vst v5;
	v5 =	vld [tilespmem:s11+$0x80];
	s11 =	sld [smem:$0x7E3]  }
0x12c: {  	v10 =	vld.idx.msk [tilespmem:v0+s7+$0x0 ss:$0x1], $0xffff;
	s7 =	sld [smem:$0x7E2];
	s17 =	smov.u32 s29  }
0x12d: {  	[dreg:$0x19] =	wrdreg s3;
	s1 =	sor.u32 $0x430, s1;
	s3 =	sadd.s32 s24, s8;
	[tilespmem:s17+$0x80B0] =	vst v9  }
0x12e: {  	[tilespmem:s11+$0x80F0] =	vst v6;
	s11 =	smov.u32 s26;
	s26 =	smov.u32 s6;
	s6 =	sld [smem:$0x7E4]  }
0x12f: {  	s8 =	sadd.s32 s16, s8;
	[tilespmem:s1+$0x8080] =	vst v8;
	s29 =	smov.u32 s10;
	s10 =	rddreg [dreg:$0x9];
	v8 =	vld [tilespmem:s7+$0x80]  }
0x130: {  	s1 =	sadd.s32 s10, s4;
	v9 =	vld.idx.msk [tilespmem:v0+s8+$0x0 ss:$0x1], $0xffff  }
0x131: {  	[smem:$0x7E6] =	sst s21;
	[tilespmem:s14+$0x80C0] =	vst v4;
	s8 =	sadd.s32 s12, s1;
	v4 =	vld [tilespmem:s6+$0x80]  }
0x132: {  	[tilespmem:s11+$0x80B0] =	vst v7;
	v7 =	vld.idx.msk [tilespmem:v1+s8+$0x0 ss:$0x1], $0xffff;
	s8 =	sld [smem:$0x7E5]  }
0x133: {  	s10 =	sld [smem:$0x7E6]  }
0x134: {  	s6 =	sld [smem:$0x7E7]  }
0x135: {  	v11 =	vld.idx.msk [tilespmem:v0+s3+$0x0 ss:$0x1], $0xffff;
	s3 =	sld [smem:$0x7E9];
	[tilespmem:s8+$0x8080] =	vst v5  }
0x136: {  	s8 =	sld [smem:$0x7E8];
	[tilespmem:s19+$0x80C0] =	vst v10  }
0x137: {  	s2 =	sadd.s32 s13, s1;
	[tilespmem:s6+$0x8080] =	vst v8;
	s6 =	sld [smem:$0x7EA];
	v10 =	vld [tilespmem:s10+$0x80]  }
0x138: {  	s7 =	sadd.s32 s24, s1;
	s1 =	sadd.s32 s16, s1;
	[tilespmem:s17+$0x80C0] =	vst v9;
	v12 =	vld.idx.msk [tilespmem:v1+s2+$0x0 ss:$0x1], $0xffff;
	s10 =	rddreg [dreg:$0xa]  }
0x139: {  	s0 =	sadd.s32 $0x4, s0;
	v6 =	vld.idx.msk [tilespmem:v1+s1+$0x0 ss:$0x1], $0xffff;
	[tilespmem:s3+$0x8080] =	vst v4;
	s2 =	sadd.s32 s10, s4;
	s10 =	sld [smem:$0x7EB]  }
0x13a: {  	p5 =	slt.u32 s0, $0x3C;
	[tilespmem:s14+$0x80D0] =	vst v7;
	v13 =	vld [tilespmem:s8+$0x80]  }
.Ltmp0:
0x13b: {  	v5 =	vld [tilespmem:s6+$0x80];
	[tilespmem:s11+$0x80C0] =	vst v11;
	s6 =	sld [smem:$0x7EC];
	(pc) =	sbr.rel @p5 .LBB2_2-.Ltmp0, $4  }
0x13c: {  	s8 =	sadd.s32 s12, s2;
	v9 =	vld.idx.msk [tilespmem:v1+s7+$0x0 ss:$0x1], $0xffff;
	[tilespmem:s10+$0x8080] =	vst v10;
	s10 =	sld [smem:$0x7ED]  }
0x13d: {  	s9 =	rddreg [dreg:$0xd];
	s21 =	sor.u32 $0x410, s31;
	s20 =	sor.u32 s23, s31;
	v8 =	vld.idx.msk [tilespmem:v3+s8+$0x0 ss:$0x1], $0xffff;
	[tilespmem:s19+$0x80D0] =	vst v12  }
0x13e: {  	s31 =	smov.u32 s25;
	s25 =	sadd.s32 $0x400, s25;
	s3 =	sadd.s32 s13, s2;
	v4 =	vld [tilespmem:s6+$0x80]  }
0x13f: {  	s1 =	sadd.s32 s24, s2;
	s2 =	sadd.s32 s16, s2;
	s8 =	rddreg [dreg:$0x13];
	v7 =	vld.idx.msk [tilespmem:v3+s3+$0x0 ss:$0x1], $0xffff;
	[tilespmem:s10+$0x8080] =	vst v13  }
0x140: {  	_ =	sdelay $0x2  }
0x141: {  	[tilespmem:s17+$0x80D0] =	vst v6  }
0x142: {  	v6 =	vld.idx.msk [tilespmem:v3+s2+$0x0 ss:$0x1], $0xffff;
	[tilespmem:s11+$0x80D0] =	vst v9  }
0x143: {  	s0 =	rddreg [dreg:$0xb]  }
0x144: {  	v9 =	vld.idx.msk [tilespmem:v3+s1+$0x0 ss:$0x1], $0xffff;
	s10 =	sadd.s32 s0, s4  }
0x145: {  	[tilespmem:s14+$0x80E0] =	vst v8;
	s0 =	sadd.s32 s12, s10  }
0x146: {  	p4 =	por !p4, !p4;
	[tilespmem:s19+$0x80E0] =	vst v7;
	s25 =	sadd.s32 s13, s10;
	v8 =	vld.idx.msk [tilespmem:v2+s0+$0x0 ss:$0x1], $0xffff;
	s0 =	simm.s32 $0x1  }
0x147: {  	s0 =	simm.s32 @!p4 $0x0;
	[tilespmem:s17+$0x80E0] =	vst v6;
	v6 =	vld.idx.msk [tilespmem:v2+s25+$0x0 ss:$0x1], $0xffff  }
0x148: {  	s3 =	sadd.s32 s16, s10;
	s0 =	sshll.u32 s0, $0x9  }
0x149: {  	s2 =	sadd.s32 s24, s10;
	v7 =	vld.idx.msk [tilespmem:v2+s3+$0x0 ss:$0x1], $0xffff;
	[tilespmem:s11+$0x80E0] =	vst v9;
	s0 =	sadd.s32 s0, s31  }
0x14a: {  	v9 =	vld.idx.msk [tilespmem:v2+s2+$0x0 ss:$0x1], $0xffff;
	s1 =	sadd.s32 $0x180, s0  }
0x14b: {  	s2 =	sadd.s32 $0x80, s0;
	[tilespmem:s14+$0x80F0] =	vst v8;
	s4 =	sor.u32 s9, s1  }
0x14c: {  	s6 =	sor.u32 s9, s2;
	v8 =	vld [tilespmem:s4+$0x80];
	[tilespmem:s19+$0x80F0] =	vst v6  }
0x14d: {  	s3 =	sadd.s32 $0x100, s0;
	s8 =	rddreg [dreg:$0x10];
	v6 =	vld [tilespmem:s6+$0x80]  }
0x14e: {  	[tilespmem:s17+$0x80F0] =	vst v7;
	s7 =	sor.u32 s8, s3  }
0x14f: {  	[tilespmem:s11+$0x80F0] =	vst v9;
	v7 =	vld [tilespmem:s7+$0x80];
	s7 =	sor.u32 s8, s0  }
0x150: {  	[tilespmem:s21+$0x8080] =	vst v5;
	s8 =	sor.u32 $0x400, s1;
	v5 =	vld [tilespmem:s7+$0x80]  }
0x151: {  	s11 =	sor.u32 $0x400, s2;
	[tilespmem:s8+$0x8080] =	vst v8  }
0x152: {  	s9 =	rddreg [dreg:$0xc];
	[tilespmem:s11+$0x8080] =	vst v6  }
0x153: {  	s12 =	sor.u32 $0x400, s3;
	[tilespmem:s29+$0x8080] =	vst v4  }
0x154: {  	s16 =	sor.u32 $0x400, s0;
	v9 =	vld [tilespmem:s5+$0x80];
	s10 =	sor.u32 s9, s1;
	[tilespmem:s12+$0x8080] =	vst v7  }
0x155: {  	s13 =	sor.u32 s9, s2;
	v8 =	vld [tilespmem:s10+$0x80];
	[tilespmem:s16+$0x8080] =	vst v5  }
0x156: {  	s14 =	sor.u32 s9, s3;
	v6 =	vld [tilespmem:s13+$0x80];
	s4 =	sld [smem:$0x7F3]  }
0x157: {  	s17 =	sor.u32 s9, s0;
	v4 =	vld [tilespmem:s14+$0x80]  }
0x158: {  	v5 =	vld [tilespmem:s17+$0x80]  }
0x159: {  	s19 =	sor.u32 $0x410, s1;
	v7 =	vld [tilespmem:s20+$0x80];
	[tilespmem:s4+$0x8080] =	vst v9  }
0x15a: {  	s20 =	sor.u32 $0x410, s2;
	[tilespmem:s19+$0x8080] =	vst v8  }
0x15b: {  	s24 =	sor.u32 $0x410, s3;
	s21 =	sor.u32 s23, s1;
	v9 =	vld [tilespmem:s26+$0x80];
	[tilespmem:s20+$0x8080] =	vst v6  }
0x15c: {  	s6 =	sor.u32 s23, s2;
	s26 =	sor.u32 $0x410, s0;
	v8 =	vld [tilespmem:s21+$0x80];
	[tilespmem:s24+$0x8080] =	vst v4  }
0x15d: {  	s25 =	sor.u32 s23, s3;
	v6 =	vld [tilespmem:s6+$0x80];
	s5 =	rddreg [dreg:$0x1f];
	[tilespmem:s26+$0x8080] =	vst v5  }
0x15e: {  	v4 =	vld [tilespmem:s25+$0x80];
	[tilespmem:s5+$0x8080] =	vst v7  }
0x15f: {  	s29 =	sor.u32 s23, s0;
	s5 =	rddreg [dreg:$0x18]  }
0x160: {  	s6 =	sor.u32 $0x420, s1;
	v5 =	vld [tilespmem:s29+$0x80];
	[tilespmem:s5+$0x8080] =	vst v9  }
0x161: {  	s8 =	sor.u32 $0x420, s2;
	s9 =	sor.u32 s15, s1;
	v7 =	vld [tilespmem:s22+$0x80];
	s7 =	sld [smem:$0x7F2];
	[tilespmem:s6+$0x8080] =	vst v8  }
0x162: {  	s11 =	sor.u32 s15, s2;
	s10 =	sor.u32 $0x420, s3;
	[tilespmem:s8+$0x8080] =	vst v6;
	v8 =	vld [tilespmem:s9+$0x80]  }
0x163: {  	s12 =	sor.u32 s15, s3;
	v6 =	vld [tilespmem:s11+$0x80];
	[tilespmem:s10+$0x8080] =	vst v4  }
0x164: {  	s14 =	sor.u32 $0x420, s0;
	v4 =	vld [tilespmem:s12+$0x80]  }
0x165: {  	s13 =	rddreg [dreg:$0x19];
	[tilespmem:s14+$0x8080] =	vst v5;
	v5 =	vld [tilespmem:s28+$0x80]  }
0x166: {  	s16 =	sor.u32 s15, s0;
	s1 =	sor.u32 $0x430, s1;
	v9 =	vld [tilespmem:s7+$0x80];
	[tilespmem:s13+$0x8080] =	vst v7  }
0x167: {  	s2 =	sor.u32 $0x430, s2;
	v7 =	vld [tilespmem:s16+$0x80];
	[tilespmem:s1+$0x8080] =	vst v8  }
0x168: {  	s17 =	sor.u32 $0x430, s3;
	[tilespmem:s2+$0x8080] =	vst v6  }
0x169: {  	[tilespmem:s17+$0x8080] =	vst v4  }
0x16a: {  	[tilespmem:s18+$0x8080] =	vst v5  }
0x16b: {  	s0 =	sor.u32 $0x430, s0;
	[tilespmem:s30+$0x8080] =	vst v9  }
0x16c: {  	[tilespmem:s0+$0x8080] =	vst v7  }
0x16d: {  	s18 =	simm.s32 $0x0;
	s1 =	sld [smem:$0x7F7]  }
0x16e: {  	s19 =	simm.s32 $0x8080;
	s11 =	sand.u32 $0x3800, s18;
	s4 =	sand.u32 $0x200, s18  }
0x16f: {  	s21 =	simm.s32 $0x2;
	s20 =	sor.u32 $0x4000, s11;
	s12 =	sor.u32 $0x180, s4  }
0x170: {  	[hbm4b:s1+s18] =	stream.linear.scatter [tilespmem:s19], [sflag:$0x3], $0x4000, $0x38;
	[tilespmem:$0x10080] =	vst v63  }
0x171: {  	s10 =	sor.u32 s12, s20;
	_ =	swait.ge [sflag:s21], $0x4000  }
0x172: {  	s22 =	sadd.s32 $0x80, s10;
	[sflag:s21] =	ssyncset.done $0x0;
	s29 =	rddreg [dreg:$0x6]  }
0x173: {  	[sflag:s21] =	ssyncadd.s32 $0xFFFFC000;
	s23 =	sor.u32 s29, s22  }
0x174: {  	v4 =	vld [tilespmem:s23+$0x0];
	_ =	sdelay $0x3  }
0x175: {  	s9 =	sor.u32 s4, s20  }
0x176: {  	s24 =	sor.u32 $0x80, s9;
	[tilespmem:s10+$0x8080] =	vst v4  }
0x177: {  	s25 =	sor.u32 s29, s24;
	s30 =	rddreg [dreg:$0x7]  }
0x178: {  	s8 =	sor.u32 $0x80, s4;
	v5 =	vld [tilespmem:s25+$0x0];
	s26 =	sor.u32 s30, s22  }
0x179: {  	s0 =	sor.u32 s8, s20;
	v4 =	vld [tilespmem:s26+$0x0]  }
0x17a: {  	s5 =	sadd.s32 $0x80, s0  }
0x17b: {  	s7 =	sor.u32 $0x100, s4;
	s28 =	sor.u32 s29, s5  }
0x17c: {  	s6 =	sor.u32 s7, s20;
	v6 =	vld [tilespmem:s28+$0x0]  }
0x17d: {  	s13 =	sor.u32 $0x80, s6;
	[tilespmem:s9+$0x8080] =	vst v5  }
0x17e: {  	s14 =	sor.u32 s29, s13;
	[tilespmem:s10+$0x8090] =	vst v4  }
0x17f: {  	v7 =	vld [tilespmem:s14+$0x0];
	s15 =	sor.u32 s30, s24;
	s28 =	rddreg [dreg:$0x5]  }
0x180: {  	v5 =	vld [tilespmem:s15+$0x0];
	s16 =	sor.u32 s28, s22  }
0x181: {  	s17 =	sor.u32 s30, s5;
	[tilespmem:s0+$0x8080] =	vst v6;
	v4 =	vld [tilespmem:s16+$0x0]  }
0x182: {  	v6 =	vld [tilespmem:s17+$0x0];
	_ =	sdelay $0x1  }
0x183: {  	s18 =	sor.u32 s30, s13;
	[tilespmem:s6+$0x8080] =	vst v7  }
0x184: {  	[tilespmem:s9+$0x8090] =	vst v5;
	s19 =	sor.u32 s28, s24;
	v7 =	vld [tilespmem:s18+$0x0]  }
0x185: {  	v5 =	vld [tilespmem:s19+$0x0];
	[tilespmem:s10+$0x80A0] =	vst v4  }
0x186: {  	s21 =	sor.u32 s28, s5;
	s26 =	rddreg [dreg:$0x4];
	[tilespmem:s0+$0x8090] =	vst v6  }
0x187: {  	s20 =	sor.u32 s26, s22;
	v6 =	vld [tilespmem:s21+$0x0]  }
0x188: {  	v4 =	vld [tilespmem:s20+$0x0]  }
0x189: {  	[tilespmem:s6+$0x8090] =	vst v7;
	s22 =	sor.u32 s28, s13  }
0x18a: {  	[tilespmem:s9+$0x80A0] =	vst v5;
	s23 =	sor.u32 s26, s24;
	v7 =	vld [tilespmem:s22+$0x0]  }
0x18b: {  	s3 =	sor.u32 $0x4080, s11;
	s31 =	rddreg [dreg:$0x8];
	v5 =	vld [tilespmem:s23+$0x0]  }
0x18c: {  	s5 =	sor.u32 s26, s5;
	s24 =	sadd.s32 s31, s3;
	[tilespmem:s0+$0x80A0] =	vst v6  }
0x18d: {  	s25 =	sadd.s32 s12, s24;
	[tilespmem:s10+$0x80B0] =	vst v4;
	v6 =	vld [tilespmem:s5+$0x0]  }
0x18e: {  	v4 =	vld.idx.msk [tilespmem:v0+s25+$0x0 ss:$0x1], $0xffff  }
0x18f: {  	s5 =	sor.u32 s26, s13;
	[tilespmem:s6+$0x80A0] =	vst v7  }
0x190: {  	s13 =	sadd.s32 s4, s24;
	[tilespmem:s9+$0x80B0] =	vst v5;
	v7 =	vld [tilespmem:s5+$0x0]  }
0x191: {  	v5 =	vld.idx.msk [tilespmem:v0+s13+$0x0 ss:$0x1], $0xffff;
	s14 =	rddreg [dreg:$0x9]  }
0x192: {  	s16 =	sadd.s32 s8, s24;
	s15 =	sadd.s32 s14, s3;
	[tilespmem:s0+$0x80B0] =	vst v6  }
0x193: {  	s2 =	sadd.s32 s12, s15;
	[tilespmem:s10+$0x80C0] =	vst v4;
	v6 =	vld.idx.msk [tilespmem:v0+s16+$0x0 ss:$0x1], $0xffff  }
0x194: {  	v4 =	vld.idx.msk [tilespmem:v1+s2+$0x0 ss:$0x1], $0xffff  }
0x195: {  	s1 =	sadd.s32 s7, s24;
	[tilespmem:s6+$0x80B0] =	vst v7  }
0x196: {  	s17 =	sadd.s32 s4, s15;
	[tilespmem:s9+$0x80C0] =	vst v5;
	v7 =	vld.idx.msk [tilespmem:v0+s1+$0x0 ss:$0x1], $0xffff  }
0x197: {  	v5 =	vld.idx.msk [tilespmem:v1+s17+$0x0 ss:$0x1], $0xffff;
	s18 =	rddreg [dreg:$0xa]  }
0x198: {  	s21 =	simm.s32 $0x400;
	s22 =	sadd.s32 s8, s15;
	s20 =	sadd.s32 s18, s3;
	[tilespmem:s0+$0x80C0] =	vst v6  }
0x199: {  	s19 =	simm.s32 $0x200;
	s17 =	sand.u32 $0x3800, s21;
	s1 =	sadd.s32 s12, s20;
	[tilespmem:s10+$0x80D0] =	vst v4;
	v6 =	vld.idx.msk [tilespmem:v1+s22+$0x0 ss:$0x1], $0xffff  }
0x19a: {  	s18 =	sand.u32 $0x200, s19;
	v4 =	vld.idx.msk [tilespmem:v3+s1+$0x0 ss:$0x1], $0xffff;
	[smem:$0x7D6] =	sst s17  }
0x19b: {  	s21 =	sor.u32 $0x4000, s17;
	s2 =	sor.u32 $0x180, s18;
	[tilespmem:s6+$0x80C0] =	vst v7  }
0x19c: {  	s23 =	sadd.s32 s7, s15;
	s5 =	sor.u32 s2, s21;
	[tilespmem:s9+$0x80D0] =	vst v5  }
0x19d: {  	s24 =	sadd.s32 s4, s20;
	s14 =	sadd.s32 $0x80, s5;
	v7 =	vld.idx.msk [tilespmem:v1+s23+$0x0 ss:$0x1], $0xffff;
	s16 =	rddreg [dreg:$0xb]  }
0x19e: {  	s25 =	sadd.s32 s8, s20;
	s19 =	sor.u32 s29, s14;
	v5 =	vld.idx.msk [tilespmem:v3+s24+$0x0 ss:$0x1], $0xffff;
	s13 =	sadd.s32 s16, s3  }
0x19f: {  	s1 =	sor.u32 s18, s21;
	s24 =	sor.u32 $0x80, s18;
	s23 =	sadd.s32 s12, s13;
	[tilespmem:s10+$0x80E0] =	vst v4;
	v4 =	vld [tilespmem:s19+$0x0]  }
0x1a0: {  	s15 =	sor.u32 $0x80, s1;
	s3 =	sor.u32 $0x100, s18;
	[tilespmem:s0+$0x80D0] =	vst v6;
	s19 =	sor.u32 s24, s21;
	v6 =	vld.idx.msk [tilespmem:v2+s23+$0x0 ss:$0x1], $0xffff  }
0x1a1: {  	s16 =	sor.u32 s3, s21;
	v8 =	vld.idx.msk [tilespmem:v3+s25+$0x0 ss:$0x1], $0xffff;
	s25 =	sor.u32 s29, s15;
	s22 =	sadd.s32 $0x80, s19  }
0x1a2: {  	s21 =	sor.u32 $0x80, s16;
	v9 =	vld [tilespmem:s25+$0x0];
	s23 =	sor.u32 s29, s22  }
0x1a3: {  	s11 =	sor.u32 $0x4480, s11;
	s25 =	sor.u32 s29, s21;
	[tilespmem:s6+$0x80D0] =	vst v7;
	v7 =	vld [tilespmem:s23+$0x0]  }
0x1a4: {  	s12 =	sadd.s32 s12, s11;
	v10 =	vld [tilespmem:s25+$0x0];
	s23 =	sor.u32 s30, s14;
	[tilespmem:s5+$0x8080] =	vst v4  }
0x1a5: {  	p4 =	por $0x0, $0x0;
	s25 =	simm.s32 $0x1;
	[tilespmem:s10+$0x80F0] =	vst v6;
	s10 =	sor.u32 s29, s12;
	v4 =	vld [tilespmem:s23+$0x0]  }
0x1a6: {  	s20 =	sadd.s32 s7, s20;
	[tilespmem:s9+$0x80E0] =	vst v5;
	s25 =	simm.s32 @!p4 $0x0;
	v5 =	vld [tilespmem:s10+$0x0]  }
0x1a7: {  	s25 =	sshll.u32 s25, $0x9;
	v6 =	vld.idx.msk [tilespmem:v3+s20+$0x0 ss:$0x1], $0xffff;
	s20 =	sor.u32 s30, s15;
	[tilespmem:s1+$0x8080] =	vst v9  }
0x1a8: {  	s23 =	sor.u32 s30, s22;
	s10 =	sadd.s32 $0x0, s25;
	v9 =	vld [tilespmem:s20+$0x0];
	[tilespmem:s19+$0x8080] =	vst v7  }
0x1a9: {  	s25 =	sor.u32 s30, s21;
	[tilespmem:s16+$0x8080] =	vst v10;
	s20 =	sadd.s32 $0x180, s10;
	v7 =	vld [tilespmem:s23+$0x0]  }
0x1aa: {  	v10 =	vld [tilespmem:s25+$0x0];
	s20 =	sor.u32 $0x4400, s20;
	s23 =	sor.u32 s28, s14;
	[tilespmem:s5+$0x8090] =	vst v4  }
0x1ab: {  	s25 =	sor.u32 s30, s12;
	[tilespmem:s20+$0x8080] =	vst v5;
	v4 =	vld [tilespmem:s23+$0x0]  }
0x1ac: {  	[tilespmem:s0+$0x80E0] =	vst v8;
	s23 =	sadd.s32 s4, s13;
	v5 =	vld [tilespmem:s25+$0x0]  }
0x1ad: {  	[tilespmem:s1+$0x8090] =	vst v9;
	s25 =	sor.u32 s28, s15;
	v8 =	vld.idx.msk [tilespmem:v2+s23+$0x0 ss:$0x1], $0xffff  }
0x1ae: {  	s23 =	sor.u32 s28, s22;
	v9 =	vld [tilespmem:s25+$0x0];
	[tilespmem:s19+$0x8090] =	vst v7  }
0x1af: {  	[tilespmem:s16+$0x8090] =	vst v10;
	s25 =	sor.u32 s28, s21;
	v7 =	vld [tilespmem:s23+$0x0]  }
0x1b0: {  	[tilespmem:s6+$0x80E0] =	vst v6;
	v10 =	vld [tilespmem:s25+$0x0]  }
0x1b1: {  	s14 =	sor.u32 s26, s14;
	[tilespmem:s5+$0x80A0] =	vst v4  }
0x1b2: {  	s23 =	sor.u32 s28, s12;
	[tilespmem:s20+$0x8090] =	vst v5;
	v4 =	vld [tilespmem:s14+$0x0]  }
0x1b3: {  	s15 =	sor.u32 s26, s15;
	v5 =	vld [tilespmem:s23+$0x0];
	[tilespmem:s1+$0x80A0] =	vst v9  }
0x1b4: {  	s22 =	sor.u32 s26, s22;
	v9 =	vld [tilespmem:s15+$0x0];
	[tilespmem:s19+$0x80A0] =	vst v7  }
0x1b5: {  	s21 =	sor.u32 s26, s21;
	[tilespmem:s16+$0x80A0] =	vst v10;
	v7 =	vld [tilespmem:s22+$0x0]  }
0x1b6: {  	[tilespmem:s9+$0x80F0] =	vst v8;
	s15 =	sor.u32 $0x4080, s17;
	v10 =	vld [tilespmem:s21+$0x0]  }
0x1b7: {  	s25 =	sadd.s32 s8, s13;
	s22 =	sadd.s32 s31, s15;
	[tilespmem:s5+$0x80B0] =	vst v4  }
0x1b8: {  	v6 =	vld.idx.msk [tilespmem:v2+s25+$0x0 ss:$0x1], $0xffff;
	s14 =	sor.u32 s4, s11;
	s23 =	sadd.s32 s2, s22;
	[tilespmem:s20+$0x80A0] =	vst v5  }
0x1b9: {  	s25 =	sor.u32 s29, s14;
	v4 =	vld.idx.msk [tilespmem:v0+s23+$0x0 ss:$0x1], $0xffff;
	[tilespmem:s1+$0x80B0] =	vst v9  }
0x1ba: {  	s17 =	sor.u32 s26, s12;
	v5 =	vld [tilespmem:s25+$0x0];
	[tilespmem:s19+$0x80B0] =	vst v7  }
0x1bb: {  	s21 =	sadd.s32 s7, s13;
	v8 =	vld [tilespmem:s17+$0x0];
	[tilespmem:s16+$0x80B0] =	vst v10  }
0x1bc: {  	s23 =	sadd.s32 s18, s22;
	v9 =	vld.idx.msk [tilespmem:v2+s21+$0x0 ss:$0x1], $0xffff;
	s17 =	rddreg [dreg:$0x9]  }
0x1bd: {  	s25 =	sadd.s32 s24, s22;
	v7 =	vld.idx.msk [tilespmem:v0+s23+$0x0 ss:$0x1], $0xffff;
	[tilespmem:s0+$0x80F0] =	vst v6;
	s13 =	sadd.s32 s17, s15  }
0x1be: {  	s9 =	sor.u32 $0x4400, s10;
	v10 =	vld.idx.msk [tilespmem:v0+s25+$0x0 ss:$0x1], $0xffff;
	[tilespmem:s5+$0x80C0] =	vst v4;
	s4 =	sadd.s32 s2, s13  }
0x1bf: {  	s21 =	sor.u32 s30, s14;
	[tilespmem:s9+$0x8080] =	vst v5;
	v4 =	vld.idx.msk [tilespmem:v1+s4+$0x0 ss:$0x1], $0xffff  }
0x1c0: {  	s23 =	sadd.s32 s3, s22;
	s17 =	sadd.s32 s8, s11;
	[tilespmem:s20+$0x80B0] =	vst v8;
	v5 =	vld [tilespmem:s21+$0x0]  }
0x1c1: {  	s22 =	sor.u32 s7, s11;
	s25 =	sor.u32 s29, s17;
	v8 =	vld.idx.msk [tilespmem:v0+s23+$0x0 ss:$0x1], $0xffff;
	[tilespmem:s6+$0x80F0] =	vst v9  }
0x1c2: {  	s8 =	sor.u32 s29, s22;
	v6 =	vld [tilespmem:s25+$0x0];
	[tilespmem:s1+$0x80C0] =	vst v7  }
0x1c3: {  	s11 =	sadd.s32 s18, s13;
	v9 =	vld [tilespmem:s8+$0x0];
	s12 =	rddreg [dreg:$0xa];
	[tilespmem:s19+$0x80C0] =	vst v10  }
0x1c4: {  	s23 =	sadd.s32 s24, s13;
	v7 =	vld.idx.msk [tilespmem:v1+s11+$0x0 ss:$0x1], $0xffff;
	s7 =	sadd.s32 s12, s15;
	[tilespmem:s5+$0x80D0] =	vst v4  }
0x1c5: {  	v10 =	vld.idx.msk [tilespmem:v1+s23+$0x0 ss:$0x1], $0xffff;
	s0 =	sadd.s32 s2, s7;
	[tilespmem:s9+$0x8090] =	vst v5  }
0x1c6: {  	s20 =	sor.u32 s28, s14;
	s21 =	sadd.s32 $0x80, s10;
	[tilespmem:s16+$0x80C0] =	vst v8;
	v4 =	vld.idx.msk [tilespmem:v3+s0+$0x0 ss:$0x1], $0xffff  }
0x1c7: {  	s25 =	sadd.s32 $0x100, s10;
	s31 =	sor.u32 $0x4400, s21;
	v5 =	vld [tilespmem:s20+$0x0];
	[smem:$0x7D8] =	sst s17  }
0x1c8: {  	s23 =	sor.u32 $0x4400, s25;
	[tilespmem:s31+$0x8080] =	vst v6  }
0x1c9: {  	s4 =	smov.u32 s3;
	s3 =	sadd.s32 s3, s13;
	[tilespmem:s23+$0x8080] =	vst v9  }
0x1ca: {  	s10 =	sor.u32 s30, s17;
	v8 =	vld.idx.msk [tilespmem:v1+s3+$0x0 ss:$0x1], $0xffff;
	s12 =	rddreg [dreg:$0xb];
	[tilespmem:s1+$0x80D0] =	vst v7  }
0x1cb: {  	s21 =	simm.s32 $0x800;
	s11 =	sor.u32 s30, s22;
	v6 =	vld [tilespmem:s10+$0x0];
	s0 =	sadd.s32 s12, s15;
	[tilespmem:s5+$0x80E0] =	vst v4  }
0x1cc: {  	v9 =	vld [tilespmem:s11+$0x0];
	s15 =	sor.u32 s26, s14;
	s14 =	sand.u32 $0x3800, s21;
	s13 =	sadd.s32 s2, s0;
	[tilespmem:s9+$0x80A0] =	vst v5  }
0x1cd: {  	v4 =	vld.idx.msk [tilespmem:v2+s13+$0x0 ss:$0x1], $0xffff;
	s13 =	simm.s32 $0x800;
	[smem:$0x7D7] =	sst s14  }
0x1ce: {  	[dreg:$0x16] =	wrdreg s13  }
0x1cf: {  	v5 =	vld [tilespmem:s15+$0x0];
	[tilespmem:s19+$0x80D0] =	vst v10  }
0x1d0: {  	[tilespmem:s16+$0x80D0] =	vst v8  }
0x1d1: {  	s8 =	sor.u32 s28, s17;
	s20 =	simm.s32 $0x400;
	[tilespmem:s31+$0x8090] =	vst v6  }
0x1d2: {  	s25 =	sadd.s32 s18, s7;
	s17 =	sand.u32 $0x200, s20;
	s20 =	sor.u32 $0x4000, s14;
	[tilespmem:s23+$0x8090] =	vst v9  }
0x1d3: {  	s21 =	sor.u32 $0x180, s17;
	s3 =	sor.u32 s17, s20;
	s15 =	sadd.s32 s24, s7;
	v7 =	vld.idx.msk [tilespmem:v3+s25+$0x0 ss:$0x1], $0xffff;
	[tilespmem:s5+$0x80F0] =	vst v4  }
0x1d4: {  	s14 =	sor.u32 $0x80, s17;
	s7 =	sadd.s32 s4, s7;
	s25 =	sor.u32 s21, s20;
	v10 =	vld.idx.msk [tilespmem:v3+s15+$0x0 ss:$0x1], $0xffff;
	[tilespmem:s9+$0x80B0] =	vst v5  }
0x1d5: {  	s13 =	sor.u32 $0x100, s17;
	v8 =	vld.idx.msk [tilespmem:v3+s7+$0x0 ss:$0x1], $0xffff;
	s6 =	sadd.s32 $0x80, s25;
	s11 =	sld [smem:$0x7D6]  }
0x1d6: {  	s12 =	sor.u32 s14, s20;
	v6 =	vld [tilespmem:s8+$0x0];
	s7 =	sor.u32 $0x80, s3;
	s8 =	sor.u32 s29, s6  }
0x1d7: {  	s20 =	sor.u32 s13, s20;
	s10 =	sor.u32 s29, s7;
	v4 =	vld [tilespmem:s8+$0x0];
	s8 =	sadd.s32 $0x80, s12  }
0x1d8: {  	s15 =	sor.u32 s29, s8;
	v5 =	vld [tilespmem:s10+$0x0];
	s10 =	sor.u32 $0x80, s20;
	s5 =	sor.u32 $0x4480, s11  }
0x1d9: {  	v9 =	vld [tilespmem:s15+$0x0];
	[tilespmem:s1+$0x80E0] =	vst v7;
	s11 =	sor.u32 s29, s10;
	s9 =	sadd.s32 s2, s5  }
0x1da: {  	p4 =	por !p4, !p4;
	[tilespmem:s19+$0x80E0] =	vst v10;
	v7 =	vld [tilespmem:s11+$0x0];
	s11 =	simm.s32 $0x1;
	s15 =	sor.u32 s29, s9  }
0x1db: {  	[tilespmem:s16+$0x80E0] =	vst v8;
	s11 =	simm.s32 @!p4 $0x0;
	v10 =	vld [tilespmem:s15+$0x0];
	s15 =	sor.u32 s28, s22  }
0x1dc: {  	[tilespmem:s25+$0x8080] =	vst v4;
	s2 =	sshll.u32 s11, $0x9;
	v8 =	vld [tilespmem:s15+$0x0];
	s15 =	sor.u32 s30, s6  }
0x1dd: {  	[tilespmem:s3+$0x8080] =	vst v5;
	s2 =	sadd.s32 $0x400, s2;
	v4 =	vld [tilespmem:s15+$0x0];
	s15 =	sor.u32 s30, s7  }
0x1de: {  	[tilespmem:s12+$0x8080] =	vst v9;
	s11 =	sor.u32 s30, s8;
	v5 =	vld [tilespmem:s15+$0x0];
	s15 =	sadd.s32 $0x180, s2  }
0x1df: {  	v9 =	vld [tilespmem:s11+$0x0];
	[tilespmem:s20+$0x8080] =	vst v7;
	s11 =	sor.u32 $0x4400, s15;
	s15 =	sor.u32 s30, s10  }
0x1e0: {  	v7 =	vld [tilespmem:s15+$0x0];
	[tilespmem:s11+$0x8080] =	vst v10;
	s15 =	sor.u32 s30, s9  }
0x1e1: {  	[tilespmem:s31+$0x80A0] =	vst v6;
	v10 =	vld [tilespmem:s15+$0x0];
	s15 =	sadd.s32 s18, s0  }
0x1e2: {  	v6 =	vld.idx.msk [tilespmem:v2+s15+$0x0 ss:$0x1], $0xffff;
	[tilespmem:s25+$0x8090] =	vst v4;
	s15 =	sor.u32 s28, s6  }
0x1e3: {  	v4 =	vld [tilespmem:s15+$0x0];
	[tilespmem:s3+$0x8090] =	vst v5;
	s15 =	sor.u32 s28, s7  }
0x1e4: {  	[tilespmem:s12+$0x8090] =	vst v9;
	v5 =	vld [tilespmem:s15+$0x0];
	s15 =	sor.u32 s28, s8  }
0x1e5: {  	v9 =	vld [tilespmem:s15+$0x0];
	[tilespmem:s20+$0x8090] =	vst v7;
	s15 =	sor.u32 s28, s10  }
0x1e6: {  	v7 =	vld [tilespmem:s15+$0x0];
	[tilespmem:s11+$0x8090] =	vst v10;
	s15 =	sor.u32 s28, s9  }
0x1e7: {  	v10 =	vld [tilespmem:s15+$0x0];
	[dreg:$0x15] =	wrdreg s23  }
0x1e8: {  	[tilespmem:s23+$0x80A0] =	vst v8  }
0x1e9: {  	[tilespmem:s25+$0x80A0] =	vst v4  }
0x1ea: {  	s6 =	sor.u32 s26, s6;
	[tilespmem:s3+$0x80A0] =	vst v5  }
0x1eb: {  	s23 =	sadd.s32 s24, s0;
	v4 =	vld [tilespmem:s6+$0x0];
	[tilespmem:s12+$0x80A0] =	vst v9  }
0x1ec: {  	v8 =	vld.idx.msk [tilespmem:v2+s23+$0x0 ss:$0x1], $0xffff;
	s23 =	sor.u32 s26, s7;
	[tilespmem:s20+$0x80A0] =	vst v7  }
0x1ed: {  	s7 =	sor.u32 s26, s8;
	v5 =	vld [tilespmem:s23+$0x0];
	s23 =	sld [smem:$0x7D7]  }
0x1ee: {  	s8 =	sor.u32 s26, s10;
	v9 =	vld [tilespmem:s7+$0x0];
	[tilespmem:s11+$0x80A0] =	vst v10  }
0x1ef: {  	s9 =	sor.u32 s26, s9;
	s0 =	sadd.s32 s4, s0;
	s10 =	smov.u32 s20;
	v7 =	vld [tilespmem:s8+$0x0];
	[tilespmem:s1+$0x80F0] =	vst v6  }
0x1f0: {  	s7 =	sadd.s32 s24, s5;
	s1 =	rddreg [dreg:$0x8];
	v6 =	vld [tilespmem:s9+$0x0];
	[tilespmem:s25+$0x80B0] =	vst v4;
	s20 =	sor.u32 $0x4080, s23  }
0x1f1: {  	v4 =	vld.idx.msk [tilespmem:v2+s0+$0x0 ss:$0x1], $0xffff;
	s0 =	sor.u32 s18, s5;
	s18 =	sor.u32 s29, s7;
	[tilespmem:s19+$0x80F0] =	vst v8;
	s15 =	sadd.s32 s1, s20  }
0x1f2: {  	v8 =	vld [tilespmem:s18+$0x0];
	s1 =	sadd.s32 s21, s15  }
0x1f3: {  	[tilespmem:s3+$0x80B0] =	vst v5;
	s8 =	sadd.s32 s17, s15;
	v5 =	vld.idx.msk [tilespmem:v0+s1+$0x0 ss:$0x1], $0xffff  }
0x1f4: {  	[tilespmem:s12+$0x80B0] =	vst v9;
	s9 =	sadd.s32 s14, s15;
	v10 =	vld.idx.msk [tilespmem:v0+s8+$0x0 ss:$0x1], $0xffff  }
0x1f5: {  	[tilespmem:s10+$0x80B0] =	vst v7;
	s1 =	sadd.s32 s13, s15;
	v9 =	vld.idx.msk [tilespmem:v0+s9+$0x0 ss:$0x1], $0xffff;
	s15 =	sor.u32 s29, s0  }
0x1f6: {  	[tilespmem:s11+$0x80B0] =	vst v6;
	v6 =	vld [tilespmem:s15+$0x0];
	s15 =	sadd.s32 $0x80, s2  }
0x1f7: {  	s8 =	sor.u32 s4, s5;
	v7 =	vld.idx.msk [tilespmem:v0+s1+$0x0 ss:$0x1], $0xffff;
	s24 =	rddreg [dreg:$0x9];
	[tilespmem:s16+$0x80F0] =	vst v4;
	s15 =	sor.u32 $0x4400, s15  }
0x1f8: {  	s5 =	sor.u32 s29, s8;
	s29 =	sadd.s32 s24, s20;
	[tilespmem:s15+$0x8080] =	vst v8  }
0x1f9: {  	s11 =	smov.u32 s3;
	v4 =	vld [tilespmem:s5+$0x0];
	s4 =	sadd.s32 s21, s29;
	[tilespmem:s25+$0x80C0] =	vst v5  }
0x1fa: {  	s3 =	sadd.s32 s17, s29;
	[tilespmem:s11+$0x80C0] =	vst v10;
	v10 =	vld.idx.msk [tilespmem:v1+s4+$0x0 ss:$0x1], $0xffff  }
0x1fb: {  	s6 =	sor.u32 s26, s22;
	s9 =	sadd.s32 s14, s29;
	[tilespmem:s12+$0x80C0] =	vst v9;
	v11 =	vld.idx.msk [tilespmem:v1+s3+$0x0 ss:$0x1], $0xffff  }
0x1fc: {  	s16 =	sor.u32 $0x4400, s2;
	s2 =	sadd.s32 $0x100, s2;
	s18 =	sadd.s32 s13, s29;
	v12 =	vld.idx.msk [tilespmem:v1+s9+$0x0 ss:$0x1], $0xffff;
	[tilespmem:s10+$0x80C0] =	vst v7  }
0x1fd: {  	s19 =	smov.u32 s14;
	s29 =	sor.u32 s30, s7;
	[tilespmem:s16+$0x8080] =	vst v6;
	v7 =	vld.idx.msk [tilespmem:v1+s18+$0x0 ss:$0x1], $0xffff;
	s18 =	sor.u32 $0x4400, s2  }
0x1fe: {  	s22 =	sor.u32 s28, s0;
	s24 =	sor.u32 s30, s0;
	v5 =	vld [tilespmem:s29+$0x0];
	s9 =	rddreg [dreg:$0xa];
	[tilespmem:s18+$0x8080] =	vst v4  }
0x1ff: {  	s3 =	sor.u32 s30, s8;
	v13 =	vld [tilespmem:s24+$0x0];
	s9 =	sadd.s32 s9, s20;
	s24 =	sld [smem:$0x7D8];
	[tilespmem:s25+$0x80D0] =	vst v10  }
0x200: {  	s1 =	simm.s32 $0x8;
	s0 =	sor.u32 s26, s0;
	s29 =	sadd.s32 s21, s9;
	v4 =	vld [tilespmem:s3+$0x0];
	[tilespmem:s11+$0x80D0] =	vst v11  }
0x201: {  	s5 =	sor.u32 s28, s7;
	s3 =	sadd.s32 s17, s9;
	v9 =	vld.idx.msk [tilespmem:v3+s29+$0x0 ss:$0x1], $0xffff;
	[dreg:$0x1c] =	wrdreg s0  }
0x202: {  	s30 =	sor.u32 s26, s8;
	s4 =	sor.u32 s26, s24;
	s24 =	sadd.s32 s14, s9;
	v8 =	vld.idx.msk [tilespmem:v3+s3+$0x0 ss:$0x1], $0xffff;
	[tilespmem:s12+$0x80D0] =	vst v12  }
0x203: {  	s2 =	smov.u32 s23;
	s23 =	simm.s32 $0xC00;
	s29 =	sadd.s32 s13, s9;
	[tilespmem:s10+$0x80D0] =	vst v7;
	v6 =	vld.idx.msk [tilespmem:v3+s24+$0x0 ss:$0x1], $0xffff  }
0x204: {  	s14 =	sor.u32 s26, s7;
	s0 =	simm.s32 $0x600;
	[tilespmem:s16+$0x8090] =	vst v13;
	s24 =	sor.u32 s28, s8;
	v7 =	vld.idx.msk [tilespmem:v3+s29+$0x0 ss:$0x1], $0xffff  }
.LBB2_4:
0x205: {  	[smem:$0x7CC] =	sst s11  }
0x206: {  	[smem:$0x7CE] =	sst s12  }
0x207: {  	[smem:$0x7CA] =	sst s14  }
0x208: {  	[smem:$0x7D0] =	sst s10  }
0x209: {  	[smem:$0x7CB] =	sst s30  }
0x20a: {  	[smem:$0x7D3] =	sst s0  }
0x20b: {  	s14 =	rddreg [dreg:$0xb]  }
0x20c: {  	s3 =	sand.u32 $0x3800, s23;
	[smem:$0x7C8] =	sst s18  }
0x20d: {  	s1 =	sadd.s32 $0x4, s1;
	[smem:$0x7C3] =	sst s3  }
0x20e: {  	s30 =	sand.u32 $0x200, s0;
	[dreg:$0x1d] =	wrdreg s1  }
0x20f: {  	s8 =	sadd.s32 s14, s20;
	s20 =	sor.u32 $0x180, s30;
	p5 =	slt.u32 s1, $0x3C  }
0x210: {  	s1 =	smov.u32 s13;
	s13 =	smov.u32 s17;
	s17 =	rddreg [dreg:$0x6]  }
0x211: {  	[tilespmem:s15+$0x8090] =	vst v5;
	p4 =	por !p4, !p4;
	s26 =	sor.u32 $0x80, s30;
	[smem:$0x7C4] =	sst s20  }
0x212: {  	s9 =	sor.u32 $0x4000, s3;
	s28 =	sor.u32 $0x100, s30;
	[smem:$0x7C5] =	sst s26;
	[tilespmem:s18+$0x8090] =	vst v4  }
0x213: {  	v10 =	vld [tilespmem:s22+$0x0];
	s14 =	smov.u32 s19;
	s22 =	sadd.s32 s21, s8;
	[smem:$0x7C6] =	sst s28;
	[tilespmem:s25+$0x80E0] =	vst v9  }
0x214: {  	v5 =	vld [tilespmem:s5+$0x0];
	s29 =	sor.u32 s30, s9;
	s26 =	sor.u32 s26, s9;
	s28 =	sor.u32 s28, s9;
	[tilespmem:s11+$0x80E0] =	vst v8  }
0x215: {  	v4 =	vld [tilespmem:s24+$0x0];
	s24 =	sor.u32 s20, s9;
	[tilespmem:s10+$0x80E0] =	vst v7;
	s9 =	sadd.s32 $0x80, s26;
	s10 =	sor.u32 $0x80, s28  }
0x216: {  	[tilespmem:s12+$0x80E0] =	vst v6;
	s20 =	smov.u32 s15;
	s12 =	smov.u32 s18;
	s18 =	sor.u32 $0x4480, s2;
	v8 =	vld.idx.msk [tilespmem:v2+s22+$0x0 ss:$0x1], $0xffff  }
0x217: {  	s19 =	sadd.s32 $0x80, s24;
	v6 =	vld [tilespmem:s4+$0x0];
	s4 =	sor.u32 $0x80, s29;
	s7 =	sor.u32 s17, s9  }
0x218: {  	v7 =	vld [tilespmem:s6+$0x0];
	[tilespmem:s16+$0x80A0] =	vst v10;
	s11 =	sor.u32 s17, s10;
	s6 =	sadd.s32 s21, s18;
	s0 =	sor.u32 s17, s19  }
0x219: {  	s3 =	sor.u32 s17, s4;
	[tilespmem:s20+$0x80A0] =	vst v5;
	s2 =	sor.u32 s17, s6;
	v9 =	vld [tilespmem:s0+$0x0];
	s0 =	rddreg [dreg:$0x7]  }
0x21a: {  	v10 =	vld [tilespmem:s3+$0x0];
	s22 =	sor.u32 s0, s4;
	s5 =	sor.u32 s0, s9;
	[tilespmem:s12+$0x80A0] =	vst v4;
	s12 =	rddreg [dreg:$0x1c]  }
0x21b: {  	s21 =	sor.u32 s0, s10;
	v4 =	vld [tilespmem:s11+$0x0];
	[tilespmem:s25+$0x80F0] =	vst v8;
	s11 =	rddreg [dreg:$0x5];
	s25 =	simm.s32 $0x1  }
0x21c: {  	v5 =	vld [tilespmem:s7+$0x0];
	[tilespmem:s31+$0x80B0] =	vst v6;
	s31 =	rddreg [dreg:$0x4];
	s3 =	sor.u32 s11, s4;
	s7 =	sor.u32 s11, s9  }
0x21d: {  	s25 =	simm.s32 @!p4 $0x0;
	v8 =	vld [tilespmem:s2+$0x0];
	s15 =	sor.u32 s11, s10;
	s2 =	smov.u32 s16  }
0x21e: {  	v6 =	vld [tilespmem:s12+$0x0];
	s4 =	sor.u32 s31, s4;
	s12 =	sor.u32 s31, s9;
	s9 =	rddreg [dreg:$0x16]  }
0x21f: {  	s16 =	sor.u32 s0, s19;
	[tilespmem:s24+$0x8080] =	vst v9;
	s25 =	sshll.u32 s25, $0x9;
	[smem:$0x7C7] =	sst s4  }
0x220: {  	[tilespmem:s29+$0x8080] =	vst v10;
	[smem:$0x7C9] =	sst s12;
	s12 =	sor.u32 s31, s10;
	s4 =	sadd.s32 s14, s8;
	v9 =	vld [tilespmem:s16+$0x0]  }
0x221: {  	[tilespmem:s26+$0x8080] =	vst v5;
	s14 =	sadd.s32 s14, s18;
	s16 =	sadd.s32 s25, s9;
	v10 =	vld [tilespmem:s22+$0x0];
	s22 =	sadd.s32 s13, s8  }
0x222: {  	v5 =	vld [tilespmem:s5+$0x0];
	s8 =	sadd.s32 s1, s8;
	s5 =	sor.u32 s0, s6;
	s25 =	sor.u32 s17, s14;
	[tilespmem:s28+$0x8080] =	vst v4  }
0x223: {  	s10 =	sadd.s32 $0x180, s16;
	[smem:$0x7CF] =	sst s25;
	v4 =	vld [tilespmem:s21+$0x0];
	s21 =	sor.u32 s13, s18  }
0x224: {  	s9 =	sor.u32 $0x4400, s10;
	s10 =	sadd.s32 $0x80, s16;
	s13 =	sor.u32 s17, s21  }
0x225: {  	[tilespmem:s2+$0x80B0] =	vst v6;
	s25 =	sor.u32 s0, s21;
	[smem:$0x7CD] =	sst s13;
	s13 =	sor.u32 s1, s18  }
0x226: {  	[tilespmem:s9+$0x8080] =	vst v8;
	v6 =	vld.idx.msk [tilespmem:v2+s22+$0x0 ss:$0x1], $0xffff;
	s18 =	sor.u32 $0x4400, s10;
	[smem:$0x7D2] =	sst s25;
	s10 =	sor.u32 s31, s21  }
0x227: {  	s2 =	sor.u32 s11, s19;
	s22 =	sadd.s32 $0x100, s16;
	v8 =	vld [tilespmem:s5+$0x0];
	[tilespmem:s24+$0x8090] =	vst v9;
	[dreg:$0x1c] =	wrdreg s10  }
0x228: {  	s1 =	sor.u32 s17, s13;
	v9 =	vld [tilespmem:s2+$0x0];
	s2 =	sor.u32 $0x4400, s16;
	s17 =	rddreg [dreg:$0x15]  }
0x229: {  	[tilespmem:s29+$0x8090] =	vst v10;
	s16 =	sor.u32 $0x4400, s22;
	s22 =	sor.u32 s11, s21;
	s21 =	sld [smem:$0x7C3]  }
0x22a: {  	v10 =	vld [tilespmem:s3+$0x0];
	s3 =	sor.u32 s0, s14;
	[smem:$0x7D1] =	sst s1  }
0x22b: {  	s0 =	sor.u32 s0, s13;
	[smem:$0x7D4] =	sst s3  }
0x22c: {  	s5 =	sor.u32 s11, s14;
	[tilespmem:s26+$0x8090] =	vst v5;
	[smem:$0x7D5] =	sst s0  }
0x22d: {  	v5 =	vld [tilespmem:s7+$0x0];
	s10 =	sor.u32 s31, s13;
	s1 =	sor.u32 s31, s14;
	s14 =	sld [smem:$0x7C6];
	[tilespmem:s28+$0x8090] =	vst v4  }
0x22e: {  	v4 =	vld [tilespmem:s15+$0x0];
	s15 =	sor.u32 s11, s13;
	[tilespmem:s9+$0x8090] =	vst v8;
	s11 =	sor.u32 s11, s6;
	s13 =	sld [smem:$0x7C5]  }
0x22f: {  	s25 =	sor.u32 s31, s19;
	v8 =	vld [tilespmem:s11+$0x0];
	s11 =	sld [smem:$0x7C4];
	[tilespmem:s24+$0x80A0] =	vst v9  }
0x230: {  	v9 =	vld [tilespmem:s25+$0x0];
	s25 =	smov.u32 s24;
	s24 =	smov.u32 s15;
	s15 =	sld [smem:$0x7C7]  }
0x231: {  	[tilespmem:s17+$0x80B0] =	vst v7;
	v7 =	vld.idx.msk [tilespmem:v2+s4+$0x0 ss:$0x1], $0xffff;
	s4 =	sld [smem:$0x7C9]  }
0x232: {  	s7 =	smov.u32 s21;
	[tilespmem:s29+$0x80A0] =	vst v10;
	s21 =	smov.u32 s11;
	s11 =	sld [smem:$0x7CA]  }
0x233: {  	s0 =	smov.u32 s20;
	v10 =	vld [tilespmem:s15+$0x0];
	s15 =	smov.u32 s18;
	s18 =	sld [smem:$0x7C8]  }
0x234: {  	s3 =	rddreg [dreg:$0x8];
	[tilespmem:s26+$0x80A0] =	vst v5;
	s19 =	smov.u32 s13;
	s13 =	smov.u32 s14  }
0x235: {  	v5 =	vld [tilespmem:s4+$0x0];
	s14 =	smov.u32 s1;
	[tilespmem:s28+$0x80A0] =	vst v4;
	s4 =	smov.u32 s11;
	s11 =	sld [smem:$0x7CC]  }
0x236: {  	s1 =	sor.u32 s31, s6;
	v4 =	vld [tilespmem:s12+$0x0];
	s12 =	sld [smem:$0x7CB];
	s20 =	smov.u32 s18  }
0x237: {  	[tilespmem:s9+$0x80A0] =	vst v8;
	s18 =	smov.u32 s16;
	[dreg:$0x15] =	wrdreg s20;
	s20 =	sor.u32 $0x4080, s7  }
0x238: {  	v8 =	vld.idx.msk [tilespmem:v2+s8+$0x0 ss:$0x1], $0xffff;
	s16 =	smov.u32 s2;
	s2 =	smov.u32 s7;
	[tilespmem:s11+$0x80F0] =	vst v6;
	s7 =	sadd.s32 s3, s20  }
0x239: {  	s17 =	smov.u32 s30;
	s31 =	smov.u32 s0;
	v6 =	vld [tilespmem:s1+$0x0];
	[tilespmem:s25+$0x80B0] =	vst v9;
	s0 =	sadd.s32 s21, s7  }
0x23a: {  	s8 =	sld [smem:$0x7D0];
	[tilespmem:s26+$0x80B0] =	vst v5;
	s11 =	smov.u32 s29;
	s29 =	sadd.s32 s19, s7;
	v9 =	vld.idx.msk [tilespmem:v0+s0+$0x0 ss:$0x1], $0xffff  }
0x23b: {  	s6 =	smov.u32 s12;
	[tilespmem:s11+$0x80B0] =	vst v10;
	s12 =	sadd.s32 s17, s7;
	v5 =	vld.idx.msk [tilespmem:v0+s29+$0x0 ss:$0x1], $0xffff;
	s29 =	sld [smem:$0x7CE]  }
0x23c: {  	[tilespmem:s28+$0x80B0] =	vst v4;
	s3 =	sadd.s32 s13, s7;
	v10 =	vld.idx.msk [tilespmem:v0+s12+$0x0 ss:$0x1], $0xffff;
	s12 =	sld [smem:$0x7CD]  }
0x23d: {  	s7 =	sld [smem:$0x7CF];
	v4 =	vld.idx.msk [tilespmem:v0+s3+$0x0 ss:$0x1], $0xffff;
	[tilespmem:s8+$0x80F0] =	vst v8  }
0x23e: {  	[tilespmem:s29+$0x80F0] =	vst v7;
	s29 =	sld [smem:$0x7D1]  }
0x23f: {  	s30 =	smov.u32 s10;
	s10 =	smov.u32 s23;
	s1 =	rddreg [dreg:$0x9];
	[tilespmem:s9+$0x80B0] =	vst v6;
	v6 =	vld [tilespmem:s12+$0x0]  }
0x240: {  	[dreg:$0x16] =	wrdreg s10;
	s3 =	sadd.s32 s1, s20;
	v7 =	vld [tilespmem:s7+$0x0];
	[tilespmem:s25+$0x80C0] =	vst v9  }
0x241: {  	s10 =	smov.u32 s28;
	s28 =	sadd.s32 s21, s3;
	s12 =	smov.u32 s26;
	[tilespmem:s11+$0x80C0] =	vst v10;
	v8 =	vld [tilespmem:s29+$0x0]  }
0x242: {  	s9 =	sadd.s32 s17, s3;
	[tilespmem:s12+$0x80C0] =	vst v5;
	v9 =	vld.idx.msk [tilespmem:v1+s28+$0x0 ss:$0x1], $0xffff  }
0x243: {  	s1 =	sadd.s32 s13, s3;
	s26 =	sadd.s32 s19, s3;
	s3 =	sld [smem:$0x7D2];
	v10 =	vld.idx.msk [tilespmem:v1+s9+$0x0 ss:$0x1], $0xffff;
	[tilespmem:s10+$0x80C0] =	vst v4  }
0x244: {  	v11 =	vld.idx.msk [tilespmem:v1+s26+$0x0 ss:$0x1], $0xffff;
	s29 =	sld [smem:$0x7D4];
	[tilespmem:s16+$0x8080] =	vst v6  }
0x245: {  	s7 =	rddreg [dreg:$0xa];
	v12 =	vld.idx.msk [tilespmem:v1+s1+$0x0 ss:$0x1], $0xffff;
	[tilespmem:s15+$0x8080] =	vst v7  }
0x246: {  	s8 =	sadd.s32 s7, s20;
	v13 =	vld [tilespmem:s3+$0x0];
	[tilespmem:s18+$0x8080] =	vst v8  }
0x247: {  	s28 =	sadd.s32 s21, s8;
	v5 =	vld [tilespmem:s29+$0x0];
	[tilespmem:s25+$0x80D0] =	vst v9  }
.Ltmp1:
0x248: {  	s7 =	sadd.s32 s17, s8;
	s29 =	sld [smem:$0x7D5];
	[tilespmem:s11+$0x80D0] =	vst v10;
	v9 =	vld.idx.msk [tilespmem:v3+s28+$0x0 ss:$0x1], $0xffff;
	(pc) =	sbr.rel @p5 .LBB2_4-.Ltmp1, $4  }
0x249: {  	s0 =	sld [smem:$0x7D3];
	s26 =	sadd.s32 s19, s8;
	[tilespmem:s12+$0x80D0] =	vst v11;
	v8 =	vld.idx.msk [tilespmem:v3+s7+$0x0 ss:$0x1], $0xffff  }
0x24a: {  	v6 =	vld.idx.msk [tilespmem:v3+s26+$0x0 ss:$0x1], $0xffff  }
0x24b: {  	s1 =	sadd.s32 s13, s8;
	v4 =	vld [tilespmem:s29+$0x0];
	[tilespmem:s10+$0x80D0] =	vst v12  }
0x24c: {  	s23 =	sadd.s32 $0x400, s23;
	s0 =	sadd.s32 $0x200, s0;
	v7 =	vld.idx.msk [tilespmem:v3+s1+$0x0 ss:$0x1], $0xffff;
	s1 =	rddreg [dreg:$0x1d];
	[tilespmem:s16+$0x8090] =	vst v13  }
0x24d: {  	_ = 	snop  }
0x24e: {  	s0 =	rddreg [dreg:$0xb]  }
0x24f: {  	s1 =	sadd.s32 s0, s20  }
0x250: {  	[tilespmem:s25+$0x80E0] =	vst v9;
	s3 =	sadd.s32 s21, s1  }
0x251: {  	v9 =	vld.idx.msk [tilespmem:v2+s3+$0x0 ss:$0x1], $0xffff  }
0x252: {  	[tilespmem:s11+$0x80E0] =	vst v8;
	s7 =	sadd.s32 s17, s1  }
0x253: {  	v8 =	vld.idx.msk [tilespmem:v2+s7+$0x0 ss:$0x1], $0xffff  }
0x254: {  	[tilespmem:s12+$0x80E0] =	vst v6  }
0x255: {  	[tilespmem:s10+$0x80E0] =	vst v7  }
0x256: {  	s2 =	sor.u32 $0x4480, s2;
	s20 =	smov.u32 s0;
	s3 =	sadd.s32 s19, s1;
	[tilespmem:s25+$0x80F0] =	vst v9  }
0x257: {  	s0 =	sadd.s32 s21, s2;
	s1 =	sadd.s32 s13, s1;
	v6 =	vld.idx.msk [tilespmem:v2+s3+$0x0 ss:$0x1], $0xffff;
	s28 =	rddreg [dreg:$0x6];
	[tilespmem:s15+$0x8090] =	vst v5  }
0x258: {  	p4 =	por !p4, !p4;
	s7 =	simm.s32 $0x1;
	v7 =	vld.idx.msk [tilespmem:v2+s1+$0x0 ss:$0x1], $0xffff;
	[tilespmem:s11+$0x80F0] =	vst v8;
	s8 =	sor.u32 s28, s0  }
0x259: {  	s7 =	simm.s32 @!p4 $0x0;
	[tilespmem:s18+$0x8090] =	vst v4;
	v5 =	vld [tilespmem:s8+$0x0]  }
0x25a: {  	s9 =	sshll.u32 s7, $0x9;
	s8 =	rddreg [dreg:$0x16]  }
0x25b: {  	s1 =	sor.u32 s17, s2;
	v9 =	vld [tilespmem:s22+$0x0];
	s3 =	sadd.s32 s9, s8  }
0x25c: {  	s17 =	sor.u32 s28, s1;
	v8 =	vld [tilespmem:s5+$0x0];
	[tilespmem:s12+$0x80F0] =	vst v6;
	s21 =	sadd.s32 $0x180, s3  }
0x25d: {  	v4 =	vld [tilespmem:s17+$0x0];
	[tilespmem:s10+$0x80F0] =	vst v7;
	s8 =	sadd.s32 s19, s2;
	s5 =	sor.u32 $0x4400, s21  }
0x25e: {  	s2 =	sor.u32 s13, s2;
	s22 =	sor.u32 s28, s8;
	[tilespmem:s5+$0x8080] =	vst v5  }
0x25f: {  	s9 =	sor.u32 s28, s2;
	v6 =	vld [tilespmem:s22+$0x0];
	s29 =	rddreg [dreg:$0x7]  }
0x260: {  	v5 =	vld [tilespmem:s9+$0x0];
	s23 =	sor.u32 s29, s0  }
0x261: {  	s7 =	sor.u32 $0x4400, s3;
	[tilespmem:s16+$0x80A0] =	vst v9;
	v7 =	vld [tilespmem:s23+$0x0]  }
0x262: {  	s25 =	sadd.s32 $0x80, s3;
	[tilespmem:s7+$0x8080] =	vst v4  }
0x263: {  	s3 =	sadd.s32 $0x100, s3;
	s9 =	sor.u32 $0x4400, s25;
	[tilespmem:s15+$0x80A0] =	vst v8  }
0x264: {  	s3 =	sor.u32 $0x4400, s3;
	v9 =	vld [tilespmem:s24+$0x0];
	s26 =	sor.u32 s29, s1;
	[tilespmem:s9+$0x8080] =	vst v6  }
0x265: {  	v4 =	vld [tilespmem:s26+$0x0];
	[tilespmem:s3+$0x8080] =	vst v5  }
0x266: {  	v8 =	vld [tilespmem:s4+$0x0];
	s11 =	sor.u32 s29, s8;
	[tilespmem:s5+$0x8090] =	vst v7  }
0x267: {  	s12 =	sor.u32 s29, s2;
	v6 =	vld [tilespmem:s11+$0x0];
	s26 =	rddreg [dreg:$0x5]  }
0x268: {  	v5 =	vld [tilespmem:s12+$0x0];
	s13 =	sor.u32 s26, s0  }
0x269: {  	[tilespmem:s18+$0x80A0] =	vst v9;
	v7 =	vld [tilespmem:s13+$0x0]  }
0x26a: {  	s17 =	rddreg [dreg:$0x1c];
	[tilespmem:s7+$0x8090] =	vst v4  }
0x26b: {  	s19 =	sor.u32 s26, s1;
	[tilespmem:s31+$0x80B0] =	vst v8;
	v9 =	vld [tilespmem:s17+$0x0]  }
0x26c: {  	s21 =	sor.u32 s26, s8;
	[tilespmem:s9+$0x8090] =	vst v6;
	v4 =	vld [tilespmem:s19+$0x0]  }
0x26d: {  	v6 =	vld [tilespmem:s21+$0x0];
	[tilespmem:s3+$0x8090] =	vst v5  }
0x26e: {  	v8 =	vld [tilespmem:s6+$0x0];
	s22 =	sor.u32 s26, s2;
	[tilespmem:s5+$0x80A0] =	vst v7  }
0x26f: {  	v5 =	vld [tilespmem:s22+$0x0];
	s25 =	rddreg [dreg:$0x4]  }
0x270: {  	[tilespmem:s16+$0x80B0] =	vst v9;
	v9 =	vld [tilespmem:s14+$0x0];
	s0 =	sor.u32 s25, s0  }
0x271: {  	[tilespmem:s7+$0x80A0] =	vst v4;
	s23 =	sor.u32 s25, s1;
	v7 =	vld [tilespmem:s0+$0x0]  }
0x272: {  	s24 =	rddreg [dreg:$0x15];
	[tilespmem:s9+$0x80A0] =	vst v6;
	v4 =	vld [tilespmem:s23+$0x0]  }
0x273: {  	s1 =	sor.u32 s25, s8;
	[tilespmem:s24+$0x80B0] =	vst v8;
	v8 =	vld [tilespmem:s30+$0x0]  }
0x274: {  	s4 =	sor.u32 s25, s2;
	[tilespmem:s3+$0x80A0] =	vst v5;
	v5 =	vld [tilespmem:s1+$0x0]  }
0x275: {  	v6 =	vld [tilespmem:s4+$0x0];
	[tilespmem:s15+$0x80B0] =	vst v9  }
0x276: {  	[tilespmem:s5+$0x80B0] =	vst v7  }
0x277: {  	[tilespmem:s7+$0x80B0] =	vst v4  }
0x278: {  	[tilespmem:s18+$0x80B0] =	vst v8  }
0x279: {  	[tilespmem:s9+$0x80B0] =	vst v5  }
0x27a: {  	[tilespmem:s3+$0x80B0] =	vst v6  }
0x27b: {  	s8 =	sld [smem:$0x7F8];
	_ =	sdelay $0x1  }
0x27c: {  	s10 =	simm.s32 $0x3;
	s6 =	simm.s32 $0x0;
	s9 =	simm.s32 $0xC080  }
0x27d: {  	[hbm4b:s8+s6] =	stream.linear.scatter [tilespmem:s9], [sflag:$0x4], $0x4000, $0x38;
	[tilespmem:$0x10080] =	vst v63  }
0x27e: {  	_ =	swait.ge [sflag:s10], $0x4000  }
0x27f: {  	s11 =	sld [smem:$0x7F9]  }
0x280: {  	s12 =	sld [smem:$0x7EF];
	_ =	sdelay $0x1  }
0x281: {  	[sflag:s10] =	ssyncset.done $0x0  }
0x282: {  	s13 =	simm.s32 $0x800;
	[sflag:s10] =	ssyncadd.s32 $0xFFFFC000;
	s1 =	sadd.s32 s11, s12  }
0x283: {  	s14 =	simm.s32 $0x1800;
	s2 =	rddreg [dreg:$0x0];
	s1 =	sshrl.u32 s1, $0x3  }
0x284: {  	s15 =	simm.s32 $0x80;
	s7 =	sand.u32 $0x200, s6;
	s1 =	sadd.s32 s2, s1  }
0x285: {  	[tilespmem:s15], [sflag:$0x1] =	stream.strided.gather [hbm4b:s1+s13], $0x4000, s14, s13, $0x38;
	[tilespmem:$0x10080] =	vst v63  }
0x286: {  	s16 =	simm.s32 $0x1;
	s0 =	sor.u32 $0x180, s7;
	s1 =	sand.u32 $0x3800, s6  }
0x287: {  	_ =	swait.ge [sflag:s16], $0x4000;
	s12 =	sor.u32 s1, s0  }
0x288: {  	[sflag:s16] =	ssyncset.done $0x0;
	s17 =	sadd.s32 $0x80, s12  }
0x289: {  	[sflag:s16] =	ssyncadd.s32 $0xFFFFC000;
	s18 =	sor.u32 s28, s17  }
0x28a: {  	v4 =	vld [tilespmem:s18+$0x0];
	_ =	sdelay $0x2  }
0x28b: {  	s10 =	sor.u32 $0x80, s7  }
0x28c: {  	s9 =	sor.u32 $0x100, s7;
	s8 =	sor.u32 s1, s10  }
0x28d: {  	s4 =	sor.u32 s1, s9;
	s5 =	sadd.s32 $0x80, s8;
	s19 =	sor.u32 s29, s17;
	[tilespmem:s12+$0x8080] =	vst v4  }
0x28e: {  	s3 =	sor.u32 s7, s1;
	s11 =	sor.u32 $0x80, s4;
	s21 =	sor.u32 s28, s5;
	v4 =	vld [tilespmem:s19+$0x0]  }
0x28f: {  	s6 =	sor.u32 $0x80, s3;
	s22 =	sor.u32 s28, s11;
	v5 =	vld [tilespmem:s21+$0x0]  }
0x290: {  	s23 =	sor.u32 s28, s6;
	v6 =	vld [tilespmem:s22+$0x0]  }
0x291: {  	v7 =	vld [tilespmem:s23+$0x0];
	_ =	sdelay $0x1  }
0x292: {  	s24 =	sor.u32 s26, s17;
	[tilespmem:s12+$0x8090] =	vst v4  }
0x293: {  	s30 =	sor.u32 s29, s5;
	[tilespmem:s8+$0x8080] =	vst v5;
	v4 =	vld [tilespmem:s24+$0x0]  }
0x294: {  	s14 =	sor.u32 s29, s11;
	[tilespmem:s4+$0x8080] =	vst v6;
	v5 =	vld [tilespmem:s30+$0x0]  }
0x295: {  	s15 =	sor.u32 s29, s6;
	[tilespmem:s3+$0x8080] =	vst v7;
	v6 =	vld [tilespmem:s14+$0x0]  }
0x296: {  	v7 =	vld [tilespmem:s15+$0x0];
	_ =	sdelay $0x1  }
0x297: {  	s2 =	sor.u32 s25, s17;
	[tilespmem:s12+$0x80A0] =	vst v4  }
0x298: {  	s16 =	sor.u32 s26, s5;
	[tilespmem:s8+$0x8090] =	vst v5;
	v4 =	vld [tilespmem:s2+$0x0]  }
0x299: {  	s17 =	sor.u32 s26, s11;
	[tilespmem:s4+$0x8090] =	vst v6;
	v5 =	vld [tilespmem:s16+$0x0]  }
0x29a: {  	s18 =	sor.u32 s26, s6;
	[tilespmem:s3+$0x8090] =	vst v7;
	v6 =	vld [tilespmem:s17+$0x0]  }
0x29b: {  	s1 =	sor.u32 $0x80, s1;
	v7 =	vld [tilespmem:s18+$0x0];
	s18 =	rddreg [dreg:$0x8]  }
0x29c: {  	s19 =	sadd.s32 s18, s1  }
0x29d: {  	s21 =	sadd.s32 s0, s19;
	[tilespmem:s12+$0x80B0] =	vst v4  }
0x29e: {  	s5 =	sor.u32 s25, s5;
	[tilespmem:s8+$0x80A0] =	vst v5;
	v4 =	vld.idx.msk [tilespmem:v0+s21+$0x0 ss:$0x1], $0xffff  }
0x29f: {  	s22 =	sor.u32 s25, s11;
	[tilespmem:s4+$0x80A0] =	vst v6;
	v5 =	vld [tilespmem:s5+$0x0]  }
0x2a0: {  	s6 =	sor.u32 s25, s6;
	[tilespmem:s3+$0x80A0] =	vst v7;
	v6 =	vld [tilespmem:s22+$0x0]  }
0x2a1: {  	v7 =	vld [tilespmem:s6+$0x0];
	s23 =	rddreg [dreg:$0x9]  }
0x2a2: {  	s5 =	sadd.s32 s23, s1  }
0x2a3: {  	s24 =	sadd.s32 s0, s5;
	[tilespmem:s12+$0x80C0] =	vst v4  }
0x2a4: {  	s30 =	sadd.s32 s10, s19;
	[tilespmem:s8+$0x80B0] =	vst v5;
	v4 =	vld.idx.msk [tilespmem:v1+s24+$0x0 ss:$0x1], $0xffff  }
0x2a5: {  	[tilespmem:s4+$0x80B0] =	vst v6;
	v5 =	vld.idx.msk [tilespmem:v0+s30+$0x0 ss:$0x1], $0xffff  }
0x2a6: {  	s11 =	sadd.s32 s9, s19;
	[tilespmem:s3+$0x80B0] =	vst v7  }
0x2a7: {  	s2 =	sadd.s32 s7, s19;
	v6 =	vld.idx.msk [tilespmem:v0+s11+$0x0 ss:$0x1], $0xffff;
	s13 =	rddreg [dreg:$0xa]  }
0x2a8: {  	v7 =	vld.idx.msk [tilespmem:v0+s2+$0x0 ss:$0x1], $0xffff;
	s2 =	sadd.s32 s13, s1  }
0x2a9: {  	s14 =	sadd.s32 s0, s2;
	[tilespmem:s12+$0x80D0] =	vst v4  }
0x2aa: {  	s15 =	sadd.s32 s10, s5;
	[tilespmem:s8+$0x80C0] =	vst v5;
	v4 =	vld.idx.msk [tilespmem:v3+s14+$0x0 ss:$0x1], $0xffff  }
0x2ab: {  	v5 =	vld.idx.msk [tilespmem:v1+s15+$0x0 ss:$0x1], $0xffff  }
0x2ac: {  	s17 =	simm.s32 $0x200;
	s16 =	sadd.s32 s9, s5;
	[tilespmem:s4+$0x80C0] =	vst v6  }
0x2ad: {  	s22 =	sand.u32 $0x200, s17;
	s17 =	sadd.s32 s20, s1;
	s19 =	simm.s32 $0x400;
	v6 =	vld.idx.msk [tilespmem:v1+s16+$0x0 ss:$0x1], $0xffff  }
0x2ae: {  	s6 =	sor.u32 $0x180, s22;
	s5 =	sadd.s32 s7, s5;
	[tilespmem:s3+$0x80C0] =	vst v7;
	s13 =	sand.u32 $0x3800, s19  }
0x2af: {  	v7 =	vld.idx.msk [tilespmem:v1+s5+$0x0 ss:$0x1], $0xffff;
	s0 =	sadd.s32 s0, s17;
	s11 =	sor.u32 s13, s6;
	[tilespmem:s12+$0x80E0] =	vst v4  }
0x2b0: {  	s24 =	sor.u32 $0x80, s22;
	s23 =	sadd.s32 s10, s2;
	s19 =	sadd.s32 $0x80, s11;
	[tilespmem:s8+$0x80D0] =	vst v5;
	v4 =	vld.idx.msk [tilespmem:v2+s0+$0x0 ss:$0x1], $0xffff  }
0x2b1: {  	p4 =	por $0x0, $0x0;
	s30 =	sor.u32 s28, s19;
	v5 =	vld.idx.msk [tilespmem:v3+s23+$0x0 ss:$0x1], $0xffff;
	[smem:$0x7BE] =	sst s24  }
0x2b2: {  	s15 =	simm.s32 $0x1;
	s20 =	sadd.s32 s7, s2;
	s2 =	sadd.s32 s9, s2;
	[tilespmem:s4+$0x80D0] =	vst v6;
	v6 =	vld [tilespmem:s30+$0x0]  }
0x2b3: {  	s15 =	simm.s32 @!p4 $0x0;
	s16 =	sor.u32 s13, s24;
	v8 =	vld.idx.msk [tilespmem:v3+s2+$0x0 ss:$0x1], $0xffff;
	[smem:$0x7C0] =	sst s22  }
0x2b4: {  	s21 =	sadd.s32 $0x80, s16;
	s0 =	sshll.u32 s15, $0x9;
	[tilespmem:s3+$0x80D0] =	vst v7  }
0x2b5: {  	s5 =	sor.u32 s28, s21;
	s30 =	sadd.s32 $0x0, s0;
	[tilespmem:s12+$0x80F0] =	vst v4  }
0x2b6: {  	s14 =	sadd.s32 $0x180, s30;
	v9 =	vld [tilespmem:s5+$0x0];
	s5 =	rddreg [dreg:$0xd]  }
0x2b7: {  	s24 =	sor.u32 $0x100, s22;
	s23 =	sor.u32 s5, s14  }
0x2b8: {  	s0 =	sor.u32 s13, s24;
	v4 =	vld [tilespmem:s23+$0x80]  }
0x2b9: {  	v7 =	vld.idx.msk [tilespmem:v3+s20+$0x0 ss:$0x1], $0xffff;
	s20 =	sor.u32 $0x80, s0;
	[tilespmem:s11+$0x8080] =	vst v6  }
0x2ba: {  	s15 =	sor.u32 s22, s13;
	s1 =	sor.u32 s28, s20;
	[tilespmem:s8+$0x80E0] =	vst v5  }
0x2bb: {  	s2 =	sor.u32 s29, s19;
	s12 =	sor.u32 $0x80, s15;
	v10 =	vld [tilespmem:s1+$0x0];
	[tilespmem:s4+$0x80E0] =	vst v8  }
0x2bc: {  	v5 =	vld [tilespmem:s2+$0x0];
	s2 =	sor.u32 $0x400, s14;
	s23 =	sor.u32 s28, s12;
	[tilespmem:s16+$0x8080] =	vst v9  }
0x2bd: {  	v6 =	vld [tilespmem:s23+$0x0];
	[tilespmem:s2+$0x8080] =	vst v4  }
0x2be: {  	s1 =	sor.u32 s29, s21;
	s2 =	rddreg [dreg:$0xc]  }
0x2bf: {  	v9 =	vld [tilespmem:s1+$0x0];
	s23 =	sor.u32 s2, s14  }
0x2c0: {  	[tilespmem:s0+$0x8080] =	vst v10;
	v4 =	vld [tilespmem:s23+$0x80]  }
0x2c1: {  	[tilespmem:s11+$0x8090] =	vst v5  }
0x2c2: {  	s1 =	sor.u32 s29, s20;
	[tilespmem:s15+$0x8080] =	vst v6  }
0x2c3: {  	s22 =	sor.u32 s26, s19;
	[tilespmem:s3+$0x80E0] =	vst v7;
	v10 =	vld [tilespmem:s1+$0x0]  }
0x2c4: {  	[tilespmem:s16+$0x8090] =	vst v9;
	v5 =	vld [tilespmem:s22+$0x0];
	s22 =	sor.u32 $0x410, s14;
	s23 =	sor.u32 s29, s12  }
0x2c5: {  	s10 =	sadd.s32 s10, s17;
	v6 =	vld [tilespmem:s23+$0x0];
	[tilespmem:s22+$0x8080] =	vst v4  }
0x2c6: {  	v8 =	vld.idx.msk [tilespmem:v2+s10+$0x0 ss:$0x1], $0xffff;
	s1 =	sor.u32 s26, s21;
	s31 =	rddreg [dreg:$0xe]  }
0x2c7: {  	v9 =	vld [tilespmem:s1+$0x0];
	s23 =	sor.u32 s31, s14  }
0x2c8: {  	s1 =	sor.u32 s26, s20;
	[tilespmem:s0+$0x8090] =	vst v10;
	v4 =	vld [tilespmem:s23+$0x80]  }
0x2c9: {  	s22 =	sor.u32 s25, s19;
	[tilespmem:s11+$0x80A0] =	vst v5;
	v10 =	vld [tilespmem:s1+$0x0]  }
0x2ca: {  	[tilespmem:s15+$0x8090] =	vst v6;
	v5 =	vld [tilespmem:s22+$0x0];
	s23 =	sor.u32 s26, s12  }
0x2cb: {  	s9 =	sadd.s32 s9, s17;
	[tilespmem:s8+$0x80F0] =	vst v8;
	v6 =	vld [tilespmem:s23+$0x0]  }
0x2cc: {  	s10 =	sor.u32 $0x420, s14;
	v7 =	vld.idx.msk [tilespmem:v2+s9+$0x0 ss:$0x1], $0xffff;
	[tilespmem:s16+$0x80A0] =	vst v9  }
0x2cd: {  	s7 =	sadd.s32 s7, s17;
	[tilespmem:s10+$0x8080] =	vst v4  }
0x2ce: {  	v8 =	vld.idx.msk [tilespmem:v2+s7+$0x0 ss:$0x1], $0xffff;
	s1 =	sor.u32 s25, s21;
	s17 =	rddreg [dreg:$0xf];
	[tilespmem:s0+$0x80A0] =	vst v10  }
0x2cf: {  	s8 =	sor.u32 $0x80, s13;
	s22 =	sor.u32 s25, s20;
	v9 =	vld [tilespmem:s1+$0x0];
	[tilespmem:s11+$0x80B0] =	vst v5  }
0x2d0: {  	s10 =	sadd.s32 s18, s8;
	[tilespmem:s15+$0x80A0] =	vst v6;
	s19 =	sor.u32 s17, s14;
	v10 =	vld [tilespmem:s22+$0x0]  }
0x2d1: {  	s23 =	sadd.s32 s6, s10;
	[tilespmem:s4+$0x80F0] =	vst v7;
	v4 =	vld [tilespmem:s19+$0x80]  }
0x2d2: {  	s21 =	smov.u32 s17;
	s17 =	sadd.s32 $0x80, s30;
	v5 =	vld.idx.msk [tilespmem:v0+s23+$0x0 ss:$0x1], $0xffff;
	s23 =	sld [smem:$0x7BE]  }
0x2d3: {  	s1 =	sor.u32 s25, s12;
	s12 =	sor.u32 s5, s17  }
0x2d4: {  	s18 =	sor.u32 $0x430, s14;
	[tilespmem:s16+$0x80B0] =	vst v9;
	v7 =	vld [tilespmem:s12+$0x80]  }
0x2d5: {  	s4 =	sadd.s32 $0x100, s30;
	v6 =	vld [tilespmem:s1+$0x0];
	s19 =	rddreg [dreg:$0x10];
	s13 =	sadd.s32 s23, s10;
	[tilespmem:s0+$0x80B0] =	vst v10  }
0x2d6: {  	s20 =	sor.u32 s19, s4;
	v9 =	vld.idx.msk [tilespmem:v0+s13+$0x0 ss:$0x1], $0xffff;
	[tilespmem:s18+$0x8080] =	vst v4  }
0x2d7: {  	s22 =	sadd.s32 s24, s10;
	v4 =	vld [tilespmem:s20+$0x80];
	s5 =	rddreg [dreg:$0x9];
	[tilespmem:s3+$0x80F0] =	vst v8  }
0x2d8: {  	s1 =	sor.u32 s19, s30;
	s13 =	sor.u32 $0x400, s17;
	v10 =	vld.idx.msk [tilespmem:v0+s22+$0x0 ss:$0x1], $0xffff;
	[tilespmem:s11+$0x80C0] =	vst v5  }
0x2d9: {  	s19 =	sor.u32 s2, s17;
	s12 =	sadd.s32 s5, s8;
	v5 =	vld [tilespmem:s1+$0x80];
	s1 =	sld [smem:$0x7C0];
	[tilespmem:s13+$0x8080] =	vst v7  }
0x2da: {  	[tilespmem:s15+$0x80B0] =	vst v6;
	s7 =	sadd.s32 s6, s12;
	v7 =	vld [tilespmem:s19+$0x80]  }
0x2db: {  	s20 =	sor.u32 $0x400, s4;
	s22 =	sadd.s32 s23, s12;
	[tilespmem:s16+$0x80C0] =	vst v9;
	v6 =	vld.idx.msk [tilespmem:v1+s7+$0x0 ss:$0x1], $0xffff  }
0x2dc: {  	v9 =	vld.idx.msk [tilespmem:v1+s22+$0x0 ss:$0x1], $0xffff;
	s18 =	sadd.s32 s1, s10;
	[tilespmem:s20+$0x8080] =	vst v4  }
0x2dd: {  	s14 =	smov.u32 s0;
	v8 =	vld.idx.msk [tilespmem:v0+s18+$0x0 ss:$0x1], $0xffff;
	[smem:$0x7BF] =	sst s24  }
0x2de: {  	s0 =	sor.u32 s2, s4;
	s5 =	sor.u32 $0x400, s30;
	[tilespmem:s14+$0x80C0] =	vst v10  }
0x2df: {  	s13 =	sadd.s32 s24, s12;
	s22 =	sor.u32 $0x410, s17;
	v4 =	vld [tilespmem:s0+$0x80];
	s20 =	rddreg [dreg:$0xa];
	[tilespmem:s5+$0x8080] =	vst v5  }
0x2e0: {  	v10 =	vld.idx.msk [tilespmem:v1+s13+$0x0 ss:$0x1], $0xffff;
	[tilespmem:s22+$0x8080] =	vst v7  }
0x2e1: {  	s19 =	sor.u32 s2, s30;
	s10 =	sadd.s32 s20, s8;
	[tilespmem:s11+$0x80D0] =	vst v6  }
0x2e2: {  	v5 =	vld [tilespmem:s19+$0x80];
	[tilespmem:s16+$0x80D0] =	vst v9;
	s2 =	sadd.s32 s6, s10  }
0x2e3: {  	p4 =	por !p4, !p4;
	s5 =	sor.u32 s31, s17;
	s19 =	sor.u32 $0x410, s4;
	[tilespmem:s15+$0x80C0] =	vst v8;
	v6 =	vld.idx.msk [tilespmem:v3+s2+$0x0 ss:$0x1], $0xffff  }
0x2e4: {  	s3 =	sor.u32 $0x410, s30;
	s12 =	sadd.s32 s1, s12;
	s18 =	smov.u32 s14;
	v7 =	vld [tilespmem:s5+$0x80];
	[tilespmem:s19+$0x8080] =	vst v4  }
0x2e5: {  	s14 =	sor.u32 s31, s30;
	s0 =	sor.u32 s31, s4;
	s2 =	sadd.s32 s23, s10;
	v8 =	vld.idx.msk [tilespmem:v1+s12+$0x0 ss:$0x1], $0xffff;
	[tilespmem:s18+$0x80D0] =	vst v10  }
0x2e6: {  	s20 =	sor.u32 $0x420, s17;
	s9 =	sadd.s32 s24, s10;
	v9 =	vld.idx.msk [tilespmem:v3+s2+$0x0 ss:$0x1], $0xffff;
	s24 =	rddreg [dreg:$0xb]  }
0x2e7: {  	s5 =	simm.s32 $0x800;
	s12 =	simm.s32 $0x400;
	v4 =	vld [tilespmem:s0+$0x80];
	[tilespmem:s3+$0x8080] =	vst v5;
	s19 =	sadd.s32 s24, s8  }
0x2e8: {  	s2 =	smov.u32 s18;
	s0 =	sand.u32 $0x200, s12;
	v5 =	vld [tilespmem:s14+$0x80];
	[tilespmem:s11+$0x80E0] =	vst v6;
	s18 =	sadd.s32 s6, s19  }
0x2e9: {  	s22 =	sor.u32 $0x420, s4;
	s7 =	sand.u32 $0x3800, s5;
	[tilespmem:s20+$0x8080] =	vst v7;
	s8 =	sor.u32 $0x180, s0;
	v6 =	vld.idx.msk [tilespmem:v2+s18+$0x0 ss:$0x1], $0xffff  }
0x2ea: {  	s13 =	sor.u32 s21, s17;
	s23 =	sor.u32 $0x420, s30;
	s14 =	sor.u32 s7, s8;
	[tilespmem:s15+$0x80D0] =	vst v8  }
0x2eb: {  	v10 =	vld.idx.msk [tilespmem:v3+s9+$0x0 ss:$0x1], $0xffff;
	s9 =	simm.s32 $0x1;
	s3 =	sor.u32 $0x80, s0;
	s5 =	sadd.s32 $0x80, s14;
	[tilespmem:s16+$0x80E0] =	vst v9  }
0x2ec: {  	s24 =	sor.u32 s21, s4;
	s9 =	simm.s32 @!p4 $0x0;
	v7 =	vld [tilespmem:s13+$0x80];
	s21 =	sor.u32 s28, s5;
	[tilespmem:s22+$0x8080] =	vst v4  }
0x2ed: {  	s6 =	sadd.s32 s1, s10;
	s9 =	sshll.u32 s9, $0x9;
	s18 =	sor.u32 s7, s3;
	v8 =	vld [tilespmem:s21+$0x0];
	[tilespmem:s23+$0x8080] =	vst v5  }
0x2ee: {  	s10 =	smov.u32 s8;
	s22 =	sadd.s32 $0x400, s9;
	s21 =	sadd.s32 $0x80, s18;
	[tilespmem:s11+$0x80F0] =	vst v6  }
0x2ef: {  	v9 =	vld.idx.msk [tilespmem:v3+s6+$0x0 ss:$0x1], $0xffff;
	s20 =	sadd.s32 $0x180, s22;
	s8 =	sor.u32 s28, s21;
	s1 =	rddreg [dreg:$0xd]  }
0x2f0: {  	s13 =	sor.u32 $0x100, s0;
	s23 =	sor.u32 $0x430, s17;
	v5 =	vld [tilespmem:s8+$0x0];
	s8 =	sor.u32 s1, s20  }
0x2f1: {  	s9 =	sor.u32 s7, s13;
	v6 =	vld [tilespmem:s8+$0x80];
	s8 =	rddreg [dreg:$0xc];
	[tilespmem:s23+$0x8080] =	vst v7  }
0x2f2: {  	s17 =	sor.u32 $0x80, s9;
	[tilespmem:s14+$0x8080] =	vst v8  }
0x2f3: {  	v4 =	vld [tilespmem:s24+$0x80];
	s24 =	sor.u32 s28, s17;
	[tilespmem:s2+$0x80E0] =	vst v10  }
0x2f4: {  	s11 =	sor.u32 s0, s7;
	v7 =	vld [tilespmem:s24+$0x0];
	[tilespmem:s15+$0x80E0] =	vst v9  }
0x2f5: {  	s1 =	sor.u32 s29, s5;
	s23 =	sor.u32 $0x80, s11;
	s24 =	sld [smem:$0x7BE]  }
0x2f6: {  	v8 =	vld [tilespmem:s1+$0x0];
	s6 =	sor.u32 s28, s23  }
0x2f7: {  	v10 =	vld [tilespmem:s6+$0x0]  }
0x2f8: {  	s1 =	smov.u32 s2;
	[tilespmem:s18+$0x8080] =	vst v5;
	s2 =	sadd.s32 s24, s19  }
0x2f9: {  	v9 =	vld.idx.msk [tilespmem:v2+s2+$0x0 ss:$0x1], $0xffff;
	s2 =	sor.u32 $0x400, s20;
	[tilespmem:s9+$0x8080] =	vst v7  }
0x2fa: {  	s24 =	sor.u32 s29, s21;
	[tilespmem:s2+$0x8080] =	vst v6  }
0x2fb: {  	v5 =	vld [tilespmem:s24+$0x0];
	s24 =	smov.u32 s0;
	s0 =	sor.u32 s8, s20;
	[tilespmem:s14+$0x8090] =	vst v8  }
0x2fc: {  	s2 =	sor.u32 s29, s17;
	v6 =	vld [tilespmem:s0+$0x80];
	[tilespmem:s11+$0x8080] =	vst v10  }
0x2fd: {  	v7 =	vld [tilespmem:s2+$0x0];
	s2 =	sld [smem:$0x7BF]  }
0x2fe: {  	s0 =	sor.u32 s26, s5  }
0x2ff: {  	s4 =	sor.u32 $0x430, s4;
	s6 =	sor.u32 s29, s23;
	v8 =	vld [tilespmem:s0+$0x0]  }
0x300: {  	[tilespmem:s4+$0x8080] =	vst v4;
	v4 =	vld [tilespmem:s6+$0x0];
	s0 =	sadd.s32 s2, s19  }
0x301: {  	s6 =	sor.u32 s26, s21;
	[tilespmem:s18+$0x8090] =	vst v5;
	v5 =	vld.idx.msk [tilespmem:v2+s0+$0x0 ss:$0x1], $0xffff;
	s0 =	sor.u32 $0x410, s20  }
0x302: {  	v10 =	vld [tilespmem:s6+$0x0];
	s6 =	sor.u32 s31, s20;
	[tilespmem:s0+$0x8080] =	vst v6  }
0x303: {  	[tilespmem:s9+$0x8090] =	vst v7;
	v6 =	vld [tilespmem:s6+$0x80]  }
0x304: {  	s0 =	sor.u32 s26, s17;
	[tilespmem:s14+$0x80A0] =	vst v8  }
0x305: {  	s5 =	sor.u32 s25, s5;
	[tilespmem:s11+$0x8090] =	vst v4;
	v7 =	vld [tilespmem:s0+$0x0]  }
0x306: {  	s6 =	sor.u32 s26, s23;
	v4 =	vld [tilespmem:s5+$0x0];
	s26 =	sld [smem:$0x7C0];
	[tilespmem:s16+$0x80F0] =	vst v9  }
0x307: {  	v8 =	vld [tilespmem:s6+$0x0];
	s6 =	sor.u32 $0x420, s20;
	[tilespmem:s18+$0x80A0] =	vst v10  }
0x308: {  	[tilespmem:s6+$0x8080] =	vst v6  }
0x309: {  	s4 =	sor.u32 s25, s21;
	s0 =	sadd.s32 s26, s19;
	s19 =	rddreg [dreg:$0xf]  }
0x30a: {  	s17 =	sor.u32 s25, s17;
	v10 =	vld [tilespmem:s4+$0x0];
	s26 =	rddreg [dreg:$0x8];
	[tilespmem:s9+$0x80A0] =	vst v7  }
0x30b: {  	s5 =	sor.u32 $0x80, s7;
	s16 =	sor.u32 s19, s20;
	v7 =	vld [tilespmem:s17+$0x0]  }
0x30c: {  	[tilespmem:s14+$0x80B0] =	vst v4;
	s4 =	sadd.s32 s26, s5;
	v6 =	vld [tilespmem:s16+$0x80]  }
0x30d: {  	s21 =	smov.u32 s9;
	v9 =	vld.idx.msk [tilespmem:v2+s0+$0x0 ss:$0x1], $0xffff;
	[tilespmem:s11+$0x80A0] =	vst v8;
	s2 =	sadd.s32 s10, s4  }
0x30e: {  	s7 =	sadd.s32 $0x80, s22;
	s6 =	sor.u32 s25, s23;
	s9 =	rddreg [dreg:$0xd];
	[tilespmem:s1+$0x80F0] =	vst v5;
	v4 =	vld.idx.msk [tilespmem:v0+s2+$0x0 ss:$0x1], $0xffff  }
0x30f: {  	s0 =	sadd.s32 $0x100, s22;
	v8 =	vld [tilespmem:s6+$0x0];
	s16 =	sor.u32 s9, s7;
	[tilespmem:s18+$0x80B0] =	vst v10  }
0x310: {  	s20 =	sor.u32 $0x430, s20;
	s17 =	sadd.s32 s3, s4;
	v5 =	vld [tilespmem:s16+$0x80];
	s9 =	rddreg [dreg:$0x10];
	[tilespmem:s21+$0x80B0] =	vst v7  }
0x311: {  	v10 =	vld.idx.msk [tilespmem:v0+s17+$0x0 ss:$0x1], $0xffff;
	s23 =	sor.u32 s9, s0;
	[tilespmem:s20+$0x8080] =	vst v6  }
0x312: {  	s25 =	sadd.s32 s13, s4;
	v6 =	vld [tilespmem:s23+$0x80];
	s1 =	rddreg [dreg:$0x9];
	[tilespmem:s15+$0x80F0] =	vst v9  }
0x313: {  	s26 =	sor.u32 s9, s22;
	v7 =	vld.idx.msk [tilespmem:v0+s25+$0x0 ss:$0x1], $0xffff;
	[tilespmem:s14+$0x80C0] =	vst v4  }
0x314: {  	s4 =	sadd.s32 s24, s4;
	s17 =	sor.u32 $0x400, s7;
	[tilespmem:s11+$0x80B0] =	vst v8;
	v4 =	vld [tilespmem:s26+$0x80]  }
0x315: {  	s23 =	sor.u32 s19, s30;
	s20 =	sor.u32 s8, s7;
	[tilespmem:s17+$0x8080] =	vst v5;
	s16 =	sadd.s32 s1, s5;
	v9 =	vld.idx.msk [tilespmem:v0+s4+$0x0 ss:$0x1], $0xffff  }
0x316: {  	s25 =	smov.u32 s19;
	s19 =	sor.u32 $0x400, s0;
	[tilespmem:s18+$0x80C0] =	vst v10;
	v10 =	vld [tilespmem:s20+$0x80];
	s15 =	sadd.s32 s10, s16  }
0x317: {  	s28 =	sor.u32 $0x430, s30;
	s26 =	sadd.s32 s3, s16;
	v8 =	vld.idx.msk [tilespmem:v1+s15+$0x0 ss:$0x1], $0xffff;
	[tilespmem:s19+$0x8080] =	vst v6  }
0x318: {  	s29 =	sor.u32 s31, s22;
	s30 =	sor.u32 s8, s0;
	s15 =	sor.u32 $0x400, s22;
	v11 =	vld.idx.msk [tilespmem:v1+s26+$0x0 ss:$0x1], $0xffff;
	[tilespmem:s21+$0x80C0] =	vst v7  }
0x319: {  	s6 =	sor.u32 $0x420, s7;
	s2 =	sor.u32 $0x410, s0;
	s9 =	sadd.s32 s13, s16;
	v12 =	vld [tilespmem:s30+$0x80];
	[tilespmem:s15+$0x8080] =	vst v4  }
0x31a: {  	s1 =	sor.u32 s8, s22;
	v6 =	vld.idx.msk [tilespmem:v1+s9+$0x0 ss:$0x1], $0xffff;
	s30 =	sor.u32 $0x430, s7;
	s26 =	rddreg [dreg:$0xa]  }
0x31b: {  	s17 =	sor.u32 $0x410, s7;
	s20 =	sor.u32 $0x410, s22;
	v5 =	vld [tilespmem:s1+$0x80];
	[dreg:$0x1b] =	wrdreg s30  }
0x31c: {  	s8 =	sor.u32 s31, s7;
	s30 =	sadd.s32 s24, s16;
	s15 =	sadd.s32 s26, s5;
	[tilespmem:s14+$0x80D0] =	vst v8  }
0x31d: {  	s16 =	sor.u32 $0x420, s22;
	s26 =	sor.u32 s25, s7;
	[tilespmem:s11+$0x80C0] =	vst v9;
	s7 =	sadd.s32 s10, s15  }
0x31e: {  	s4 =	sor.u32 s31, s0;
	s9 =	smov.u32 s25;
	v8 =	vld.idx.msk [tilespmem:v3+s7+$0x0 ss:$0x1], $0xffff;
	[smem:$0x7C1] =	sst s16  }
0x31f: {  	s25 =	sor.u32 s25, s22;
	s16 =	sor.u32 $0x430, s22;
	[tilespmem:s17+$0x8080] =	vst v10;
	s17 =	sor.u32 s9, s0  }
0x320: {  	s22 =	sor.u32 $0x420, s0;
	v9 =	vld.idx.msk [tilespmem:v1+s30+$0x0 ss:$0x1], $0xffff;
	s0 =	sor.u32 $0x430, s0;
	[smem:$0x7C2] =	sst s17  }
0x321: {  	s31 =	simm.s32 $0x800;
	s19 =	smov.u32 s11;
	v4 =	vld [tilespmem:s8+$0x80];
	[dreg:$0x1a] =	wrdreg s0  }
0x322: {  	s1 =	sadd.s32 s24, s15;
	s7 =	sadd.s32 s13, s15;
	s30 =	sadd.s32 s3, s15;
	[tilespmem:s18+$0x80D0] =	vst v11  }
0x323: {  	s0 =	smov.u32 s23;
	s23 =	simm.s32 $0x8;
	[tilespmem:s2+$0x8080] =	vst v12;
	s2 =	simm.s32 $0xC00;
	v7 =	vld.idx.msk [tilespmem:v3+s30+$0x0 ss:$0x1], $0xffff  }
.LBB2_6:
0x324: {  	[smem:$0x7AA] =	sst s25  }
0x325: {  	[smem:$0x7A8] =	sst s18  }
0x326: {  	[smem:$0x7A7] =	sst s28  }
0x327: {  	[smem:$0x7AC] =	sst s16  }
0x328: {  	s17 =	rddreg [dreg:$0xb]  }
0x329: {  	[smem:$0x7AF] =	sst s21  }
0x32a: {  	s28 =	sand.u32 $0x3800, s2;
	s12 =	sadd.s32 $0x200, s12;
	s11 =	sld [smem:$0x7C2]  }
0x32b: {  	s15 =	smov.u32 s13;
	[smem:$0x7B2] =	sst s19;
	s30 =	sand.u32 $0x200, s12  }
0x32c: {  	s13 =	smov.u32 s3;
	[dreg:$0x12] =	wrdreg s12;
	[tilespmem:s20+$0x8080] =	vst v5;
	s20 =	sor.u32 $0x180, s30  }
0x32d: {  	s3 =	smov.u32 s24;
	s8 =	sor.u32 $0x100, s30;
	[smem:$0x7AB] =	sst s20  }
0x32e: {  	p4 =	por !p4, !p4;
	s16 =	sor.u32 $0x80, s30;
	v5 =	vld [tilespmem:s29+$0x80];
	[smem:$0x7A9] =	sst s8;
	[tilespmem:s21+$0x80D0] =	vst v6  }
0x32f: {  	s29 =	sor.u32 s28, s8;
	s8 =	rddreg [dreg:$0x6];
	[tilespmem:s6+$0x8080] =	vst v4;
	s6 =	simm.s32 $0x1;
	v6 =	vld [tilespmem:s4+$0x80]  }
0x330: {  	s4 =	sadd.s32 s17, s5;
	s17 =	sor.u32 s28, s20;
	s6 =	simm.s32 @!p4 $0x0  }
0x331: {  	v10 =	vld.idx.msk [tilespmem:v3+s7+$0x0 ss:$0x1], $0xffff;
	[tilespmem:s18+$0x80E0] =	vst v7;
	s20 =	sor.u32 $0x80, s29;
	s5 =	sadd.s32 s10, s4;
	s9 =	sshll.u32 s6, $0x9  }
0x332: {  	[tilespmem:s14+$0x80E0] =	vst v8;
	v4 =	vld [tilespmem:s26+$0x80];
	s10 =	smov.u32 s21;
	s21 =	sadd.s32 s9, s31;
	s9 =	sld [smem:$0x7C1]  }
0x333: {  	[tilespmem:s19+$0x80D0] =	vst v9;
	s24 =	sadd.s32 $0x80, s17;
	s26 =	sor.u32 s30, s28;
	v8 =	vld.idx.msk [tilespmem:v2+s5+$0x0 ss:$0x1], $0xffff;
	s5 =	sor.u32 s28, s16  }
0x334: {  	v9 =	vld.idx.msk [tilespmem:v3+s1+$0x0 ss:$0x1], $0xffff;
	s25 =	sor.u32 s8, s24;
	s18 =	sor.u32 $0x80, s26;
	s7 =	sadd.s32 $0x80, s5;
	[tilespmem:s22+$0x8080] =	vst v6  }
0x335: {  	v7 =	vld [tilespmem:s25+$0x0];
	s1 =	sadd.s32 $0x180, s21;
	s12 =	sor.u32 s8, s7;
	[tilespmem:s9+$0x8080] =	vst v5;
	s22 =	sor.u32 s8, s18  }
0x336: {  	s9 =	rddreg [dreg:$0x7];
	[tilespmem:s10+$0x80E0] =	vst v10;
	s10 =	smov.u32 s19;
	s19 =	sor.u32 s8, s20;
	v5 =	vld [tilespmem:s0+$0x80]  }
0x337: {  	v10 =	vld [tilespmem:s12+$0x0];
	s25 =	sor.u32 s9, s7;
	s0 =	rddreg [dreg:$0xd];
	s12 =	sor.u32 s9, s18  }
0x338: {  	s8 =	sor.u32 s9, s20;
	v6 =	vld [tilespmem:s11+$0x80];
	[tilespmem:s14+$0x80F0] =	vst v8;
	s14 =	sor.u32 s0, s1;
	s11 =	rddreg [dreg:$0x5]  }
0x339: {  	[tilespmem:s10+$0x80E0] =	vst v9;
	s10 =	rddreg [dreg:$0x4];
	s6 =	sor.u32 s11, s7;
	v8 =	vld [tilespmem:s14+$0x80];
	s14 =	sor.u32 s11, s18  }
0x33a: {  	v9 =	vld [tilespmem:s19+$0x0];
	s18 =	sor.u32 s10, s18;
	s19 =	sor.u32 s10, s7;
	s7 =	rddreg [dreg:$0xc]  }
0x33b: {  	s31 =	sor.u32 s11, s20;
	s20 =	sor.u32 s10, s20;
	[smem:$0x7AE] =	sst s18  }
0x33c: {  	s9 =	sor.u32 s9, s24;
	[tilespmem:s17+$0x8080] =	vst v7;
	[smem:$0x7AD] =	sst s20  }
0x33d: {  	s13 =	sadd.s32 s13, s4;
	v7 =	vld [tilespmem:s9+$0x0];
	s9 =	rddreg [dreg:$0x1b];
	s18 =	sadd.s32 s3, s4  }
0x33e: {  	s4 =	sadd.s32 s15, s4;
	s15 =	rddreg [dreg:$0x1a];
	s3 =	sadd.s32 $0x80, s21  }
0x33f: {  	[tilespmem:s9+$0x8080] =	vst v4;
	v4 =	vld [tilespmem:s22+$0x0];
	s0 =	sor.u32 s0, s3;
	s22 =	rddreg [dreg:$0x10]  }
0x340: {  	s9 =	sadd.s32 $0x100, s21;
	[tilespmem:s5+$0x8080] =	vst v10;
	[smem:$0x7B0] =	sst s0;
	s0 =	sor.u32 s22, s21  }
0x341: {  	v10 =	vld [tilespmem:s25+$0x0];
	s25 =	sor.u32 s22, s9;
	s22 =	sor.u32 s11, s24;
	s11 =	rddreg [dreg:$0xc]  }
0x342: {  	s20 =	sor.u32 $0x400, s1;
	[tilespmem:s15+$0x8080] =	vst v6;
	s15 =	sor.u32 $0x400, s3;
	[smem:$0x7B1] =	sst s25  }
0x343: {  	[tilespmem:s20+$0x8080] =	vst v8;
	[smem:$0x7B5] =	sst s15;
	s20 =	sor.u32 $0x400, s9  }
0x344: {  	s25 =	sor.u32 $0x400, s21;
	[smem:$0x7B7] =	sst s20  }
0x345: {  	v6 =	vld.idx.msk [tilespmem:v2+s13+$0x0 ss:$0x1], $0xffff;
	s13 =	sor.u32 s7, s1;
	s7 =	sor.u32 s11, s3;
	[smem:$0x7B9] =	sst s25  }
0x346: {  	[tilespmem:s29+$0x8080] =	vst v9;
	s15 =	sor.u32 s11, s9;
	[smem:$0x7B6] =	sst s7  }
0x347: {  	v9 =	vld [tilespmem:s8+$0x0];
	s8 =	sor.u32 s11, s21;
	[smem:$0x7B8] =	sst s15  }
0x348: {  	v8 =	vld [tilespmem:s13+$0x80];
	s13 =	sor.u32 $0x410, s3;
	[smem:$0x7BA] =	sst s8  }
0x349: {  	s20 =	sor.u32 $0x410, s21;
	[smem:$0x7BB] =	sst s13  }
0x34a: {  	[tilespmem:s17+$0x8090] =	vst v7;
	[smem:$0x7B3] =	sst s20  }
0x34b: {  	s7 =	sor.u32 $0x410, s9;
	[tilespmem:s26+$0x8080] =	vst v4;
	v4 =	vld [tilespmem:s22+$0x0];
	s22 =	rddreg [dreg:$0xe]  }
0x34c: {  	[smem:$0x7BD] =	sst s7  }
0x34d: {  	s8 =	sld [smem:$0x7A7];
	s25 =	sor.u32 s22, s3  }
0x34e: {  	[smem:$0x7BC] =	sst s25;
	s25 =	sor.u32 $0x420, s21  }
0x34f: {  	v7 =	vld [tilespmem:s12+$0x0];
	[tilespmem:s5+$0x8090] =	vst v10;
	[smem:$0x7C1] =	sst s25  }
0x350: {  	s13 =	sor.u32 $0x410, s1;
	[tilespmem:s8+$0x8080] =	vst v5;
	v5 =	vld.idx.msk [tilespmem:v2+s4+$0x0 ss:$0x1], $0xffff;
	s25 =	rddreg [dreg:$0xf]  }
0x351: {  	s4 =	sor.u32 s22, s9;
	v10 =	vld [tilespmem:s6+$0x0];
	s6 =	sor.u32 $0x420, s9;
	s12 =	sor.u32 s25, s9  }
0x352: {  	[tilespmem:s13+$0x8080] =	vst v8;
	s13 =	sor.u32 s10, s24;
	s24 =	sor.u32 $0x430, s9;
	s9 =	sld [smem:$0x7A9]  }
0x353: {  	s20 =	sor.u32 $0x420, s3;
	[smem:$0x7C2] =	sst s12  }
0x354: {  	s7 =	sor.u32 s22, s21;
	s15 =	sor.u32 s22, s1;
	[dreg:$0x1a] =	wrdreg s24  }
0x355: {  	s22 =	sor.u32 s25, s3;
	v8 =	vld [tilespmem:s15+$0x80];
	s15 =	sor.u32 $0x430, s3;
	s3 =	sld [smem:$0x7A8]  }
0x356: {  	s8 =	sor.u32 $0x430, s21;
	s12 =	sor.u32 s25, s21;
	s21 =	sld [smem:$0x7AC]  }
0x357: {  	[tilespmem:s29+$0x8090] =	vst v9;
	s24 =	smov.u32 s30;
	s30 =	sld [smem:$0x7AD]  }
0x358: {  	v9 =	vld [tilespmem:s31+$0x0];
	[tilespmem:s17+$0x80A0] =	vst v4;
	[dreg:$0x1b] =	wrdreg s15  }
0x359: {  	s10 =	sor.u32 $0x420, s1;
	[tilespmem:s26+$0x8090] =	vst v7;
	v4 =	vld [tilespmem:s13+$0x0];
	s15 =	sld [smem:$0x7AA]  }
0x35a: {  	v7 =	vld [tilespmem:s14+$0x0];
	s13 =	smov.u32 s9;
	s14 =	smov.u32 s17;
	s17 =	rddreg [dreg:$0x8];
	[tilespmem:s3+$0x80F0] =	vst v6  }
0x35b: {  	s3 =	smov.u32 s16;
	v6 =	vld.idx.msk [tilespmem:v2+s18+$0x0 ss:$0x1], $0xffff;
	s18 =	smov.u32 s5;
	s16 =	sor.u32 s25, s1;
	[tilespmem:s5+$0x80A0] =	vst v10  }
0x35c: {  	s25 =	smov.u32 s12;
	s5 =	sor.u32 $0x80, s28;
	[tilespmem:s10+$0x8080] =	vst v8;
	s10 =	sld [smem:$0x7AB]  }
0x35d: {  	s28 =	smov.u32 s21;
	s21 =	sld [smem:$0x7AF];
	v10 =	vld [tilespmem:s19+$0x0];
	s19 =	sadd.s32 s17, s5  }
0x35e: {  	[tilespmem:s29+$0x80A0] =	vst v9;
	v8 =	vld [tilespmem:s16+$0x80];
	s16 =	smov.u32 s8;
	s8 =	sadd.s32 s24, s19;
	s9 =	sadd.s32 s3, s19  }
0x35f: {  	v9 =	vld [tilespmem:s30+$0x0];
	[tilespmem:s14+$0x80B0] =	vst v4;
	s12 =	sadd.s32 s13, s19;
	s17 =	sadd.s32 s10, s19;
	s19 =	sld [smem:$0x7AE]  }
0x360: {  	s30 =	sld [smem:$0x7B0];
	[tilespmem:s26+$0x80A0] =	vst v7  }
0x361: {  	[smem:$0x7B4] =	sst s0;
	[tilespmem:s21+$0x80F0] =	vst v5;
	v4 =	vld.idx.msk [tilespmem:v0+s17+$0x0 ss:$0x1], $0xffff  }
0x362: {  	s21 =	smov.u32 s29;
	s29 =	smov.u32 s7;
	s7 =	sld [smem:$0x7B1];
	[tilespmem:s18+$0x80B0] =	vst v10;
	v7 =	vld [tilespmem:s19+$0x0]  }
0x363: {  	s0 =	smov.u32 s15;
	s15 =	sld [smem:$0x7B2];
	v5 =	vld [tilespmem:s30+$0x80]  }
0x364: {  	s1 =	sor.u32 $0x430, s1;
	v10 =	vld.idx.msk [tilespmem:v0+s9+$0x0 ss:$0x1], $0xffff;
	[tilespmem:s21+$0x80B0] =	vst v9;
	s30 =	sld [smem:$0x7B4]  }
0x365: {  	[tilespmem:s1+$0x8080] =	vst v8;
	s9 =	rddreg [dreg:$0x9];
	v8 =	vld [tilespmem:s7+$0x80]  }
0x366: {  	[tilespmem:s15+$0x80F0] =	vst v6;
	s15 =	sld [smem:$0x7B5];
	s1 =	sadd.s32 s9, s5;
	v9 =	vld.idx.msk [tilespmem:v0+s12+$0x0 ss:$0x1], $0xffff  }
0x367: {  	s19 =	smov.u32 s26;
	s17 =	sadd.s32 s10, s1;
	[tilespmem:s14+$0x80C0] =	vst v4;
	v4 =	vld [tilespmem:s30+$0x80];
	s30 =	sld [smem:$0x7B7]  }
0x368: {  	[tilespmem:s19+$0x80B0] =	vst v7;
	v7 =	vld.idx.msk [tilespmem:v1+s17+$0x0 ss:$0x1], $0xffff;
	s17 =	sld [smem:$0x7B6]  }
0x369: {  	[tilespmem:s15+$0x8080] =	vst v5;
	s15 =	sld [smem:$0x7B9]  }
0x36a: {  	v11 =	vld.idx.msk [tilespmem:v0+s8+$0x0 ss:$0x1], $0xffff;
	[tilespmem:s18+$0x80C0] =	vst v10;
	s8 =	sld [smem:$0x7B8]  }
0x36b: {  	s7 =	sadd.s32 s3, s1;
	[tilespmem:s30+$0x8080] =	vst v8;
	s30 =	sld [smem:$0x7BA];
	v10 =	vld [tilespmem:s17+$0x80]  }
0x36c: {  	s12 =	rddreg [dreg:$0xa];
	v12 =	vld.idx.msk [tilespmem:v1+s7+$0x0 ss:$0x1], $0xffff;
	[tilespmem:s21+$0x80C0] =	vst v9  }
0x36d: {  	s23 =	sadd.s32 $0x4, s23;
	s7 =	sadd.s32 s12, s5;
	[tilespmem:s15+$0x8080] =	vst v4;
	s15 =	sld [smem:$0x7BB];
	v13 =	vld [tilespmem:s8+$0x80]  }
0x36e: {  	p5 =	slt.u32 s23, $0x3C;
	s9 =	sadd.s32 s24, s1;
	s17 =	sadd.s32 s10, s7;
	v5 =	vld [tilespmem:s30+$0x80];
	[tilespmem:s14+$0x80D0] =	vst v7  }
.Ltmp2:
0x36f: {  	s1 =	sadd.s32 s13, s1;
	[tilespmem:s19+$0x80C0] =	vst v11;
	v8 =	vld.idx.msk [tilespmem:v3+s17+$0x0 ss:$0x1], $0xffff;
	s17 =	sld [smem:$0x7BC];
	(pc) =	sbr.rel @p5 .LBB2_6-.Ltmp2, $4  }
0x370: {  	s31 =	smov.u32 s2;
	v6 =	vld.idx.msk [tilespmem:v1+s1+$0x0 ss:$0x1], $0xffff;
	s30 =	sld [smem:$0x7BD];
	[tilespmem:s15+$0x8080] =	vst v10  }
0x371: {  	s2 =	sadd.s32 $0x400, s2;
	s26 =	smov.u32 s22;
	s22 =	smov.u32 s6;
	v9 =	vld.idx.msk [tilespmem:v1+s9+$0x0 ss:$0x1], $0xffff;
	[tilespmem:s18+$0x80D0] =	vst v12  }
0x372: {  	s6 =	smov.u32 s20;
	s20 =	sld [smem:$0x7B3];
	s8 =	sadd.s32 s3, s7;
	v4 =	vld [tilespmem:s17+$0x80]  }
0x373: {  	s12 =	rddreg [dreg:$0x12];
	s1 =	sadd.s32 s24, s7;
	s7 =	sadd.s32 s13, s7;
	[tilespmem:s30+$0x8080] =	vst v13;
	v7 =	vld.idx.msk [tilespmem:v3+s8+$0x0 ss:$0x1], $0xffff  }
0x374: {  	_ =	sdelay $0x2  }
0x375: {  	[tilespmem:s21+$0x80D0] =	vst v6  }
0x376: {  	v6 =	vld.idx.msk [tilespmem:v3+s7+$0x0 ss:$0x1], $0xffff;
	[tilespmem:s19+$0x80D0] =	vst v9  }
0x377: {  	s17 =	rddreg [dreg:$0xb]  }
0x378: {  	s23 =	sadd.s32 s17, s5  }
0x379: {  	v9 =	vld.idx.msk [tilespmem:v3+s1+$0x0 ss:$0x1], $0xffff;
	[tilespmem:s14+$0x80E0] =	vst v8;
	s5 =	sadd.s32 s10, s23  }
0x37a: {  	[tilespmem:s18+$0x80E0] =	vst v7;
	s7 =	sadd.s32 s3, s23;
	v8 =	vld.idx.msk [tilespmem:v2+s5+$0x0 ss:$0x1], $0xffff  }
0x37b: {  	s8 =	sadd.s32 s13, s23;
	v7 =	vld.idx.msk [tilespmem:v2+s7+$0x0 ss:$0x1], $0xffff;
	[tilespmem:s21+$0x80E0] =	vst v6  }
0x37c: {  	p4 =	por !p4, !p4;
	s2 =	simm.s32 $0x1;
	v6 =	vld.idx.msk [tilespmem:v2+s8+$0x0 ss:$0x1], $0xffff  }
0x37d: {  	s2 =	simm.s32 @!p4 $0x0  }
0x37e: {  	s10 =	sshll.u32 s2, $0x9;
	[tilespmem:s19+$0x80E0] =	vst v9  }
0x37f: {  	s9 =	smov.u32 s0;
	s1 =	sadd.s32 s24, s23;
	s0 =	sadd.s32 s10, s31;
	[tilespmem:s14+$0x80F0] =	vst v8  }
0x380: {  	v9 =	vld.idx.msk [tilespmem:v2+s1+$0x0 ss:$0x1], $0xffff;
	s1 =	sadd.s32 $0x180, s0;
	s12 =	rddreg [dreg:$0xd];
	[tilespmem:s18+$0x80F0] =	vst v7  }
0x381: {  	s2 =	sadd.s32 $0x80, s0;
	s13 =	sor.u32 s12, s1;
	[tilespmem:s21+$0x80F0] =	vst v6  }
0x382: {  	s3 =	sadd.s32 $0x100, s0;
	s5 =	sor.u32 s12, s2;
	v8 =	vld [tilespmem:s13+$0x80];
	s8 =	rddreg [dreg:$0x10]  }
0x383: {  	v6 =	vld [tilespmem:s5+$0x80];
	s14 =	sor.u32 s8, s3  }
0x384: {  	v7 =	vld [tilespmem:s14+$0x80]  }
0x385: {  	[tilespmem:s19+$0x80F0] =	vst v9  }
0x386: {  	s18 =	sor.u32 $0x400, s1;
	[tilespmem:s20+$0x8080] =	vst v5;
	v9 =	vld [tilespmem:s4+$0x80];
	s15 =	sor.u32 s8, s0  }
0x387: {  	s19 =	sor.u32 s11, s1;
	s20 =	sor.u32 $0x400, s2;
	v5 =	vld [tilespmem:s15+$0x80];
	[tilespmem:s18+$0x8080] =	vst v8  }
0x388: {  	s23 =	sor.u32 s11, s2;
	s21 =	sor.u32 $0x400, s3;
	[tilespmem:s20+$0x8080] =	vst v6;
	v8 =	vld [tilespmem:s19+$0x80]  }
0x389: {  	s24 =	sor.u32 s11, s3;
	v6 =	vld [tilespmem:s23+$0x80];
	[tilespmem:s21+$0x8080] =	vst v7  }
0x38a: {  	[tilespmem:s6+$0x8080] =	vst v4;
	v4 =	vld [tilespmem:s24+$0x80]  }
0x38b: {  	s31 =	sor.u32 $0x400, s0;
	[tilespmem:s22+$0x8080] =	vst v9  }
0x38c: {  	s7 =	sor.u32 $0x410, s1;
	[tilespmem:s31+$0x8080] =	vst v5  }
0x38d: {  	s8 =	sor.u32 $0x410, s2;
	[tilespmem:s7+$0x8080] =	vst v8  }
0x38e: {  	s6 =	sor.u32 s11, s0;
	s13 =	sor.u32 $0x410, s3;
	v7 =	vld [tilespmem:s29+$0x80];
	s10 =	rddreg [dreg:$0xe];
	[tilespmem:s8+$0x8080] =	vst v6  }
0x38f: {  	v5 =	vld [tilespmem:s6+$0x80];
	s11 =	sor.u32 s10, s1;
	[tilespmem:s13+$0x8080] =	vst v4  }
0x390: {  	v8 =	vld [tilespmem:s11+$0x80];
	s5 =	sld [smem:$0x7C1]  }
0x391: {  	v9 =	vld [tilespmem:s26+$0x80];
	_ =	sdelay $0x1  }
0x392: {  	s15 =	sor.u32 $0x410, s0;
	s12 =	sor.u32 s10, s2;
	[tilespmem:s5+$0x8080] =	vst v7  }
0x393: {  	s20 =	sor.u32 $0x420, s1;
	s14 =	sor.u32 s10, s3;
	v6 =	vld [tilespmem:s12+$0x80];
	s18 =	sld [smem:$0x7C2];
	[tilespmem:s15+$0x8080] =	vst v5  }
0x394: {  	s19 =	sor.u32 s10, s0;
	v4 =	vld [tilespmem:s14+$0x80];
	s5 =	rddreg [dreg:$0x1b];
	[tilespmem:s20+$0x8080] =	vst v8  }
0x395: {  	v5 =	vld [tilespmem:s19+$0x80];
	[tilespmem:s5+$0x8080] =	vst v9  }
0x396: {  	v9 =	vld [tilespmem:s9+$0x80];
	s22 =	rddreg [dreg:$0xf]  }
0x397: {  	s21 =	sor.u32 $0x420, s2;
	v7 =	vld [tilespmem:s18+$0x80];
	s23 =	sor.u32 s22, s1  }
0x398: {  	s24 =	sor.u32 $0x420, s3;
	[tilespmem:s21+$0x8080] =	vst v6;
	s26 =	sor.u32 s22, s2;
	v8 =	vld [tilespmem:s23+$0x80]  }
0x399: {  	s7 =	sor.u32 $0x420, s0;
	[tilespmem:s24+$0x8080] =	vst v4;
	s31 =	sor.u32 s22, s3;
	v6 =	vld [tilespmem:s26+$0x80]  }
0x39a: {  	s6 =	rddreg [dreg:$0x1a];
	v4 =	vld [tilespmem:s31+$0x80];
	[tilespmem:s7+$0x8080] =	vst v5  }
0x39b: {  	s9 =	sor.u32 s22, s0;
	v5 =	vld [tilespmem:s25+$0x80];
	[tilespmem:s28+$0x8080] =	vst v9  }
0x39c: {  	s1 =	sor.u32 $0x430, s1;
	[tilespmem:s6+$0x8080] =	vst v7;
	v7 =	vld [tilespmem:s9+$0x80]  }
0x39d: {  	s2 =	sor.u32 $0x430, s2;
	[tilespmem:s1+$0x8080] =	vst v8  }
0x39e: {  	s10 =	sor.u32 $0x430, s3;
	[tilespmem:s2+$0x8080] =	vst v6  }
0x39f: {  	[tilespmem:s10+$0x8080] =	vst v4  }
0x3a0: {  	s0 =	sor.u32 $0x430, s0;
	[tilespmem:s16+$0x8080] =	vst v5  }
0x3a1: {  	[tilespmem:s0+$0x8080] =	vst v7  }
0x3a2: {  	s1 =	sld [smem:$0x7FA];
	_ =	sdelay $0x1  }
0x3a3: {  	s13 =	simm.s32 $0x4;
	s11 =	simm.s32 $0x0;
	s12 =	simm.s32 $0x8080  }
0x3a4: {  	[hbm4b:s1+s11] =	stream.linear.scatter [tilespmem:s12], [sflag:$0x3], $0x4000, $0x38;
	[tilespmem:$0x10080] =	vst v63  }
0x3a5: {  	_ =	swait.ge [sflag:s13], $0x4000  }
0x3a6: {  	s14 =	sld [smem:$0x7FB]  }
0x3a7: {  	s15 =	sld [smem:$0x7EF]  }
0x3a8: {  	s19 =	simm.s32 $0x4080;
	s18 =	simm.s32 $0x1800  }
0x3a9: {  	s21 =	simm.s32 $0x2;
	s7 =	sand.u32 $0x200, s11;
	[sflag:s13] =	ssyncset.done $0x0  }
0x3aa: {  	s10 =	sand.u32 $0x3800, s11;
	[sflag:s13] =	ssyncadd.s32 $0xFFFFC000;
	s1 =	sadd.s32 s14, s15  }
0x3ab: {  	s16 =	simm.s32 $0x800;
	s2 =	rddreg [dreg:$0x0];
	s1 =	sshrl.u32 s1, $0x3  }
0x3ac: {  	s20 =	sor.u32 $0x4000, s10;
	s11 =	sor.u32 $0x180, s7;
	s1 =	sadd.s32 s2, s1  }
0x3ad: {  	[tilespmem:s19], [sflag:$0x2] =	stream.strided.gather [hbm4b:s1+s16], $0x4000, s18, s16, $0x38;
	[tilespmem:$0x10080] =	vst v63  }
0x3ae: {  	s9 =	sor.u32 s11, s20;
	_ =	swait.ge [sflag:s21], $0x4000  }
0x3af: {  	s22 =	sadd.s32 $0x80, s9;
	[sflag:s21] =	ssyncset.done $0x0;
	s28 =	rddreg [dreg:$0x6]  }
0x3b0: {  	[sflag:s21] =	ssyncadd.s32 $0xFFFFC000;
	s23 =	sor.u32 s28, s22  }
0x3b1: {  	v4 =	vld [tilespmem:s23+$0x0];
	_ =	sdelay $0x3  }
0x3b2: {  	s8 =	sor.u32 s7, s20  }
0x3b3: {  	s24 =	sor.u32 $0x80, s8;
	[tilespmem:s9+$0x8080] =	vst v4  }
0x3b4: {  	s25 =	sor.u32 s28, s24;
	s29 =	rddreg [dreg:$0x7]  }
0x3b5: {  	v5 =	vld [tilespmem:s25+$0x0];
	s26 =	sor.u32 s29, s22  }
0x3b6: {  	v4 =	vld [tilespmem:s26+$0x0]  }
0x3b7: {  	s6 =	sor.u32 $0x80, s7  }
0x3b8: {  	s5 =	sor.u32 $0x100, s7;
	s0 =	sor.u32 s6, s20  }
0x3b9: {  	s4 =	sor.u32 s5, s20;
	s12 =	sadd.s32 $0x80, s0  }
0x3ba: {  	s13 =	sor.u32 $0x80, s4;
	s31 =	sor.u32 s28, s12;
	[tilespmem:s8+$0x8080] =	vst v5  }
0x3bb: {  	s14 =	sor.u32 s28, s13;
	v6 =	vld [tilespmem:s31+$0x0];
	[tilespmem:s9+$0x8090] =	vst v4  }
0x3bc: {  	v7 =	vld [tilespmem:s14+$0x0];
	s15 =	sor.u32 s29, s24;
	s30 =	rddreg [dreg:$0x5]  }
0x3bd: {  	v5 =	vld [tilespmem:s15+$0x0];
	s16 =	sor.u32 s30, s22  }
0x3be: {  	v4 =	vld [tilespmem:s16+$0x0];
	_ =	sdelay $0x1  }
0x3bf: {  	s18 =	sor.u32 s29, s12;
	[tilespmem:s0+$0x8080] =	vst v6  }
0x3c0: {  	s19 =	sor.u32 s29, s13;
	[tilespmem:s4+$0x8080] =	vst v7;
	v6 =	vld [tilespmem:s18+$0x0]  }
0x3c1: {  	[tilespmem:s8+$0x8090] =	vst v5;
	s20 =	sor.u32 s30, s24;
	v7 =	vld [tilespmem:s19+$0x0]  }
0x3c2: {  	v5 =	vld [tilespmem:s20+$0x0];
	[tilespmem:s9+$0x80A0] =	vst v4  }
0x3c3: {  	s26 =	rddreg [dreg:$0x4]  }
0x3c4: {  	s21 =	sor.u32 s26, s22  }
0x3c5: {  	[tilespmem:s0+$0x8090] =	vst v6;
	s22 =	sor.u32 s30, s12;
	v4 =	vld [tilespmem:s21+$0x0]  }
0x3c6: {  	s23 =	sor.u32 s30, s13;
	[tilespmem:s4+$0x8090] =	vst v7;
	v6 =	vld [tilespmem:s22+$0x0]  }
0x3c7: {  	[tilespmem:s8+$0x80A0] =	vst v5;
	s24 =	sor.u32 s26, s24;
	v7 =	vld [tilespmem:s23+$0x0]  }
0x3c8: {  	s3 =	sor.u32 $0x4080, s10;
	s18 =	rddreg [dreg:$0x8];
	v5 =	vld [tilespmem:s24+$0x0]  }
0x3c9: {  	s25 =	sadd.s32 s18, s3  }
0x3ca: {  	s31 =	sadd.s32 s11, s25;
	[tilespmem:s9+$0x80B0] =	vst v4  }
0x3cb: {  	s12 =	sor.u32 s26, s12;
	[tilespmem:s0+$0x80A0] =	vst v6;
	v4 =	vld.idx.msk [tilespmem:v0+s31+$0x0 ss:$0x1], $0xffff  }
0x3cc: {  	s13 =	sor.u32 s26, s13;
	[tilespmem:s4+$0x80A0] =	vst v7;
	v6 =	vld [tilespmem:s12+$0x0]  }
0x3cd: {  	s14 =	sadd.s32 s7, s25;
	v7 =	vld [tilespmem:s13+$0x0];
	[tilespmem:s8+$0x80B0] =	vst v5  }
0x3ce: {  	v5 =	vld.idx.msk [tilespmem:v0+s14+$0x0 ss:$0x1], $0xffff;
	s15 =	rddreg [dreg:$0x9]  }
0x3cf: {  	s16 =	sadd.s32 s15, s3  }
0x3d0: {  	s2 =	sadd.s32 s11, s16;
	[tilespmem:s9+$0x80C0] =	vst v4  }
0x3d1: {  	s20 =	sadd.s32 s6, s25;
	[tilespmem:s0+$0x80B0] =	vst v6;
	v4 =	vld.idx.msk [tilespmem:v1+s2+$0x0 ss:$0x1], $0xffff  }
0x3d2: {  	[tilespmem:s4+$0x80B0] =	vst v7;
	v6 =	vld.idx.msk [tilespmem:v0+s20+$0x0 ss:$0x1], $0xffff  }
0x3d3: {  	s1 =	sadd.s32 s5, s25;
	[tilespmem:s8+$0x80C0] =	vst v5  }
0x3d4: {  	s21 =	sadd.s32 s7, s16;
	v7 =	vld.idx.msk [tilespmem:v0+s1+$0x0 ss:$0x1], $0xffff;
	s22 =	rddreg [dreg:$0xa]  }
0x3d5: {  	v5 =	vld.idx.msk [tilespmem:v1+s21+$0x0 ss:$0x1], $0xffff;
	s14 =	sadd.s32 s22, s3  }
0x3d6: {  	s23 =	simm.s32 $0x200;
	s24 =	simm.s32 $0x400;
	s1 =	sadd.s32 s11, s14;
	[tilespmem:s9+$0x80D0] =	vst v4  }
0x3d7: {  	s19 =	sand.u32 $0x200, s23;
	s15 =	sadd.s32 s6, s16;
	[tilespmem:s0+$0x80C0] =	vst v6;
	v4 =	vld.idx.msk [tilespmem:v3+s1+$0x0 ss:$0x1], $0xffff;
	s1 =	sand.u32 $0x3800, s24  }
0x3d8: {  	s2 =	sor.u32 $0x180, s19;
	v6 =	vld.idx.msk [tilespmem:v1+s15+$0x0 ss:$0x1], $0xffff;
	s25 =	sor.u32 $0x4000, s1;
	[smem:$0x7A2] =	sst s1  }
0x3d9: {  	s12 =	sadd.s32 s5, s16;
	[tilespmem:s4+$0x80C0] =	vst v7;
	s23 =	sor.u32 s2, s25  }
0x3da: {  	s17 =	smov.u32 s17;
	s31 =	sadd.s32 s7, s14;
	[tilespmem:s8+$0x80D0] =	vst v5;
	v7 =	vld.idx.msk [tilespmem:v1+s12+$0x0 ss:$0x1], $0xffff;
	s13 =	sadd.s32 $0x80, s23  }
0x3db: {  	s16 =	sadd.s32 s6, s14;
	v5 =	vld.idx.msk [tilespmem:v3+s31+$0x0 ss:$0x1], $0xffff;
	s12 =	sadd.s32 s17, s3;
	s24 =	sor.u32 s28, s13  }
0x3dc: {  	s20 =	sor.u32 s19, s25;
	s31 =	sor.u32 $0x80, s19;
	s17 =	sadd.s32 s11, s12;
	[tilespmem:s9+$0x80E0] =	vst v4;
	v4 =	vld [tilespmem:s24+$0x0]  }
0x3dd: {  	s3 =	sor.u32 $0x100, s19;
	s21 =	sor.u32 $0x80, s20;
	[tilespmem:s0+$0x80D0] =	vst v6;
	v6 =	vld.idx.msk [tilespmem:v2+s17+$0x0 ss:$0x1], $0xffff;
	s17 =	sor.u32 s31, s25  }
0x3de: {  	v8 =	vld.idx.msk [tilespmem:v3+s16+$0x0 ss:$0x1], $0xffff;
	s16 =	sor.u32 s3, s25;
	s25 =	sor.u32 s28, s21;
	s22 =	sadd.s32 $0x80, s17  }
0x3df: {  	s15 =	sor.u32 $0x80, s16;
	v9 =	vld [tilespmem:s25+$0x0];
	s24 =	sor.u32 s28, s22  }
0x3e0: {  	s10 =	sor.u32 $0x4480, s10;
	[tilespmem:s4+$0x80D0] =	vst v7;
	s25 =	sor.u32 s28, s15;
	v7 =	vld [tilespmem:s24+$0x0]  }
0x3e1: {  	s11 =	sadd.s32 s11, s10;
	v10 =	vld [tilespmem:s25+$0x0];
	s24 =	sor.u32 s29, s13;
	[tilespmem:s23+$0x8080] =	vst v4  }
0x3e2: {  	p4 =	por $0x0, $0x0;
	s25 =	simm.s32 $0x1;
	[tilespmem:s9+$0x80F0] =	vst v6;
	s9 =	sor.u32 s28, s11;
	v4 =	vld [tilespmem:s24+$0x0]  }
0x3e3: {  	s14 =	sadd.s32 s5, s14;
	[tilespmem:s8+$0x80E0] =	vst v5;
	s25 =	simm.s32 @!p4 $0x0;
	v5 =	vld [tilespmem:s9+$0x0]  }
0x3e4: {  	v6 =	vld.idx.msk [tilespmem:v3+s14+$0x0 ss:$0x1], $0xffff;
	s14 =	sor.u32 s29, s21;
	s25 =	sshll.u32 s25, $0x9;
	[tilespmem:s20+$0x8080] =	vst v9  }
0x3e5: {  	s24 =	sor.u32 s29, s22;
	s9 =	sadd.s32 $0x0, s25;
	v9 =	vld [tilespmem:s14+$0x0];
	[tilespmem:s17+$0x8080] =	vst v7  }
0x3e6: {  	s25 =	sor.u32 s29, s15;
	s14 =	sadd.s32 $0x180, s9;
	[tilespmem:s16+$0x8080] =	vst v10;
	v7 =	vld [tilespmem:s24+$0x0]  }
0x3e7: {  	s14 =	sor.u32 $0x4400, s14;
	v10 =	vld [tilespmem:s25+$0x0];
	s24 =	sor.u32 s30, s13;
	[tilespmem:s23+$0x8090] =	vst v4  }
0x3e8: {  	s25 =	sor.u32 s29, s11;
	[tilespmem:s14+$0x8080] =	vst v5;
	v4 =	vld [tilespmem:s24+$0x0]  }
0x3e9: {  	[tilespmem:s0+$0x80E0] =	vst v8;
	s24 =	sadd.s32 s7, s12;
	v5 =	vld [tilespmem:s25+$0x0]  }
0x3ea: {  	s25 =	sor.u32 s30, s21;
	v8 =	vld.idx.msk [tilespmem:v2+s24+$0x0 ss:$0x1], $0xffff;
	[tilespmem:s20+$0x8090] =	vst v9  }
0x3eb: {  	s24 =	sor.u32 s30, s22;
	v9 =	vld [tilespmem:s25+$0x0];
	[tilespmem:s17+$0x8090] =	vst v7  }
0x3ec: {  	s25 =	sor.u32 s30, s15;
	[tilespmem:s16+$0x8090] =	vst v10;
	v7 =	vld [tilespmem:s24+$0x0]  }
0x3ed: {  	[tilespmem:s4+$0x80E0] =	vst v6;
	v10 =	vld [tilespmem:s25+$0x0]  }
0x3ee: {  	s13 =	sor.u32 s26, s13;
	[tilespmem:s23+$0x80A0] =	vst v4  }
0x3ef: {  	s24 =	sor.u32 s30, s11;
	[tilespmem:s14+$0x8090] =	vst v5;
	v4 =	vld [tilespmem:s13+$0x0]  }
0x3f0: {  	s21 =	sor.u32 s26, s21;
	v5 =	vld [tilespmem:s24+$0x0];
	[tilespmem:s20+$0x80A0] =	vst v9  }
0x3f1: {  	s22 =	sor.u32 s26, s22;
	v9 =	vld [tilespmem:s21+$0x0];
	[tilespmem:s17+$0x80A0] =	vst v7  }
0x3f2: {  	s15 =	sor.u32 s26, s15;
	[tilespmem:s16+$0x80A0] =	vst v10;
	v7 =	vld [tilespmem:s22+$0x0]  }
0x3f3: {  	s7 =	sor.u32 s7, s10;
	s25 =	sadd.s32 s6, s12;
	s13 =	sor.u32 $0x4080, s1;
	[tilespmem:s8+$0x80F0] =	vst v8;
	v10 =	vld [tilespmem:s15+$0x0]  }
0x3f4: {  	v6 =	vld.idx.msk [tilespmem:v2+s25+$0x0 ss:$0x1], $0xffff;
	s24 =	sor.u32 s28, s7;
	s22 =	sadd.s32 s18, s13;
	[tilespmem:s23+$0x80B0] =	vst v4  }
0x3f5: {  	s21 =	sadd.s32 s2, s22;
	[tilespmem:s14+$0x80A0] =	vst v5;
	v5 =	vld [tilespmem:s24+$0x0]  }
0x3f6: {  	s25 =	sor.u32 s26, s11;
	v4 =	vld.idx.msk [tilespmem:v0+s21+$0x0 ss:$0x1], $0xffff;
	[tilespmem:s20+$0x80B0] =	vst v9  }
0x3f7: {  	s1 =	sadd.s32 s5, s12;
	v8 =	vld [tilespmem:s25+$0x0];
	[tilespmem:s17+$0x80B0] =	vst v7  }
0x3f8: {  	s12 =	sadd.s32 s19, s22;
	v9 =	vld.idx.msk [tilespmem:v2+s1+$0x0 ss:$0x1], $0xffff;
	[tilespmem:s16+$0x80B0] =	vst v10  }
0x3f9: {  	s11 =	sor.u32 $0x4400, s9;
	s15 =	sadd.s32 s31, s22;
	v7 =	vld.idx.msk [tilespmem:v0+s12+$0x0 ss:$0x1], $0xffff;
	s18 =	rddreg [dreg:$0x9];
	[tilespmem:s0+$0x80F0] =	vst v6  }
0x3fa: {  	s24 =	sor.u32 s29, s7;
	v10 =	vld.idx.msk [tilespmem:v0+s15+$0x0 ss:$0x1], $0xffff;
	[tilespmem:s11+$0x8080] =	vst v5  }
0x3fb: {  	s25 =	sadd.s32 s3, s22;
	s8 =	sadd.s32 s18, s13;
	[tilespmem:s23+$0x80C0] =	vst v4;
	v5 =	vld [tilespmem:s24+$0x0]  }
0x3fc: {  	s18 =	sadd.s32 s6, s10;
	s21 =	sadd.s32 s2, s8;
	[tilespmem:s14+$0x80B0] =	vst v8;
	v8 =	vld.idx.msk [tilespmem:v0+s25+$0x0 ss:$0x1], $0xffff  }
0x3fd: {  	s10 =	sor.u32 s5, s10;
	s1 =	sor.u32 s28, s18;
	[tilespmem:s4+$0x80F0] =	vst v9;
	v4 =	vld.idx.msk [tilespmem:v1+s21+$0x0 ss:$0x1], $0xffff  }
0x3fe: {  	s14 =	sor.u32 s28, s10;
	v6 =	vld [tilespmem:s1+$0x0];
	[tilespmem:s20+$0x80C0] =	vst v7  }
0x3ff: {  	s15 =	sadd.s32 s19, s8;
	v9 =	vld [tilespmem:s14+$0x0];
	s21 =	rddreg [dreg:$0xa];
	[tilespmem:s17+$0x80C0] =	vst v10  }
0x400: {  	s25 =	sadd.s32 s31, s8;
	v7 =	vld.idx.msk [tilespmem:v1+s15+$0x0 ss:$0x1], $0xffff;
	[tilespmem:s11+$0x8090] =	vst v5  }
0x401: {  	s22 =	sor.u32 s30, s7;
	s5 =	sadd.s32 s21, s13;
	v10 =	vld.idx.msk [tilespmem:v1+s25+$0x0 ss:$0x1], $0xffff;
	[tilespmem:s16+$0x80C0] =	vst v8  }
0x402: {  	s24 =	sadd.s32 $0x80, s9;
	s0 =	sadd.s32 s2, s5;
	[tilespmem:s23+$0x80D0] =	vst v4;
	v5 =	vld [tilespmem:s22+$0x0]  }
0x403: {  	s1 =	sor.u32 $0x4400, s24;
	v4 =	vld.idx.msk [tilespmem:v3+s0+$0x0 ss:$0x1], $0xffff;
	[smem:$0x7A4] =	sst s18  }
0x404: {  	s4 =	sadd.s32 $0x100, s9;
	s8 =	sadd.s32 s3, s8;
	[tilespmem:s1+$0x8080] =	vst v6  }
0x405: {  	s9 =	sor.u32 $0x4400, s4;
	v8 =	vld.idx.msk [tilespmem:v1+s8+$0x0 ss:$0x1], $0xffff;
	[smem:$0x7A5] =	sst s10  }
0x406: {  	[tilespmem:s9+$0x8080] =	vst v9  }
0x407: {  	s12 =	sor.u32 s29, s18;
	s14 =	sor.u32 s29, s10;
	s21 =	rddreg [dreg:$0xb];
	[tilespmem:s11+$0x80A0] =	vst v5  }
0x408: {  	s15 =	smov.u32 s3;
	s25 =	simm.s32 $0x800;
	v6 =	vld [tilespmem:s12+$0x0];
	[tilespmem:s20+$0x80D0] =	vst v7;
	s0 =	sadd.s32 s21, s13  }
0x409: {  	s3 =	smov.u32 s10;
	s10 =	sand.u32 $0x3800, s25;
	v9 =	vld [tilespmem:s14+$0x0];
	[tilespmem:s23+$0x80E0] =	vst v4;
	s22 =	sadd.s32 s2, s0  }
0x40a: {  	s7 =	sor.u32 s26, s7;
	v4 =	vld.idx.msk [tilespmem:v2+s22+$0x0 ss:$0x1], $0xffff;
	[smem:$0x7A3] =	sst s10  }
0x40b: {  	s24 =	simm.s32 $0x400;
	v5 =	vld [tilespmem:s7+$0x0];
	[tilespmem:s17+$0x80D0] =	vst v10  }
0x40c: {  	s6 =	sor.u32 s30, s18;
	s25 =	sand.u32 $0x200, s24;
	[tilespmem:s16+$0x80D0] =	vst v8  }
0x40d: {  	s12 =	sadd.s32 s19, s5;
	s18 =	sor.u32 $0x4000, s10;
	s14 =	sor.u32 $0x180, s25;
	[tilespmem:s1+$0x8090] =	vst v6  }
0x40e: {  	s13 =	sadd.s32 s31, s5;
	s5 =	sadd.s32 s15, s5;
	s10 =	sor.u32 s14, s18;
	v7 =	vld.idx.msk [tilespmem:v3+s12+$0x0 ss:$0x1], $0xffff;
	[tilespmem:s9+$0x8090] =	vst v9  }
0x40f: {  	s24 =	sor.u32 s25, s18;
	v8 =	vld.idx.msk [tilespmem:v3+s5+$0x0 ss:$0x1], $0xffff;
	s5 =	sadd.s32 $0x80, s10;
	[tilespmem:s23+$0x80F0] =	vst v4  }
0x410: {  	s21 =	sor.u32 $0x80, s25;
	s22 =	sor.u32 $0x100, s25;
	v10 =	vld.idx.msk [tilespmem:v3+s13+$0x0 ss:$0x1], $0xffff;
	s7 =	sor.u32 s28, s5;
	[tilespmem:s11+$0x80B0] =	vst v5  }
0x411: {  	s8 =	sor.u32 s21, s18;
	v4 =	vld [tilespmem:s7+$0x0];
	s7 =	sor.u32 s22, s18;
	s18 =	sld [smem:$0x7A2]  }
0x412: {  	v6 =	vld [tilespmem:s6+$0x0];
	s6 =	sor.u32 $0x80, s24  }
0x413: {  	s13 =	sor.u32 s28, s6;
	s11 =	sadd.s32 $0x80, s8  }
0x414: {  	v5 =	vld [tilespmem:s13+$0x0];
	s13 =	sor.u32 $0x80, s7;
	s23 =	sor.u32 s28, s11;
	s4 =	sor.u32 $0x4480, s18  }
0x415: {  	[tilespmem:s20+$0x80E0] =	vst v7;
	v9 =	vld [tilespmem:s23+$0x0];
	s18 =	sor.u32 s28, s13;
	s12 =	sadd.s32 s2, s4  }
0x416: {  	p4 =	por !p4, !p4;
	[tilespmem:s17+$0x80E0] =	vst v10;
	v7 =	vld [tilespmem:s18+$0x0];
	s18 =	simm.s32 $0x1;
	s23 =	sor.u32 s28, s12  }
0x417: {  	[tilespmem:s16+$0x80E0] =	vst v8;
	s18 =	simm.s32 @!p4 $0x0;
	v10 =	vld [tilespmem:s23+$0x0];
	s23 =	sor.u32 s30, s3  }
0x418: {  	[tilespmem:s10+$0x8080] =	vst v4;
	s3 =	sshll.u32 s18, $0x9;
	v8 =	vld [tilespmem:s23+$0x0];
	s23 =	sor.u32 s29, s5  }
0x419: {  	[tilespmem:s24+$0x8080] =	vst v5;
	s2 =	sadd.s32 $0x400, s3;
	s3 =	sor.u32 s29, s6;
	v4 =	vld [tilespmem:s23+$0x0]  }
0x41a: {  	[tilespmem:s8+$0x8080] =	vst v9;
	v5 =	vld [tilespmem:s3+$0x0];
	s23 =	sor.u32 s29, s11;
	s3 =	sadd.s32 $0x180, s2  }
0x41b: {  	v9 =	vld [tilespmem:s23+$0x0];
	[tilespmem:s7+$0x8080] =	vst v7;
	s18 =	sor.u32 $0x4400, s3;
	s3 =	sor.u32 s29, s13  }
0x41c: {  	v7 =	vld [tilespmem:s3+$0x0];
	s3 =	sor.u32 s29, s12;
	[tilespmem:s18+$0x8080] =	vst v10  }
0x41d: {  	v10 =	vld [tilespmem:s3+$0x0];
	[dreg:$0x14] =	wrdreg s1  }
0x41e: {  	s3 =	sadd.s32 s19, s0;
	[tilespmem:s1+$0x80A0] =	vst v6  }
0x41f: {  	v6 =	vld.idx.msk [tilespmem:v2+s3+$0x0 ss:$0x1], $0xffff;
	[tilespmem:s10+$0x8090] =	vst v4;
	s1 =	sor.u32 s30, s5  }
0x420: {  	[tilespmem:s24+$0x8090] =	vst v5;
	s3 =	sor.u32 s30, s6;
	v4 =	vld [tilespmem:s1+$0x0]  }
0x421: {  	v5 =	vld [tilespmem:s3+$0x0];
	[tilespmem:s8+$0x8090] =	vst v9;
	s1 =	sor.u32 s30, s11  }
0x422: {  	s3 =	sor.u32 s30, s13;
	v9 =	vld [tilespmem:s1+$0x0];
	[tilespmem:s7+$0x8090] =	vst v7  }
0x423: {  	s1 =	sor.u32 s30, s12;
	v7 =	vld [tilespmem:s3+$0x0];
	[tilespmem:s18+$0x8090] =	vst v10  }
0x424: {  	v10 =	vld [tilespmem:s1+$0x0];
	[dreg:$0x11] =	wrdreg s9  }
0x425: {  	s3 =	simm.s32 $0x800;
	[tilespmem:s9+$0x80A0] =	vst v8  }
0x426: {  	[dreg:$0x17] =	wrdreg s3  }
0x427: {  	[tilespmem:s10+$0x80A0] =	vst v4  }
0x428: {  	[tilespmem:s24+$0x80A0] =	vst v5  }
0x429: {  	s9 =	sadd.s32 s31, s0;
	[tilespmem:s8+$0x80A0] =	vst v9  }
0x42a: {  	s5 =	sor.u32 s26, s5;
	v8 =	vld.idx.msk [tilespmem:v2+s9+$0x0 ss:$0x1], $0xffff;
	[tilespmem:s7+$0x80A0] =	vst v7  }
0x42b: {  	s23 =	sor.u32 s26, s6;
	v4 =	vld [tilespmem:s5+$0x0];
	s9 =	sld [smem:$0x7A3]  }
0x42c: {  	s1 =	sor.u32 s26, s11;
	v5 =	vld [tilespmem:s23+$0x0];
	[tilespmem:s20+$0x80F0] =	vst v6  }
0x42d: {  	s3 =	sor.u32 s26, s13;
	v9 =	vld [tilespmem:s1+$0x0];
	[tilespmem:s18+$0x80A0] =	vst v10  }
0x42e: {  	s6 =	sor.u32 s26, s12;
	v7 =	vld [tilespmem:s3+$0x0];
	s11 =	rddreg [dreg:$0x8];
	s23 =	sor.u32 $0x4080, s9  }
0x42f: {  	s0 =	sadd.s32 s15, s0;
	v6 =	vld [tilespmem:s6+$0x0];
	s13 =	sadd.s32 s11, s23;
	[tilespmem:s17+$0x80F0] =	vst v8  }
0x430: {  	[tilespmem:s10+$0x80B0] =	vst v4;
	s20 =	sadd.s32 s14, s13;
	v4 =	vld.idx.msk [tilespmem:v2+s0+$0x0 ss:$0x1], $0xffff  }
0x431: {  	s1 =	sadd.s32 s25, s13;
	[tilespmem:s24+$0x80B0] =	vst v5;
	v5 =	vld.idx.msk [tilespmem:v0+s20+$0x0 ss:$0x1], $0xffff  }
0x432: {  	s3 =	sadd.s32 s21, s13;
	[tilespmem:s8+$0x80B0] =	vst v9;
	v10 =	vld.idx.msk [tilespmem:v0+s1+$0x0 ss:$0x1], $0xffff  }
0x433: {  	s5 =	sadd.s32 s31, s4;
	s0 =	sor.u32 s19, s4;
	[tilespmem:s7+$0x80B0] =	vst v7;
	s1 =	sadd.s32 s22, s13;
	v9 =	vld.idx.msk [tilespmem:v0+s3+$0x0 ss:$0x1], $0xffff  }
0x434: {  	s11 =	sor.u32 s28, s0;
	s13 =	sor.u32 s28, s5;
	v7 =	vld.idx.msk [tilespmem:v0+s1+$0x0 ss:$0x1], $0xffff;
	[tilespmem:s18+$0x80B0] =	vst v6  }
0x435: {  	s18 =	smov.u32 s7;
	s7 =	sor.u32 s15, s4;
	v6 =	vld [tilespmem:s11+$0x0];
	s20 =	rddreg [dreg:$0x9];
	[tilespmem:s16+$0x80F0] =	vst v4  }
0x436: {  	v8 =	vld [tilespmem:s13+$0x0];
	s17 =	sor.u32 s28, s7;
	[tilespmem:s10+$0x80C0] =	vst v5  }
0x437: {  	s12 =	smov.u32 s24;
	s31 =	sadd.s32 s20, s23;
	v5 =	vld [tilespmem:s17+$0x0];
	[tilespmem:s24+$0x80C0] =	vst v10  }
0x438: {  	s19 =	smov.u32 s25;
	s4 =	sor.u32 $0x4400, s2;
	s13 =	sadd.s32 s14, s31;
	[tilespmem:s8+$0x80C0] =	vst v9  }
0x439: {  	s15 =	sadd.s32 s25, s31;
	s16 =	sadd.s32 s21, s31;
	s17 =	sadd.s32 $0x80, s2;
	v10 =	vld.idx.msk [tilespmem:v1+s13+$0x0 ss:$0x1], $0xffff;
	[tilespmem:s18+$0x80C0] =	vst v7  }
0x43a: {  	s20 =	sadd.s32 s22, s31;
	s2 =	sadd.s32 $0x100, s2;
	v11 =	vld.idx.msk [tilespmem:v1+s15+$0x0 ss:$0x1], $0xffff;
	s13 =	sor.u32 $0x4400, s17;
	[tilespmem:s4+$0x8080] =	vst v6  }
0x43b: {  	s25 =	sor.u32 s29, s5;
	s31 =	sor.u32 s29, s7;
	v12 =	vld.idx.msk [tilespmem:v1+s16+$0x0 ss:$0x1], $0xffff;
	s16 =	sor.u32 $0x4400, s2;
	[tilespmem:s13+$0x8080] =	vst v8  }
0x43c: {  	s24 =	sor.u32 s29, s0;
	s29 =	smov.u32 s9;
	v13 =	vld.idx.msk [tilespmem:v1+s20+$0x0 ss:$0x1], $0xffff;
	s9 =	rddreg [dreg:$0xa];
	[tilespmem:s16+$0x8080] =	vst v5  }
0x43d: {  	s3 =	simm.s32 $0x8;
	s28 =	smov.u32 s4;
	v14 =	vld [tilespmem:s24+$0x0];
	s11 =	sld [smem:$0x7A4]  }
0x43e: {  	s2 =	simm.s32 $0xC00;
	v4 =	vld [tilespmem:s25+$0x0];
	s1 =	sadd.s32 s9, s23;
	s15 =	sld [smem:$0x7A5];
	[tilespmem:s10+$0x80D0] =	vst v10  }
0x43f: {  	s25 =	sor.u32 s30, s0;
	s0 =	sor.u32 s26, s0;
	s17 =	sadd.s32 s14, s1;
	v5 =	vld [tilespmem:s31+$0x0];
	[tilespmem:s12+$0x80D0] =	vst v11  }
0x440: {  	s9 =	smov.u32 s21;
	s20 =	sadd.s32 s19, s1;
	v9 =	vld.idx.msk [tilespmem:v3+s17+$0x0 ss:$0x1], $0xffff;
	[smem:$0x7A6] =	sst s0  }
0x441: {  	s21 =	sadd.s32 s21, s1;
	s31 =	sadd.s32 s22, s1;
	s17 =	sor.u32 s30, s7;
	v8 =	vld.idx.msk [tilespmem:v3+s20+$0x0 ss:$0x1], $0xffff;
	[tilespmem:s8+$0x80D0] =	vst v12  }
0x442: {  	s0 =	simm.s32 $0x600;
	[tilespmem:s18+$0x80D0] =	vst v13;
	s20 =	sor.u32 s26, s7;
	s11 =	sor.u32 s26, s11;
	v7 =	vld.idx.msk [tilespmem:v3+s21+$0x0 ss:$0x1], $0xffff  }
0x443: {  	[tilespmem:s4+$0x8090] =	vst v14;
	s24 =	sor.u32 s26, s15;
	s15 =	sor.u32 s30, s5;
	s30 =	sor.u32 s26, s5;
	v6 =	vld.idx.msk [tilespmem:v3+s31+$0x0 ss:$0x1], $0xffff  }
.LBB2_8:
0x444: {  	[smem:$0x797] =	sst s20  }
0x445: {  	[smem:$0x79B] =	sst s8  }
0x446: {  	[smem:$0x798] =	sst s12  }
0x447: {  	[smem:$0x796] =	sst s30  }
0x448: {  	[smem:$0x79D] =	sst s18  }
0x449: {  	s21 =	rddreg [dreg:$0xb]  }
0x44a: {  	[smem:$0x793] =	sst s13  }
0x44b: {  	s1 =	sand.u32 $0x3800, s2;
	s30 =	sand.u32 $0x200, s0;
	[smem:$0x794] =	sst s16  }
0x44c: {  	s3 =	sadd.s32 $0x4, s3;
	p4 =	por !p4, !p4;
	[smem:$0x78F] =	sst s1  }
0x44d: {  	s5 =	sor.u32 $0x4000, s1;
	[dreg:$0x1e] =	wrdreg s3;
	s6 =	sadd.s32 s21, s23  }
0x44e: {  	s4 =	sor.u32 $0x180, s30;
	p5 =	slt.u32 s3, $0x3C;
	s1 =	smov.u32 s13;
	[tilespmem:s13+$0x8090] =	vst v4  }
0x44f: {  	s26 =	sor.u32 $0x80, s30;
	s7 =	sor.u32 $0x100, s30;
	[smem:$0x790] =	sst s4;
	[tilespmem:s16+$0x8090] =	vst v5  }
0x450: {  	v10 =	vld [tilespmem:s25+$0x0];
	s3 =	smov.u32 s28;
	[smem:$0x791] =	sst s26;
	s31 =	sor.u32 s30, s5;
	[tilespmem:s10+$0x80E0] =	vst v9  }
0x451: {  	s25 =	sadd.s32 s14, s6;
	[smem:$0x792] =	sst s7;
	s13 =	sor.u32 $0x80, s31;
	v4 =	vld [tilespmem:s15+$0x0];
	[tilespmem:s12+$0x80E0] =	vst v8  }
0x452: {  	v5 =	vld [tilespmem:s17+$0x0];
	s15 =	smov.u32 s16;
	s16 =	sor.u32 s4, s5;
	[tilespmem:s8+$0x80E0] =	vst v7;
	s12 =	rddreg [dreg:$0x6]  }
0x453: {  	[tilespmem:s18+$0x80E0] =	vst v6;
	s4 =	smov.u32 s22;
	s18 =	simm.s32 $0x1;
	v8 =	vld.idx.msk [tilespmem:v2+s25+$0x0 ss:$0x1], $0xffff;
	s25 =	sor.u32 s26, s5  }
0x454: {  	s17 =	sadd.s32 $0x80, s16;
	v7 =	vld [tilespmem:s11+$0x0];
	s26 =	sor.u32 s7, s5;
	s11 =	sor.u32 s12, s13  }
0x455: {  	v6 =	vld [tilespmem:s24+$0x0];
	[tilespmem:s28+$0x80A0] =	vst v10;
	s28 =	sor.u32 $0x4480, s29;
	s29 =	rddreg [dreg:$0x7];
	s18 =	simm.s32 @!p4 $0x0  }
0x456: {  	s8 =	sor.u32 s12, s17;
	s21 =	sadd.s32 $0x80, s25;
	s22 =	sor.u32 $0x80, s26;
	v10 =	vld [tilespmem:s11+$0x0]  }
0x457: {  	s7 =	sor.u32 s29, s13;
	s11 =	rddreg [dreg:$0x5];
	v9 =	vld [tilespmem:s8+$0x0];
	s20 =	sor.u32 s12, s21;
	[tilespmem:s1+$0x80A0] =	vst v4  }
0x458: {  	s24 =	sadd.s32 s14, s28;
	s5 =	sor.u32 s29, s17;
	v4 =	vld [tilespmem:s20+$0x0];
	s20 =	sld [smem:$0x7A6]  }
0x459: {  	s18 =	sshll.u32 s18, $0x9;
	s23 =	sor.u32 s12, s22;
	s14 =	sor.u32 s29, s22;
	[tilespmem:s15+$0x80A0] =	vst v5  }
0x45a: {  	s8 =	sor.u32 s12, s24;
	s1 =	sor.u32 s29, s21;
	v5 =	vld [tilespmem:s23+$0x0];
	[tilespmem:s10+$0x80F0] =	vst v8;
	s10 =	rddreg [dreg:$0x14]  }
0x45b: {  	s15 =	sor.u32 s11, s13;
	[tilespmem:s10+$0x80B0] =	vst v7;
	s10 =	sadd.s32 s4, s6;
	v7 =	vld [tilespmem:s20+$0x0];
	s20 =	rddreg [dreg:$0x4]  }
0x45c: {  	s23 =	sor.u32 s11, s21;
	v8 =	vld [tilespmem:s8+$0x0];
	[tilespmem:s16+$0x8080] =	vst v9;
	[smem:$0x799] =	sst s10;
	s21 =	sor.u32 s20, s21  }
0x45d: {  	s8 =	sor.u32 s11, s22;
	s10 =	sadd.s32 s9, s28;
	[tilespmem:s31+$0x8080] =	vst v10;
	v9 =	vld [tilespmem:s5+$0x0];
	[smem:$0x795] =	sst s21  }
0x45e: {  	v10 =	vld [tilespmem:s7+$0x0];
	s5 =	sor.u32 s20, s22;
	s7 =	sadd.s32 s19, s6;
	s21 =	rddreg [dreg:$0x17];
	[tilespmem:s25+$0x8080] =	vst v4  }
0x45f: {  	s22 =	sadd.s32 s9, s6;
	s9 =	sor.u32 s29, s24;
	[tilespmem:s26+$0x8080] =	vst v5;
	s21 =	sadd.s32 s18, s21;
	v4 =	vld [tilespmem:s1+$0x0]  }
0x460: {  	v5 =	vld [tilespmem:s14+$0x0];
	s14 =	sor.u32 s19, s28;
	s19 =	sor.u32 s12, s10;
	s1 =	smov.u32 s0  }
0x461: {  	s0 =	sor.u32 s11, s10;
	s18 =	sadd.s32 $0x180, s21;
	s6 =	sor.u32 s12, s14  }
0x462: {  	[smem:$0x79C] =	sst s19;
	s19 =	sor.u32 s4, s28;
	s18 =	sor.u32 $0x4400, s18;
	[tilespmem:s3+$0x80B0] =	vst v7  }
0x463: {  	[smem:$0x79A] =	sst s6;
	s6 =	sor.u32 s11, s17;
	s3 =	sor.u32 s12, s19;
	[tilespmem:s18+$0x8080] =	vst v8;
	v7 =	vld.idx.msk [tilespmem:v2+s7+$0x0 ss:$0x1], $0xffff  }
0x464: {  	s12 =	sor.u32 s29, s14;
	[smem:$0x79E] =	sst s3;
	[tilespmem:s31+$0x8090] =	vst v10;
	s3 =	sor.u32 $0x4400, s21;
	v8 =	vld [tilespmem:s9+$0x0]  }
0x465: {  	[smem:$0x79F] =	sst s12;
	[tilespmem:s16+$0x8090] =	vst v9;
	s9 =	sadd.s32 $0x80, s21;
	v10 =	vld [tilespmem:s15+$0x0];
	s15 =	sor.u32 s29, s10  }
0x466: {  	v9 =	vld [tilespmem:s6+$0x0];
	s6 =	sadd.s32 $0x100, s21;
	[smem:$0x7A0] =	sst s15;
	s21 =	sor.u32 s29, s19  }
0x467: {  	s4 =	sor.u32 s11, s24;
	s7 =	sor.u32 $0x4400, s9;
	[smem:$0x7A1] =	sst s21  }
0x468: {  	[tilespmem:s25+$0x8090] =	vst v4;
	s15 =	sor.u32 s11, s19;
	s21 =	sor.u32 s20, s10;
	s10 =	rddreg [dreg:$0x11]  }
0x469: {  	[tilespmem:s26+$0x8090] =	vst v5;
	s9 =	sor.u32 $0x4400, s6;
	v4 =	vld [tilespmem:s23+$0x0];
	s6 =	sor.u32 s11, s14;
	s11 =	sld [smem:$0x78F]  }
0x46a: {  	v5 =	vld [tilespmem:s8+$0x0];
	s23 =	sor.u32 s20, s14;
	s8 =	sld [smem:$0x796]  }
0x46b: {  	[smem:$0x7A6] =	sst s23  }
0x46c: {  	[tilespmem:s10+$0x80B0] =	vst v6;
	s10 =	sld [smem:$0x791]  }
0x46d: {  	s12 =	sor.u32 s20, s17;
	s23 =	sld [smem:$0x790]  }
0x46e: {  	s17 =	smov.u32 s30;
	s30 =	smov.u32 s21;
	s21 =	sld [smem:$0x798];
	[tilespmem:s18+$0x8090] =	vst v8  }
0x46f: {  	v8 =	vld [tilespmem:s4+$0x0];
	[tilespmem:s16+$0x80A0] =	vst v9;
	s28 =	smov.u32 s10;
	s10 =	smov.u32 s16;
	s16 =	sld [smem:$0x794]  }
0x470: {  	s29 =	smov.u32 s11;
	s11 =	sld [smem:$0x792]  }
0x471: {  	s13 =	sor.u32 s20, s13;
	s19 =	sor.u32 s20, s19;
	[tilespmem:s31+$0x80A0] =	vst v10;
	v9 =	vld [tilespmem:s12+$0x0];
	s12 =	sld [smem:$0x793]  }
0x472: {  	s14 =	smov.u32 s23;
	v10 =	vld [tilespmem:s13+$0x0];
	[tilespmem:s21+$0x80F0] =	vst v7;
	s21 =	sld [smem:$0x799];
	s23 =	smov.u32 s16  }
0x473: {  	s16 =	smov.u32 s9;
	s9 =	sor.u32 s20, s24;
	s20 =	rddreg [dreg:$0x8]  }
0x474: {  	[tilespmem:s26+$0x80A0] =	vst v5;
	s13 =	smov.u32 s12;
	s12 =	sld [smem:$0x797]  }
0x475: {  	v5 =	vld [tilespmem:s5+$0x0];
	[dreg:$0x14] =	wrdreg s13  }
0x476: {  	v6 =	vld.idx.msk [tilespmem:v2+s22+$0x0 ss:$0x1], $0xffff;
	s13 =	smov.u32 s7;
	s7 =	sld [smem:$0x795];
	[tilespmem:s18+$0x80A0] =	vst v8  }
0x477: {  	[dreg:$0x11] =	wrdreg s23;
	v7 =	vld [tilespmem:s9+$0x0]  }
0x478: {  	[tilespmem:s25+$0x80A0] =	vst v4;
	s23 =	sor.u32 $0x4080, s29;
	v8 =	vld.idx.msk [tilespmem:v2+s21+$0x0 ss:$0x1], $0xffff;
	s21 =	rddreg [dreg:$0x9]  }
0x479: {  	[tilespmem:s10+$0x80B0] =	vst v9;
	s24 =	smov.u32 s12;
	s12 =	smov.u32 s31;
	v4 =	vld [tilespmem:s7+$0x0];
	s7 =	sadd.s32 s20, s23  }
0x47a: {  	[tilespmem:s26+$0x80B0] =	vst v5;
	s20 =	smov.u32 s19;
	s19 =	smov.u32 s17;
	s4 =	sadd.s32 s14, s7  }
0x47b: {  	s22 =	smov.u32 s11;
	s9 =	sld [smem:$0x79A];
	[tilespmem:s12+$0x80B0] =	vst v10;
	s5 =	sadd.s32 s19, s7;
	v9 =	vld.idx.msk [tilespmem:v0+s4+$0x0 ss:$0x1], $0xffff  }
0x47c: {  	s31 =	sadd.s32 s22, s7;
	v10 =	vld.idx.msk [tilespmem:v0+s5+$0x0 ss:$0x1], $0xffff;
	[tilespmem:s18+$0x80B0] =	vst v7;
	s18 =	sld [smem:$0x79B]  }
0x47d: {  	s11 =	smov.u32 s8;
	v5 =	vld.idx.msk [tilespmem:v0+s31+$0x0 ss:$0x1], $0xffff;
	s31 =	sld [smem:$0x79C]  }
0x47e: {  	s17 =	smov.u32 s15;
	s15 =	smov.u32 s0;
	s8 =	sadd.s32 s28, s7;
	v7 =	vld [tilespmem:s9+$0x0];
	[tilespmem:s25+$0x80B0] =	vst v4  }
0x47f: {  	s0 =	smov.u32 s1;
	s1 =	sadd.s32 s21, s23;
	s5 =	sld [smem:$0x79D];
	v4 =	vld.idx.msk [tilespmem:v0+s8+$0x0 ss:$0x1], $0xffff;
	[tilespmem:s18+$0x80F0] =	vst v6  }
0x480: {  	s21 =	sadd.s32 s14, s1;
	s18 =	smov.u32 s26;
	s26 =	sld [smem:$0x79E];
	v6 =	vld [tilespmem:s31+$0x0];
	[tilespmem:s10+$0x80C0] =	vst v9  }
0x481: {  	s8 =	smov.u32 s25;
	s25 =	smov.u32 s6;
	s6 =	sadd.s32 s19, s1;
	[tilespmem:s12+$0x80C0] =	vst v10;
	v9 =	vld.idx.msk [tilespmem:v1+s21+$0x0 ss:$0x1], $0xffff  }
0x482: {  	[tilespmem:s5+$0x80F0] =	vst v8;
	s31 =	sld [smem:$0x79F];
	v10 =	vld.idx.msk [tilespmem:v1+s6+$0x0 ss:$0x1], $0xffff  }
0x483: {  	s9 =	sadd.s32 s28, s1;
	s1 =	sadd.s32 s22, s1;
	v8 =	vld [tilespmem:s26+$0x0];
	[tilespmem:s18+$0x80C0] =	vst v5  }
0x484: {  	s5 =	sld [smem:$0x7A0];
	[tilespmem:s3+$0x8080] =	vst v7;
	v12 =	vld.idx.msk [tilespmem:v1+s1+$0x0 ss:$0x1], $0xffff  }
0x485: {  	s4 =	rddreg [dreg:$0xa];
	v13 =	vld [tilespmem:s31+$0x0];
	[tilespmem:s8+$0x80C0] =	vst v4  }
0x486: {  	s1 =	sadd.s32 s4, s23;
	v11 =	vld.idx.msk [tilespmem:v1+s9+$0x0 ss:$0x1], $0xffff;
	[tilespmem:s13+$0x8080] =	vst v6  }
0x487: {  	s31 =	sld [smem:$0x7A1];
	s26 =	sadd.s32 s14, s1;
	v4 =	vld [tilespmem:s5+$0x0];
	[tilespmem:s10+$0x80D0] =	vst v9  }
.Ltmp3:
0x488: {  	s6 =	sadd.s32 s19, s1;
	[tilespmem:s12+$0x80D0] =	vst v10;
	v9 =	vld.idx.msk [tilespmem:v3+s26+$0x0 ss:$0x1], $0xffff;
	(pc) =	sbr.rel @p5 .LBB2_8-.Ltmp3, $4  }
0x489: {  	[tilespmem:s16+$0x8080] =	vst v8;
	v8 =	vld.idx.msk [tilespmem:v3+s6+$0x0 ss:$0x1], $0xffff  }
0x48a: {  	s7 =	smov.u32 s2;
	s21 =	sadd.s32 s28, s1;
	s1 =	sadd.s32 s22, s1;
	v5 =	vld [tilespmem:s31+$0x0];
	[tilespmem:s18+$0x80D0] =	vst v12  }
0x48b: {  	s0 =	sadd.s32 $0x200, s0;
	s2 =	sadd.s32 $0x400, s2;
	[dreg:$0x17] =	wrdreg s7;
	v6 =	vld.idx.msk [tilespmem:v3+s1+$0x0 ss:$0x1], $0xffff;
	[tilespmem:s8+$0x80D0] =	vst v11  }
0x48c: {  	s9 =	smov.u32 s28;
	s28 =	smov.u32 s3;
	[tilespmem:s3+$0x8090] =	vst v13;
	s3 =	rddreg [dreg:$0x1e];
	v7 =	vld.idx.msk [tilespmem:v3+s21+$0x0 ss:$0x1], $0xffff  }
0x48d: {  	_ = 	snop  }
0x48e: {  	s0 =	rddreg [dreg:$0xb]  }
0x48f: {  	s1 =	sadd.s32 s0, s23  }
0x490: {  	[tilespmem:s10+$0x80E0] =	vst v9;
	s0 =	sadd.s32 s14, s1  }
0x491: {  	v0 =	vld.idx.msk [tilespmem:v2+s0+$0x0 ss:$0x1], $0xffff  }
0x492: {  	v1 =	vld [tilespmem:s25+$0x0];
	[tilespmem:s12+$0x80E0] =	vst v8;
	s25 =	sadd.s32 s19, s1  }
0x493: {  	v3 =	vld.idx.msk [tilespmem:v2+s25+$0x0 ss:$0x1], $0xffff  }
0x494: {  	[tilespmem:s18+$0x80E0] =	vst v6  }
0x495: {  	v58 =	vld [tilespmem:s11+$0x0];
	[tilespmem:s8+$0x80E0] =	vst v7  }
0x496: {  	s2 =	sor.u32 $0x4480, s29;
	[tilespmem:s10+$0x80F0] =	vst v0  }
0x497: {  	p4 =	por !p4, !p4;
	s26 =	sadd.s32 s9, s1;
	s29 =	rddreg [dreg:$0x6];
	[tilespmem:s28+$0x80A0] =	vst v1  }
0x498: {  	s1 =	sadd.s32 s22, s1;
	s0 =	sadd.s32 s14, s2;
	v7 =	vld.idx.msk [tilespmem:v2+s26+$0x0 ss:$0x1], $0xffff;
	s3 =	sld [smem:$0x7A6];
	[tilespmem:s12+$0x80F0] =	vst v3  }
0x499: {  	v59 =	vld.idx.msk [tilespmem:v2+s1+$0x0 ss:$0x1], $0xffff;
	s1 =	simm.s32 $0x1;
	s5 =	sor.u32 s29, s0;
	s4 =	rddreg [dreg:$0x14]  }
0x49a: {  	s1 =	simm.s32 @!p4 $0x0;
	v60 =	vld [tilespmem:s5+$0x0];
	[tilespmem:s4+$0x80B0] =	vst v58  }
0x49b: {  	s1 =	sshll.u32 s1, $0x9;
	s5 =	sor.u32 s19, s2;
	s31 =	rddreg [dreg:$0x17]  }
0x49c: {  	s7 =	smov.u32 s9;
	s6 =	sor.u32 s29, s5;
	v1 =	vld [tilespmem:s3+$0x0];
	s1 =	sadd.s32 s1, s31  }
0x49d: {  	s4 =	sadd.s32 s7, s2;
	s2 =	sor.u32 s22, s2;
	v3 =	vld [tilespmem:s6+$0x0];
	[tilespmem:s8+$0x80F0] =	vst v7;
	s22 =	sadd.s32 $0x180, s1  }
0x49e: {  	[tilespmem:s18+$0x80F0] =	vst v59;
	s7 =	sor.u32 $0x4400, s22  }
0x49f: {  	v61 =	vld [tilespmem:s24+$0x0];
	s23 =	sor.u32 s29, s4;
	[tilespmem:s7+$0x8080] =	vst v60  }
0x4a0: {  	s24 =	sor.u32 s29, s2;
	v7 =	vld [tilespmem:s23+$0x0];
	s10 =	rddreg [dreg:$0x7]  }
0x4a1: {  	v0 =	vld [tilespmem:s24+$0x0];
	s26 =	sor.u32 $0x4400, s1;
	[tilespmem:s28+$0x80B0] =	vst v1;
	s25 =	sor.u32 s10, s0  }
0x4a2: {  	[tilespmem:s26+$0x8080] =	vst v3;
	v2 =	vld [tilespmem:s25+$0x0]  }
0x4a3: {  	s28 =	sadd.s32 $0x80, s1;
	s31 =	rddreg [dreg:$0x11]  }
0x4a4: {  	s1 =	sadd.s32 $0x100, s1;
	s8 =	sor.u32 $0x4400, s28;
	[tilespmem:s31+$0x80B0] =	vst v61  }
0x4a5: {  	s1 =	sor.u32 $0x4400, s1;
	[tilespmem:s8+$0x8080] =	vst v7  }
0x4a6: {  	s29 =	sor.u32 s10, s5;
	[tilespmem:s1+$0x8080] =	vst v0  }
0x4a7: {  	s3 =	sor.u32 s10, s4;
	v62 =	vld [tilespmem:s29+$0x0];
	[tilespmem:s7+$0x8090] =	vst v2  }
0x4a8: {  	s11 =	sor.u32 s10, s2;
	v63 =	vld [tilespmem:s3+$0x0];
	s12 =	rddreg [dreg:$0x5]  }
0x4a9: {  	v0 =	vld [tilespmem:s11+$0x0];
	s14 =	sor.u32 s12, s0  }
0x4aa: {  	[tilespmem:s13+$0x8090] =	vst v4;
	v2 =	vld [tilespmem:s14+$0x0]  }
0x4ab: {  	[tilespmem:s16+$0x8090] =	vst v5;
	v4 =	vld [tilespmem:s15+$0x0]  }
0x4ac: {  	[tilespmem:s26+$0x8090] =	vst v62;
	v5 =	vld [tilespmem:s17+$0x0]  }
0x4ad: {  	[tilespmem:s8+$0x8090] =	vst v63;
	s18 =	sor.u32 s12, s5  }
0x4ae: {  	[tilespmem:s1+$0x8090] =	vst v0;
	s19 =	sor.u32 s12, s4;
	v1 =	vld [tilespmem:s18+$0x0]  }
0x4af: {  	s21 =	sor.u32 s12, s2;
	v3 =	vld [tilespmem:s19+$0x0];
	[tilespmem:s7+$0x80A0] =	vst v2  }
0x4b0: {  	v0 =	vld [tilespmem:s21+$0x0];
	s22 =	rddreg [dreg:$0x4];
	[tilespmem:s13+$0x80A0] =	vst v4  }
0x4b1: {  	[tilespmem:s16+$0x80A0] =	vst v5;
	v4 =	vld [tilespmem:s30+$0x0]  }
0x4b2: {  	s0 =	sor.u32 s22, s0;
	v5 =	vld [tilespmem:s20+$0x0]  }
0x4b3: {  	[tilespmem:s26+$0x80A0] =	vst v1;
	s23 =	sor.u32 s22, s5;
	v2 =	vld [tilespmem:s0+$0x0]  }
0x4b4: {  	[tilespmem:s8+$0x80A0] =	vst v3;
	s24 =	sor.u32 s22, s4;
	v1 =	vld [tilespmem:s23+$0x0]  }
0x4b5: {  	[tilespmem:s1+$0x80A0] =	vst v0;
	s2 =	sor.u32 s22, s2;
	v3 =	vld [tilespmem:s24+$0x0]  }
0x4b6: {  	v0 =	vld [tilespmem:s2+$0x0];
	[tilespmem:s13+$0x80B0] =	vst v4  }
0x4b7: {  	[tilespmem:s16+$0x80B0] =	vst v5  }
0x4b8: {  	[tilespmem:s7+$0x80B0] =	vst v2  }
0x4b9: {  	[tilespmem:s26+$0x80B0] =	vst v1  }
0x4ba: {  	[tilespmem:s8+$0x80B0] =	vst v3  }
0x4bb: {  	[tilespmem:s1+$0x80B0] =	vst v0  }
0x4bc: {  	s25 =	sld [smem:$0x7FC];
	_ =	sdelay $0x1  }
0x4bd: {  	s28 =	simm.s32 $0x3;
	s15 =	simm.s32 $0x0;
	s26 =	simm.s32 $0xC080  }
0x4be: {  	[hbm4b:s25+s15] =	stream.linear.scatter [tilespmem:s26], [sflag:$0x4], $0x4000, $0x38;
	[tilespmem:$0x10080] =	vst v63  }
0x4bf: {  	_ =	swait.ge [sflag:s28], $0x4000  }
0x4c0: {  	[sflag:s28] =	ssyncset.done $0x0  }
0x4c1: {  	s29 =	simm.s32 $0x4;
	[sflag:s28] =	ssyncadd.s32 $0xFFFFC000  }
0x4c2: {  	_ =	swait.ge [sflag:s29], $0x4000  }
0x4c3: {  	s30 =	sld [smem:$0x7EE]  }
0x4c4: {  	s31 =	sld [smem:$0x7FD];
	_ =	sdelay $0x1  }
0x4c5: {  	s2 =	sadd.s32 $0x1, s30  }
0x4c6: {  	p4 =	sne.s32 s2, s31  }
.Ltmp4:
0x4c7: {  	_ = 	snop;
	(pc) =	sbr.rel @p4 .LBB2_1-.Ltmp4, $3  }
0x4c8: {  	_ =	sdelay $0x1  }
0x4c9: {  	[sflag:s29] =	ssyncset.done $0x0  }
0x4ca: {  	[sflag:s29] =	ssyncadd.s32 $0xFFFFC000  }
0x4cb: {  	_ =	sfence.sel $0x180000  }
0x4cc: {  	[bflag:$0x0] =	sbarrier.arrive $0xFFFF  }
0x4cd: {  	_ =	strace $0x90000047  }
0x4ce: {  	s0 =	stileid.u32;
	[bflag:$0x2] =	sbarrier.arrive $0xFFFF  }
0x4cf: {  	p0 =	sne.s32 s0, $0x0;
	s0 =	rddreg [dreg:$0x3]  }
0x4d0: {  	s0 =	sadd.s32 @!p0 $0x100000, s0  }
0x4d1: {  	[sflag:s0] =	ssyncadd.tile.s32 @!p0 $0x1;
	_ =	shalt  }
.Lfunc_end2:
_tile_overlayer_lowered:
.L_overlay_start_2:
0x4d2: {  	(tag) =	ssettag $0x2  }
0x4d3: {  	s0 =	rddreg [dreg:$0x0];
	s2 =	stileid.u32  }
0x4d4: {  	s1 =	rddreg [dreg:$0x1];
	p0 =	sne.s32 s2, $0x0  }
0x4d5: {  	s3 =	rddreg [dreg:$0x2];
	[bflag:$0x3] =	sbarrier.arrive $0xFFFF;
	s2 =	simm.s32 @!p0 $0x1C05  }
0x4d6: {  	[timem:s3], [sflag:s2] =	dma.local @!p0 [hbm:s0], s1  }
0x4d7: {  	s0 =	simm.s32 @!p0 $0x5  }
0x4d8: {  	_ =	swait.ge @!p0 [sflag:s0], s1  }
0x4d9: {  	s1 =	ssub.s32 @!p0 $0x0, s1;
	[sflag:s0] =	ssyncset.done @!p0 $0x0  }
0x4da: {  	[sflag:s0] =	ssyncadd.s32 @!p0 s1  }
0x4db: {  	[bflag:$0x3] =	sbarrier.arrive $0xFFFF  }
0x4dc: {  	_ =	shalt  }

</sc_bundles>
